<compile_context>
chip_gen: v7x
topology: tpu7x:2x2x1
jax: 0.10.2.dev20260603
libtpu: 0.0.44.dev20260713+nightly
codegen_flags: <defaults>
</compile_context>

<pallas_src>
import functools

import jax
import jax.numpy as jnp
from jax import lax
from jax.experimental import pallas as pl
from jax.experimental.pallas import tpu as pltpu
from jax.experimental.pallas import tpu_sc as plsc

NC = 2
NS = 16
NW = NC * NS


def _tc_small(h, idx_r, idx_c, W_delta_w, W_entity_w, B, H, M):
    def body(h_ref, ir_ref, ic_ref, wd_ref, we_ref,
             v_ref, g_ref, sidx_ref):
        hh = h_ref[...]
        v_ref[...] = lax.dot_general(hh, wd_ref[...], (((1,), (1,)), ((), ())),
                                     preferred_element_type=jnp.float32)
        g_ref[...] = lax.dot_general(hh, we_ref[...], (((1,), (1,)), ((), ())),
                                     preferred_element_type=jnp.float32)
        ir = ir_ref[...]
        ic = ic_ref[...]
        eq = ir == ic
        bi = lax.broadcasted_iota(jnp.int32, (B, B), 1)
        last = jnp.max(jnp.where(eq, bi, -1), axis=1, keepdims=True)
        rowi = lax.broadcasted_iota(jnp.int32, (B, 1), 0)
        win = last == rowi
        sidx_ref[...] = jnp.where(win, ir, M)

    return pl.pallas_call(
        body,
        out_shape=[
            jax.ShapeDtypeStruct((B, H), jnp.float32),
            jax.ShapeDtypeStruct((B, H), jnp.float32),
            jax.ShapeDtypeStruct((B, 1), jnp.int32),
        ],
    )(h, idx_r, idx_c, W_delta_w, W_entity_w)


def _sc_update_scatter(entities, h, v, bias16, dist_flat, tvals, idx, sidx,
                       B, H, M):
    bpt = B // NW
    HC = H // 16
    mesh = plsc.VectorSubcoreMesh(core_axis_name="c", subcore_axis_name="s")

    @functools.partial(
        pl.kernel,
        out_type=[
            jax.ShapeDtypeStruct((M + 8, H), jnp.float32),
            jax.ShapeDtypeStruct((M,), jnp.float32),
            jax.ShapeDtypeStruct((M,), jnp.float32),
        ],
        mesh=mesh,
        scratch_types=[
            pltpu.VMEM((bpt,), jnp.int32),
            pltpu.VMEM((bpt,), jnp.int32),
            pltpu.VMEM((bpt, H), jnp.float32),
            pltpu.VMEM((bpt, H), jnp.float32),
            pltpu.VMEM((bpt, H), jnp.float32),
            pltpu.VMEM((16,), jnp.float32),
            pltpu.VMEM((M + 16,), jnp.float32),
            pltpu.VMEM((M + 16,), jnp.float32),
            pltpu.VMEM((B,), jnp.int32),
            pltpu.VMEM((B,), jnp.float32),
            pltpu.SemaphoreType.DMA,
            pltpu.SemaphoreType.DMA,
            pltpu.SemaphoreType.DMA,
            pltpu.SemaphoreType.DMA,
            pltpu.SemaphoreType.DMA,
        ],
        compiler_params=pltpu.CompilerParams(needs_layout_passes=False),
    )
    def k(ent_hbm, h_hbm, v_hbm, bias_hbm, dist_hbm, tv_hbm, idx_hbm,
          sidx_hbm, patch_hbm, mask_hbm, dout_hbm,
          idx_v, sidx_v, h_v, v_v, e_v, bias_v, dcol_v, msk_v, asidx_v, tv_v,
          s1, s2, s3, s4, gsem):
        cid = lax.axis_index("c")
        sid = lax.axis_index("s")
        wid = cid * NS + sid
        b0 = wid * bpt
        cp_i = pltpu.async_copy(idx_hbm.at[pl.ds(b0, bpt)], idx_v, s1)
        cp_s = pltpu.async_copy(sidx_hbm.at[pl.ds(b0, bpt)], sidx_v, s2)
        cp_h = pltpu.async_copy(h_hbm.at[pl.ds(b0, bpt)], h_v, s3)
        cp_v = pltpu.async_copy(v_hbm.at[pl.ds(b0, bpt)], v_v, s4)
        pltpu.sync_copy(bias_hbm, bias_v)
        cp_i.wait()
        pltpu.async_copy(ent_hbm.at[idx_v], e_v, gsem).wait()
        cp_h.wait()
        cp_v.wait()
        bias = bias_v[...]
        ones = jnp.ones((16,), jnp.float32)

        @pl.loop(0, bpt)
        def _row(r):
            acc = jnp.zeros((16,), jnp.float32)
            for kk in range(HC):
                acc = acc + (e_v[r, pl.ds(kk * 16, 16)] *
                             v_v[r, pl.ds(kk * 16, 16)])
            dl = jnp.sum(acc) + bias
            d = 1.0 / (1.0 + jnp.exp(-dl))
            nacc = jnp.zeros((16,), jnp.float32)
            for kk in range(HC):
                u = (d * e_v[r, pl.ds(kk * 16, 16)] +
                     (1.0 - d) * h_v[r, pl.ds(kk * 16, 16)])
                e_v[r, pl.ds(kk * 16, 16)] = u
                nacc = nacc + u * u
            nv = jnp.sum(nacc) * ones
            yi = plsc.bitcast(
                jnp.int32(0x5F3759DF) -
                lax.shift_right_logical(plsc.bitcast(nv, jnp.int32), 1),
                jnp.float32)
            for _ in range(4):
                yi = yi * (1.5 - 0.5 * nv * yi * yi)
            for kk in range(HC):
                e_v[r, pl.ds(kk * 16, 16)] = e_v[r, pl.ds(kk * 16, 16)] * yi

        cp_s.wait()
        pltpu.async_copy(e_v, patch_hbm.at[sidx_v], gsem).wait()

        @pl.when(jnp.logical_and(cid == 0, sid == 0))
        def _mask():
            zv = jnp.zeros((16,), jnp.float32)
            ov = jnp.ones((16,), jnp.float32)

            @pl.loop(0, (M + 16) // 16)
            def _z(i):
                msk_v[pl.ds(i * 16, 16)] = zv

            pltpu.sync_copy(sidx_hbm, asidx_v)
            for j in range(B // 16):
                vi = asidx_v[pl.ds(j * 16, 16)]
                plsc.store_scatter(msk_v, [vi], ov)
            pltpu.sync_copy(msk_v.at[pl.ds(0, M)], mask_hbm)

        @pl.when(jnp.logical_and(cid == 1, sid == 0))
        def _dist():
            pltpu.sync_copy(dist_hbm, dcol_v.at[pl.ds(0, M)])
            pltpu.sync_copy(sidx_hbm, asidx_v)
            pltpu.sync_copy(tv_hbm, tv_v)
            for j in range(B // 16):
                vi = asidx_v[pl.ds(j * 16, 16)]
                vv = tv_v[pl.ds(j * 16, 16)]
                plsc.store_scatter(dcol_v, [vi], vv)
            pltpu.sync_copy(dcol_v.at[pl.ds(0, M)], dout_hbm)

    return k(entities, h, v, bias16, dist_flat, tvals, idx, sidx)


def _tc_score(g, entities, patch, mask2d, drow2d, t, w00, wdb2, web, B, H, M):
    T = 2048

    def body(t_ref, w00_ref, wdb2_ref, web_ref, g_ref, e_ref, p_ref, m_ref,
             d_ref, out_ref):
        sel = jnp.where(m_ref[...] > 0, p_ref[...], e_ref[...])
        blk = lax.dot_general(g_ref[...], sel,
                              (((1,), (1,)), ((), ())),
                              preferred_element_type=jnp.float32)
        mean_t = jnp.sum(t_ref[...], keepdims=True) / B
        w00v = w00_ref[...]
        c0 = wdb2_ref[...] + web_ref[...] - mean_t * w00v
        out_ref[...] = blk + (d_ref[...] * w00v + c0)

    return pl.pallas_call(
        body,
        grid=(M // T,),
        in_specs=[
            pl.BlockSpec((B, 1), lambda i: (0, 0)),
            pl.BlockSpec((1, 1), lambda i: (0, 0)),
            pl.BlockSpec((1, 1), lambda i: (0, 0)),
            pl.BlockSpec((1, 1), lambda i: (0, 0)),
            pl.BlockSpec((B, H), lambda i: (0, 0)),
            pl.BlockSpec((T, H), lambda i: (i, 0)),
            pl.BlockSpec((T, H), lambda i: (i, 0)),
            pl.BlockSpec((T, 1), lambda i: (i, 0)),
            pl.BlockSpec((1, T), lambda i: (0, i)),
        ],
        out_specs=pl.BlockSpec((B, T), lambda i: (0, i)),
        out_shape=jax.ShapeDtypeStruct((B, M), jnp.float32),
        compiler_params=pltpu.CompilerParams(
            dimension_semantics=("parallel",)),
    )(t, w00, wdb2, web, g, entities, patch, mask2d, drow2d)


def kernel(entities, dist_features, h, t, W_delta_w, W_delta_b, W_entity_w,
           W_entity_b, w_dist_w, w_dist_b, idx):
    M, H = entities.shape
    B = h.shape[0]
    idx32 = idx.astype(jnp.int32)
    idx_r = idx32.reshape(B, 1)
    idx_c = idx32.reshape(1, B)

    v, g, sidx = _tc_small(h, idx_r, idx_c, W_delta_w, W_entity_w, B, H, M)
    bias16 = jnp.broadcast_to(W_delta_b.reshape(1), (16,))
    patch, mask, dout = _sc_update_scatter(
        entities, h, v, bias16, dist_features.reshape(M), t.reshape(B),
        idx32, sidx.reshape(B), B, H, M)
    pred = _tc_score(g, entities, patch, mask.reshape(M, 1),
                     dout.reshape(1, M), t,
                     w_dist_w.reshape(1, 1), w_dist_b.reshape(1, 1),
                     W_entity_b.reshape(1, 1), B, H, M)
    return pred

# --- scband reference (transcript-rebuilt; emitter-appended) ---
"""Pipeline reference for scband-entity-nlm-17351667876537 (READ-ONLY COPY).

The authoritative reference and input builder live on the scoring server;
editing this copy changes nothing except your own understanding.
"""

import jax, jax.numpy as jnp
import numpy as np

M = 16384
B = 1024
H = 256

def setup_inputs(seed: int = 0) -> dict:
    key = jax.random.key(seed)
    ks = jax.random.split(key, 10)
    entities = jax.random.normal(ks[0], (M, H), dtype=jnp.float32)
    entities = entities / jnp.linalg.norm(entities, axis=1, keepdims=True)
    dist_features = jax.random.uniform(ks[1], (M, 1), dtype=jnp.float32)
    h = jax.random.normal(ks[2], (B, H), dtype=jnp.float32)
    t = jax.random.uniform(ks[3], (B, 1), dtype=jnp.float32)
    idx = jax.random.randint(ks[4], (B,), 0, M)
    # learned parameters (bilinear W_delta, bilinear W_entity, linear w_dist)
    W_delta_w = jax.random.normal(ks[5], (H, H), dtype=jnp.float32) * 0.02
    W_delta_b = jnp.zeros((1,), dtype=jnp.float32)
    W_entity_w = jax.random.uniform(ks[6], (H, H), minval=-0.01, maxval=0.01, dtype=jnp.float32)
    W_entity_b = jnp.zeros((1,), dtype=jnp.float32)
    w_dist_w = jax.random.uniform(ks[7], (1, 1), minval=-0.01, maxval=0.01, dtype=jnp.float32)
    w_dist_b = jnp.zeros((1,), dtype=jnp.float32)
    return {"entities": entities, "dist_features": dist_features, "h": h, "t": t,
            "W_delta_w": W_delta_w, "W_delta_b": W_delta_b,
            "W_entity_w": W_entity_w, "W_entity_b": W_entity_b,
            "w_dist_w": w_dist_w, "w_dist_b": w_dist_b, "idx": idx}

def reference(entities, dist_features, h, t, W_delta_w, W_delta_b, W_entity_w, W_entity_b, w_dist_w, w_dist_b, idx):
    # --- update_entity_embedding (batched, last-write-wins on duplicate idx) ---
    e = entities[idx]                                            # gather [B,H]
    delta = jax.nn.sigmoid(jnp.einsum('bi,ij,bj->b', e, W_delta_w, h)[:, None] + W_delta_b)  # bilinear W_delta
    updated = delta * e + (1.0 - delta) * h
    updated = updated / jnp.linalg.norm(updated, axis=1, keepdims=True)
    new_entities = entities.at[idx].set(updated)                 # scatter-overwrite (index_copy)
    new_dist = dist_features.at[idx].set(t)                      # scatter-overwrite dist features
    # --- get_next_E: score every entity against each hidden state ---
    dist_feat = new_dist - jnp.mean(t)                           # get_dist_feat(t)
    ent_proj = new_entities @ W_entity_w                         # [M,H]
    scores = (ent_proj @ h.T).T + W_entity_b                     # bilinear W_entity -> [B,M]
    dist_term = (dist_feat @ w_dist_w.T + w_dist_b).reshape(1, -1)  # w_dist -> [1,M]
    pred_e = scores + dist_term
    return pred_e

if __name__ == "__main__":
    import jax
    _d = setup_inputs()
    print(jax.jit(kernel)(*tuple(_d.values())))

</pallas_src>

<mosaic_0001>
#map = affine_map<(d0, d1) -> (0, 0)>
#map1 = affine_map<(d0, d1) -> (0)>
module attributes {stable_mosaic.version = 14 : i64} {
  func.func @k(%arg0: i32, %arg1: i32, %arg2: memref<16384x256xf32, #tpu.memory_space<hbm>>, %arg3: memref<1024x256xf32, #tpu.memory_space<hbm>>, %arg4: memref<1024x256xf32, #tpu.memory_space<hbm>>, %arg5: memref<16xf32, #tpu.memory_space<hbm>>, %arg6: memref<16384xf32, #tpu.memory_space<hbm>>, %arg7: memref<1024xf32, #tpu.memory_space<hbm>>, %arg8: memref<1024xi32, #tpu.memory_space<hbm>>, %arg9: memref<1024xi32, #tpu.memory_space<hbm>>, %arg10: memref<16392x256xf32, #tpu.memory_space<hbm>>, %arg11: memref<16384xf32, #tpu.memory_space<hbm>>, %arg12: memref<16384xf32, #tpu.memory_space<hbm>>, %arg13: memref<32xi32, #tpu.memory_space<vmem>>, %arg14: memref<32xi32, #tpu.memory_space<vmem>>, %arg15: memref<32x256xf32, #tpu.memory_space<vmem>>, %arg16: memref<32x256xf32, #tpu.memory_space<vmem>>, %arg17: memref<32x256xf32, #tpu.memory_space<vmem>>, %arg18: memref<16xf32, #tpu.memory_space<vmem>>, %arg19: memref<16400xf32, #tpu.memory_space<vmem>>, %arg20: memref<16400xf32, #tpu.memory_space<vmem>>, %arg21: memref<1024xi32, #tpu.memory_space<vmem>>, %arg22: memref<1024xf32, #tpu.memory_space<vmem>>, %arg23: memref<!tpu.dma_semaphore, #tpu.memory_space<semaphore_mem>>, %arg24: memref<!tpu.dma_semaphore, #tpu.memory_space<semaphore_mem>>, %arg25: memref<!tpu.dma_semaphore, #tpu.memory_space<semaphore_mem>>, %arg26: memref<!tpu.dma_semaphore, #tpu.memory_space<semaphore_mem>>, %arg27: memref<!tpu.dma_semaphore, #tpu.memory_space<semaphore_mem>>) attributes {dimension_semantics = [#tpu.dimension_semantics<core_parallel>, #tpu.dimension_semantics<subcore_parallel>], iteration_bounds = array<i64: 2, 16>, scalar_prefetch = 0 : i64, scratch_operands = 15 : i64, tpu.core_type = #tpu.core_type<sc_vector_subcore>, window_params = [{transform_indices = #map}, {transform_indices = #map}, {transform_indices = #map}, {transform_indices = #map1}, {transform_indices = #map1}, {transform_indices = #map1}, {transform_indices = #map1}, {transform_indices = #map1}, {transform_indices = #map}, {transform_indices = #map1}, {transform_indices = #map1}]} {
    %mul3A = arith.constant 16 : i32
    %mul3A_0 = arith.muli %arg0, %mul3A : i32
    %add3A = arith.addi %mul3A_0, %arg1 : i32
    %mul3A_1 = arith.constant 32 : i32
    %mul3A_2 = arith.muli %add3A, %mul3A_1 : i32
    %dma_start3A = tpu.memref_slice %arg8[%mul3A_2] : memref<1024xi32, #tpu.memory_space<hbm>> -> memref<32xi32, #tpu.memory_space<hbm>>
    %dma_start3A_3 = tpu.memref_slice %arg8[%mul3A_2] : memref<1024xi32, #tpu.memory_space<hbm>> -> memref<32xi32, #tpu.memory_space<hbm>>
    tpu.enqueue_dma source(%dma_start3A_3 : memref<32xi32, #tpu.memory_space<hbm>>) target(%arg13 : memref<32xi32, #tpu.memory_space<vmem>>) target_semaphore(%arg23 : memref<!tpu.dma_semaphore, #tpu.memory_space<semaphore_mem>>)
    %dma_start3A_4 = tpu.memref_slice %arg9[%mul3A_2] : memref<1024xi32, #tpu.memory_space<hbm>> -> memref<32xi32, #tpu.memory_space<hbm>>
    %dma_start3A_5 = tpu.memref_slice %arg9[%mul3A_2] : memref<1024xi32, #tpu.memory_space<hbm>> -> memref<32xi32, #tpu.memory_space<hbm>>
    tpu.enqueue_dma source(%dma_start3A_5 : memref<32xi32, #tpu.memory_space<hbm>>) target(%arg14 : memref<32xi32, #tpu.memory_space<vmem>>) target_semaphore(%arg24 : memref<!tpu.dma_semaphore, #tpu.memory_space<semaphore_mem>>)
    %dma_start3A_6 = arith.constant 0 : i32
    %dma_start3A_7 = tpu.memref_slice %arg3[%mul3A_2, %dma_start3A_6] : memref<1024x256xf32, #tpu.memory_space<hbm>> -> memref<32x256xf32, #tpu.memory_space<hbm>>
    %dma_start3A_8 = arith.constant 0 : i32
    %dma_start3A_9 = tpu.memref_slice %arg3[%mul3A_2, %dma_start3A_8] : memref<1024x256xf32, #tpu.memory_space<hbm>> -> memref<32x256xf32, #tpu.memory_space<hbm>>
    tpu.enqueue_dma source(%dma_start3A_9 : memref<32x256xf32, #tpu.memory_space<hbm>>) target(%arg15 : memref<32x256xf32, #tpu.memory_space<vmem>>) target_semaphore(%arg25 : memref<!tpu.dma_semaphore, #tpu.memory_space<semaphore_mem>>)
    %dma_start3A_10 = arith.constant 0 : i32
    %dma_start3A_11 = tpu.memref_slice %arg4[%mul3A_2, %dma_start3A_10] : memref<1024x256xf32, #tpu.memory_space<hbm>> -> memref<32x256xf32, #tpu.memory_space<hbm>>
    %dma_start3A_12 = arith.constant 0 : i32
    %dma_start3A_13 = tpu.memref_slice %arg4[%mul3A_2, %dma_start3A_12] : memref<1024x256xf32, #tpu.memory_space<hbm>> -> memref<32x256xf32, #tpu.memory_space<hbm>>
    tpu.enqueue_dma source(%dma_start3A_13 : memref<32x256xf32, #tpu.memory_space<hbm>>) target(%arg16 : memref<32x256xf32, #tpu.memory_space<vmem>>) target_semaphore(%arg26 : memref<!tpu.dma_semaphore, #tpu.memory_space<semaphore_mem>>)
    "tpu.region"() ({
      %run_scoped3A = tpu.sem_alloc : memref<!tpu.dma_semaphore, #tpu.memory_space<semaphore_mem>>
      tpu.enqueue_dma source(%arg5 : memref<16xf32, #tpu.memory_space<hbm>>) target(%arg18 : memref<16xf32, #tpu.memory_space<vmem>>) target_semaphore(%run_scoped3A : memref<!tpu.dma_semaphore, #tpu.memory_space<semaphore_mem>>)
      tpu.wait_dma2 semaphore(%run_scoped3A : memref<!tpu.dma_semaphore, #tpu.memory_space<semaphore_mem>>) src(%arg5 : memref<16xf32, #tpu.memory_space<hbm>>) dst(%arg18 : memref<16xf32, #tpu.memory_space<vmem>>)
      tpu.yield
    }) : () -> ()
    %dma_wait3A = tpu.memref_slice %arg8[%mul3A_2] : memref<1024xi32, #tpu.memory_space<hbm>> -> memref<32xi32, #tpu.memory_space<hbm>>
    %dma_wait3A_14 = tpu.memref_slice %arg8[%mul3A_2] : memref<1024xi32, #tpu.memory_space<hbm>> -> memref<32xi32, #tpu.memory_space<hbm>>
    tpu.wait_dma2 semaphore(%arg23 : memref<!tpu.dma_semaphore, #tpu.memory_space<semaphore_mem>>) src(%dma_wait3A_14 : memref<32xi32, #tpu.memory_space<hbm>>) dst(%arg13 : memref<32xi32, #tpu.memory_space<vmem>>)
    %dma_start3A_15 = arith.constant 0 : i32
    %dma_start3A_16 = arith.constant 0 : i32
    %dma_start3A_17 = tpu.memref_slice %arg2[%dma_start3A_15, %dma_start3A_16] : memref<16384x256xf32, #tpu.memory_space<hbm>> -> memref<16384x256xf32, #tpu.memory_space<hbm>>
    tpu.enqueue_indirect_dma source(%dma_start3A_17 : memref<16384x256xf32, #tpu.memory_space<hbm>>) target(%arg17 : memref<32x256xf32, #tpu.memory_space<vmem>>) offsets(%arg13 : memref<32xi32, #tpu.memory_space<vmem>>) semaphore(%arg27 : memref<!tpu.dma_semaphore, #tpu.memory_space<semaphore_mem>>)
    %dma_wait3A_18 = arith.constant 0 : i32
    %dma_wait3A_19 = arith.constant 0 : i32
    %dma_wait3A_20 = tpu.memref_slice %arg2[%dma_wait3A_18, %dma_wait3A_19] : memref<16384x256xf32, #tpu.memory_space<hbm>> -> memref<16384x256xf32, #tpu.memory_space<hbm>>
    tpu.wait_indirect_dma semaphore(%arg27 : memref<!tpu.dma_semaphore, #tpu.memory_space<semaphore_mem>>) src(%dma_wait3A_20 : memref<16384x256xf32, #tpu.memory_space<hbm>>) dst(%arg17 : memref<32x256xf32, #tpu.memory_space<vmem>>)
    %dma_wait3A_21 = arith.constant 0 : i32
    %dma_wait3A_22 = tpu.memref_slice %arg3[%mul3A_2, %dma_wait3A_21] : memref<1024x256xf32, #tpu.memory_space<hbm>> -> memref<32x256xf32, #tpu.memory_space<hbm>>
    %dma_wait3A_23 = arith.constant 0 : i32
    %dma_wait3A_24 = tpu.memref_slice %arg3[%mul3A_2, %dma_wait3A_23] : memref<1024x256xf32, #tpu.memory_space<hbm>> -> memref<32x256xf32, #tpu.memory_space<hbm>>
    tpu.wait_dma2 semaphore(%arg25 : memref<!tpu.dma_semaphore, #tpu.memory_space<semaphore_mem>>) src(%dma_wait3A_24 : memref<32x256xf32, #tpu.memory_space<hbm>>) dst(%arg15 : memref<32x256xf32, #tpu.memory_space<vmem>>)
    %dma_wait3A_25 = arith.constant 0 : i32
    %dma_wait3A_26 = tpu.memref_slice %arg4[%mul3A_2, %dma_wait3A_25] : memref<1024x256xf32, #tpu.memory_space<hbm>> -> memref<32x256xf32, #tpu.memory_space<hbm>>
    %dma_wait3A_27 = arith.constant 0 : i32
    %dma_wait3A_28 = tpu.memref_slice %arg4[%mul3A_2, %dma_wait3A_27] : memref<1024x256xf32, #tpu.memory_space<hbm>> -> memref<32x256xf32, #tpu.memory_space<hbm>>
    tpu.wait_dma2 semaphore(%arg26 : memref<!tpu.dma_semaphore, #tpu.memory_space<semaphore_mem>>) src(%dma_wait3A_28 : memref<32x256xf32, #tpu.memory_space<hbm>>) dst(%arg16 : memref<32x256xf32, #tpu.memory_space<vmem>>)
    %get3A = arith.constant 0 : index
    %get3A_29 = tpu.vector_load %arg18[%get3A] {strides = array<i32>} : memref<16xf32, #tpu.memory_space<vmem>>, vector<16xf32>,
    %broadcast_in_dim3A = arith.constant 1.000000e+00 : f32
    %broadcast_in_dim3A_30 = vector.broadcast %broadcast_in_dim3A : f32 to vector<16xf32>
    %scan3A = arith.constant 0 : i32
    %scan3A_31 = arith.constant 32 : i32
    %scan3A_32 = arith.addi %scan3A, %scan3A_31 : i32
    %scan3A_33 = arith.constant 1 : i32
    scf.for %scan3A_55 = %scan3A to %scan3A_32 step %scan3A_33  : i32 {
      %mul3A_56 = arith.constant 1 : i32
      %mul3A_57 = arith.muli %scan3A_55, %mul3A_56 : i32
      %add3A_58 = arith.constant 0 : i32
      %add3A_59 = arith.addi %add3A_58, %mul3A_57 : i32
      %broadcast_in_dim3A_60 = arith.constant 0.000000e+00 : f32
      %broadcast_in_dim3A_61 = vector.broadcast %broadcast_in_dim3A_60 : f32 to vector<16xf32>
      %get3A_62 = arith.index_cast %add3A_59 : i32 to index
      %get3A_63 = arith.constant 0 : index
      %get3A_64 = tpu.vector_load %arg17[%get3A_62, %get3A_63] {strides = array<i32>} : memref<32x256xf32, #tpu.memory_space<vmem>>, vector<16xf32>,
      %get3A_65 = arith.index_cast %add3A_59 : i32 to index
      %get3A_66 = arith.constant 0 : index
      %get3A_67 = tpu.vector_load %arg16[%get3A_65, %get3A_66] {strides = array<i32>} : memref<32x256xf32, #tpu.memory_space<vmem>>, vector<16xf32>,
      %mul3A_68 = arith.mulf %get3A_64, %get3A_67 : vector<16xf32>
      %add3A_69 = arith.addf %broadcast_in_dim3A_61, %mul3A_68 : vector<16xf32>
      %get3A_70 = arith.index_cast %add3A_59 : i32 to index
      %get3A_71 = arith.constant 16 : index
      %get3A_72 = tpu.vector_load %arg17[%get3A_70, %get3A_71] {strides = array<i32>} : memref<32x256xf32, #tpu.memory_space<vmem>>, vector<16xf32>,
      %get3A_73 = arith.index_cast %add3A_59 : i32 to index
      %get3A_74 = arith.constant 16 : index
      %get3A_75 = tpu.vector_load %arg16[%get3A_73, %get3A_74] {strides = array<i32>} : memref<32x256xf32, #tpu.memory_space<vmem>>, vector<16xf32>,
      %mul3A_76 = arith.mulf %get3A_72, %get3A_75 : vector<16xf32>
      %add3A_77 = arith.addf %add3A_69, %mul3A_76 : vector<16xf32>
      %get3A_78 = arith.index_cast %add3A_59 : i32 to index
      %get3A_79 = arith.constant 32 : index
      %get3A_80 = tpu.vector_load %arg17[%get3A_78, %get3A_79] {strides = array<i32>} : memref<32x256xf32, #tpu.memory_space<vmem>>, vector<16xf32>,
      %get3A_81 = arith.index_cast %add3A_59 : i32 to index
      %get3A_82 = arith.constant 32 : index
      %get3A_83 = tpu.vector_load %arg16[%get3A_81, %get3A_82] {strides = array<i32>} : memref<32x256xf32, #tpu.memory_space<vmem>>, vector<16xf32>,
      %mul3A_84 = arith.mulf %get3A_80, %get3A_83 : vector<16xf32>
      %add3A_85 = arith.addf %add3A_77, %mul3A_84 : vector<16xf32>
      %get3A_86 = arith.index_cast %add3A_59 : i32 to index
      %get3A_87 = arith.constant 48 : index
      %get3A_88 = tpu.vector_load %arg17[%get3A_86, %get3A_87] {strides = array<i32>} : memref<32x256xf32, #tpu.memory_space<vmem>>, vector<16xf32>,
      %get3A_89 = arith.index_cast %add3A_59 : i32 to index
      %get3A_90 = arith.constant 48 : index
      %get3A_91 = tpu.vector_load %arg16[%get3A_89, %get3A_90] {strides = array<i32>} : memref<32x256xf32, #tpu.memory_space<vmem>>, vector<16xf32>,
      %mul3A_92 = arith.mulf %get3A_88, %get3A_91 : vector<16xf32>
      %add3A_93 = arith.addf %add3A_85, %mul3A_92 : vector<16xf32>
      %get3A_94 = arith.index_cast %add3A_59 : i32 to index
      %get3A_95 = arith.constant 64 : index
      %get3A_96 = tpu.vector_load %arg17[%get3A_94, %get3A_95] {strides = array<i32>} : memref<32x256xf32, #tpu.memory_space<vmem>>, vector<16xf32>,
      %get3A_97 = arith.index_cast %add3A_59 : i32 to index
      %get3A_98 = arith.constant 64 : index
      %get3A_99 = tpu.vector_load %arg16[%get3A_97, %get3A_98] {strides = array<i32>} : memref<32x256xf32, #tpu.memory_space<vmem>>, vector<16xf32>,
      %mul3A_100 = arith.mulf %get3A_96, %get3A_99 : vector<16xf32>
      %add3A_101 = arith.addf %add3A_93, %mul3A_100 : vector<16xf32>
      %get3A_102 = arith.index_cast %add3A_59 : i32 to index
      %get3A_103 = arith.constant 80 : index
      %get3A_104 = tpu.vector_load %arg17[%get3A_102, %get3A_103] {strides = array<i32>} : memref<32x256xf32, #tpu.memory_space<vmem>>, vector<16xf32>,
      %get3A_105 = arith.index_cast %add3A_59 : i32 to index
      %get3A_106 = arith.constant 80 : index
      %get3A_107 = tpu.vector_load %arg16[%get3A_105, %get3A_106] {strides = array<i32>} : memref<32x256xf32, #tpu.memory_space<vmem>>, vector<16xf32>,
      %mul3A_108 = arith.mulf %get3A_104, %get3A_107 : vector<16xf32>
      %add3A_109 = arith.addf %add3A_101, %mul3A_108 : vector<16xf32>
      %get3A_110 = arith.index_cast %add3A_59 : i32 to index
      %get3A_111 = arith.constant 96 : index
      %get3A_112 = tpu.vector_load %arg17[%get3A_110, %get3A_111] {strides = array<i32>} : memref<32x256xf32, #tpu.memory_space<vmem>>, vector<16xf32>,
      %get3A_113 = arith.index_cast %add3A_59 : i32 to index
      %get3A_114 = arith.constant 96 : index
      %get3A_115 = tpu.vector_load %arg16[%get3A_113, %get3A_114] {strides = array<i32>} : memref<32x256xf32, #tpu.memory_space<vmem>>, vector<16xf32>,
      %mul3A_116 = arith.mulf %get3A_112, %get3A_115 : vector<16xf32>
      %add3A_117 = arith.addf %add3A_109, %mul3A_116 : vector<16xf32>
      %get3A_118 = arith.index_cast %add3A_59 : i32 to index
      %get3A_119 = arith.constant 112 : index
      %get3A_120 = tpu.vector_load %arg17[%get3A_118, %get3A_119] {strides = array<i32>} : memref<32x256xf32, #tpu.memory_space<vmem>>, vector<16xf32>,
      %get3A_121 = arith.index_cast %add3A_59 : i32 to index
      %get3A_122 = arith.constant 112 : index
      %get3A_123 = tpu.vector_load %arg16[%get3A_121, %get3A_122] {strides = array<i32>} : memref<32x256xf32, #tpu.memory_space<vmem>>, vector<16xf32>,
      %mul3A_124 = arith.mulf %get3A_120, %get3A_123 : vector<16xf32>
      %add3A_125 = arith.addf %add3A_117, %mul3A_124 : vector<16xf32>
      %get3A_126 = arith.index_cast %add3A_59 : i32 to index
      %get3A_127 = arith.constant 128 : index
      %get3A_128 = tpu.vector_load %arg17[%get3A_126, %get3A_127] {strides = array<i32>} : memref<32x256xf32, #tpu.memory_space<vmem>>, vector<16xf32>,
      %get3A_129 = arith.index_cast %add3A_59 : i32 to index
      %get3A_130 = arith.constant 128 : index
      %get3A_131 = tpu.vector_load %arg16[%get3A_129, %get3A_130] {strides = array<i32>} : memref<32x256xf32, #tpu.memory_space<vmem>>, vector<16xf32>,
      %mul3A_132 = arith.mulf %get3A_128, %get3A_131 : vector<16xf32>
      %add3A_133 = arith.addf %add3A_125, %mul3A_132 : vector<16xf32>
      %get3A_134 = arith.index_cast %add3A_59 : i32 to index
      %get3A_135 = arith.constant 144 : index
      %get3A_136 = tpu.vector_load %arg17[%get3A_134, %get3A_135] {strides = array<i32>} : memref<32x256xf32, #tpu.memory_space<vmem>>, vector<16xf32>,
      %get3A_137 = arith.index_cast %add3A_59 : i32 to index
      %get3A_138 = arith.constant 144 : index
      %get3A_139 = tpu.vector_load %arg16[%get3A_137, %get3A_138] {strides = array<i32>} : memref<32x256xf32, #tpu.memory_space<vmem>>, vector<16xf32>,
      %mul3A_140 = arith.mulf %get3A_136, %get3A_139 : vector<16xf32>
      %add3A_141 = arith.addf %add3A_133, %mul3A_140 : vector<16xf32>
      %get3A_142 = arith.index_cast %add3A_59 : i32 to index
      %get3A_143 = arith.constant 160 : index
      %get3A_144 = tpu.vector_load %arg17[%get3A_142, %get3A_143] {strides = array<i32>} : memref<32x256xf32, #tpu.memory_space<vmem>>, vector<16xf32>,
      %get3A_145 = arith.index_cast %add3A_59 : i32 to index
      %get3A_146 = arith.constant 160 : index
      %get3A_147 = tpu.vector_load %arg16[%get3A_145, %get3A_146] {strides = array<i32>} : memref<32x256xf32, #tpu.memory_space<vmem>>, vector<16xf32>,
      %mul3A_148 = arith.mulf %get3A_144, %get3A_147 : vector<16xf32>
      %add3A_149 = arith.addf %add3A_141, %mul3A_148 : vector<16xf32>
      %get3A_150 = arith.index_cast %add3A_59 : i32 to index
      %get3A_151 = arith.constant 176 : index
      %get3A_152 = tpu.vector_load %arg17[%get3A_150, %get3A_151] {strides = array<i32>} : memref<32x256xf32, #tpu.memory_space<vmem>>, vector<16xf32>,
      %get3A_153 = arith.index_cast %add3A_59 : i32 to index
      %get3A_154 = arith.constant 176 : index
      %get3A_155 = tpu.vector_load %arg16[%get3A_153, %get3A_154] {strides = array<i32>} : memref<32x256xf32, #tpu.memory_space<vmem>>, vector<16xf32>,
      %mul3A_156 = arith.mulf %get3A_152, %get3A_155 : vector<16xf32>
      %add3A_157 = arith.addf %add3A_149, %mul3A_156 : vector<16xf32>
      %get3A_158 = arith.index_cast %add3A_59 : i32 to index
      %get3A_159 = arith.constant 192 : index
      %get3A_160 = tpu.vector_load %arg17[%get3A_158, %get3A_159] {strides = array<i32>} : memref<32x256xf32, #tpu.memory_space<vmem>>, vector<16xf32>,
      %get3A_161 = arith.index_cast %add3A_59 : i32 to index
      %get3A_162 = arith.constant 192 : index
      %get3A_163 = tpu.vector_load %arg16[%get3A_161, %get3A_162] {strides = array<i32>} : memref<32x256xf32, #tpu.memory_space<vmem>>, vector<16xf32>,
      %mul3A_164 = arith.mulf %get3A_160, %get3A_163 : vector<16xf32>
      %add3A_165 = arith.addf %add3A_157, %mul3A_164 : vector<16xf32>
      %get3A_166 = arith.index_cast %add3A_59 : i32 to index
      %get3A_167 = arith.constant 208 : index
      %get3A_168 = tpu.vector_load %arg17[%get3A_166, %get3A_167] {strides = array<i32>} : memref<32x256xf32, #tpu.memory_space<vmem>>, vector<16xf32>,
      %get3A_169 = arith.index_cast %add3A_59 : i32 to index
      %get3A_170 = arith.constant 208 : index
      %get3A_171 = tpu.vector_load %arg16[%get3A_169, %get3A_170] {strides = array<i32>} : memref<32x256xf32, #tpu.memory_space<vmem>>, vector<16xf32>,
      %mul3A_172 = arith.mulf %get3A_168, %get3A_171 : vector<16xf32>
      %add3A_173 = arith.addf %add3A_165, %mul3A_172 : vector<16xf32>
      %get3A_174 = arith.index_cast %add3A_59 : i32 to index
      %get3A_175 = arith.constant 224 : index
      %get3A_176 = tpu.vector_load %arg17[%get3A_174, %get3A_175] {strides = array<i32>} : memref<32x256xf32, #tpu.memory_space<vmem>>, vector<16xf32>,
      %get3A_177 = arith.index_cast %add3A_59 : i32 to index
      %get3A_178 = arith.constant 224 : index
      %get3A_179 = tpu.vector_load %arg16[%get3A_177, %get3A_178] {strides = array<i32>} : memref<32x256xf32, #tpu.memory_space<vmem>>, vector<16xf32>,
      %mul3A_180 = arith.mulf %get3A_176, %get3A_179 : vector<16xf32>
      %add3A_181 = arith.addf %add3A_173, %mul3A_180 : vector<16xf32>
      %get3A_182 = arith.index_cast %add3A_59 : i32 to index
      %get3A_183 = arith.constant 240 : index
      %get3A_184 = tpu.vector_load %arg17[%get3A_182, %get3A_183] {strides = array<i32>} : memref<32x256xf32, #tpu.memory_space<vmem>>, vector<16xf32>,
      %get3A_185 = arith.index_cast %add3A_59 : i32 to index
      %get3A_186 = arith.constant 240 : index
      %get3A_187 = tpu.vector_load %arg16[%get3A_185, %get3A_186] {strides = array<i32>} : memref<32x256xf32, #tpu.memory_space<vmem>>, vector<16xf32>,
      %mul3A_188 = arith.mulf %get3A_184, %get3A_187 : vector<16xf32>
      %add3A_189 = arith.addf %add3A_181, %mul3A_188 : vector<16xf32>
      %reduce_sum3A = arith.constant true
      %reduce_sum3A_190 = vector.broadcast %reduce_sum3A : i1 to vector<16xi1>
      %reduce_sum3A_191 = tpu.scan <sum>, %add3A_189 masked %reduce_sum3A_190 : vector<16xf32>, vector<16xi1> -> vector<16xf32>
      %reduce_sum3A_192 = vector.extract %reduce_sum3A_191[15] : f32 from vector<16xf32>
      %add3A_193 = vector.broadcast %reduce_sum3A_192 : f32 to vector<16xf32>
      %add3A_194 = arith.addf %add3A_193, %get3A_29 : vector<16xf32>
      %neg3A = arith.constant 0.000000e+00 : f32
      %neg3A_195 = vector.broadcast %neg3A : f32 to vector<16xf32>
      %neg3A_196 = arith.subf %neg3A_195, %add3A_194 : vector<16xf32>
      %exp3A = math.exp %neg3A_196 : vector<16xf32>
      %add3A_197 = arith.constant 1.000000e+00 : f32
      %add3A_198 = vector.broadcast %add3A_197 : f32 to vector<16xf32>
      %add3A_199 = arith.addf %add3A_198, %exp3A : vector<16xf32>
      %div3A = arith.constant 1.000000e+00 : f32
      %div3A_200 = vector.broadcast %div3A : f32 to vector<16xf32>
      %div3A_201 = arith.divf %div3A_200, %add3A_199 : vector<16xf32>
      %broadcast_in_dim3A_202 = arith.constant 0.000000e+00 : f32
      %broadcast_in_dim3A_203 = vector.broadcast %broadcast_in_dim3A_202 : f32 to vector<16xf32>
      %get3A_204 = arith.index_cast %add3A_59 : i32 to index
      %get3A_205 = arith.constant 0 : index
      %get3A_206 = tpu.vector_load %arg17[%get3A_204, %get3A_205] {strides = array<i32>} : memref<32x256xf32, #tpu.memory_space<vmem>>, vector<16xf32>,
      %mul3A_207 = arith.mulf %div3A_201, %get3A_206 : vector<16xf32>
      %sub3A = arith.constant 1.000000e+00 : f32
      %sub3A_208 = vector.broadcast %sub3A : f32 to vector<16xf32>
      %sub3A_209 = arith.subf %sub3A_208, %div3A_201 : vector<16xf32>
      %get3A_210 = arith.index_cast %add3A_59 : i32 to index
      %get3A_211 = arith.constant 0 : index
      %get3A_212 = tpu.vector_load %arg15[%get3A_210, %get3A_211] {strides = array<i32>} : memref<32x256xf32, #tpu.memory_space<vmem>>, vector<16xf32>,
      %mul3A_213 = arith.mulf %sub3A_209, %get3A_212 : vector<16xf32>
      %add3A_214 = arith.addf %mul3A_207, %mul3A_213 : vector<16xf32>
      %swap3A = arith.index_cast %add3A_59 : i32 to index
      %swap3A_215 = arith.constant 0 : index
      %swap3A_216 = tpu.vector_load %arg17[%swap3A, %swap3A_215] {strides = array<i32>} : memref<32x256xf32, #tpu.memory_space<vmem>>, vector<16xf32>,
      tpu.vector_store %arg17[%swap3A, %swap3A_215], %add3A_214 {strides = array<i32>} : memref<32x256xf32, #tpu.memory_space<vmem>>, vector<16xf32>,
      %mul3A_217 = arith.mulf %add3A_214, %add3A_214 : vector<16xf32>
      %add3A_218 = arith.addf %broadcast_in_dim3A_203, %mul3A_217 : vector<16xf32>
      %get3A_219 = arith.index_cast %add3A_59 : i32 to index
      %get3A_220 = arith.constant 16 : index
      %get3A_221 = tpu.vector_load %arg17[%get3A_219, %get3A_220] {strides = array<i32>} : memref<32x256xf32, #tpu.memory_space<vmem>>, vector<16xf32>,
      %mul3A_222 = arith.mulf %div3A_201, %get3A_221 : vector<16xf32>
      %sub3A_223 = arith.constant 1.000000e+00 : f32
      %sub3A_224 = vector.broadcast %sub3A_223 : f32 to vector<16xf32>
      %sub3A_225 = arith.subf %sub3A_224, %div3A_201 : vector<16xf32>
      %get3A_226 = arith.index_cast %add3A_59 : i32 to index
      %get3A_227 = arith.constant 16 : index
      %get3A_228 = tpu.vector_load %arg15[%get3A_226, %get3A_227] {strides = array<i32>} : memref<32x256xf32, #tpu.memory_space<vmem>>, vector<16xf32>,
      %mul3A_229 = arith.mulf %sub3A_225, %get3A_228 : vector<16xf32>
      %add3A_230 = arith.addf %mul3A_222, %mul3A_229 : vector<16xf32>
      %swap3A_231 = arith.index_cast %add3A_59 : i32 to index
      %swap3A_232 = arith.constant 16 : index
      %swap3A_233 = tpu.vector_load %arg17[%swap3A_231, %swap3A_232] {strides = array<i32>} : memref<32x256xf32, #tpu.memory_space<vmem>>, vector<16xf32>,
      tpu.vector_store %arg17[%swap3A_231, %swap3A_232], %add3A_230 {strides = array<i32>} : memref<32x256xf32, #tpu.memory_space<vmem>>, vector<16xf32>,
      %mul3A_234 = arith.mulf %add3A_230, %add3A_230 : vector<16xf32>
      %add3A_235 = arith.addf %add3A_218, %mul3A_234 : vector<16xf32>
      %get3A_236 = arith.index_cast %add3A_59 : i32 to index
      %get3A_237 = arith.constant 32 : index
      %get3A_238 = tpu.vector_load %arg17[%get3A_236, %get3A_237] {strides = array<i32>} : memref<32x256xf32, #tpu.memory_space<vmem>>, vector<16xf32>,
      %mul3A_239 = arith.mulf %div3A_201, %get3A_238 : vector<16xf32>
      %sub3A_240 = arith.constant 1.000000e+00 : f32
      %sub3A_241 = vector.broadcast %sub3A_240 : f32 to vector<16xf32>
      %sub3A_242 = arith.subf %sub3A_241, %div3A_201 : vector<16xf32>
      %get3A_243 = arith.index_cast %add3A_59 : i32 to index
      %get3A_244 = arith.constant 32 : index
      %get3A_245 = tpu.vector_load %arg15[%get3A_243, %get3A_244] {strides = array<i32>} : memref<32x256xf32, #tpu.memory_space<vmem>>, vector<16xf32>,
      %mul3A_246 = arith.mulf %sub3A_242, %get3A_245 : vector<16xf32>
      %add3A_247 = arith.addf %mul3A_239, %mul3A_246 : vector<16xf32>
      %swap3A_248 = arith.index_cast %add3A_59 : i32 to index
      %swap3A_249 = arith.constant 32 : index
      %swap3A_250 = tpu.vector_load %arg17[%swap3A_248, %swap3A_249] {strides = array<i32>} : memref<32x256xf32, #tpu.memory_space<vmem>>, vector<16xf32>,
      tpu.vector_store %arg17[%swap3A_248, %swap3A_249], %add3A_247 {strides = array<i32>} : memref<32x256xf32, #tpu.memory_space<vmem>>, vector<16xf32>,
      %mul3A_251 = arith.mulf %add3A_247, %add3A_247 : vector<16xf32>
      %add3A_252 = arith.addf %add3A_235, %mul3A_251 : vector<16xf32>
      %get3A_253 = arith.index_cast %add3A_59 : i32 to index
      %get3A_254 = arith.constant 48 : index
      %get3A_255 = tpu.vector_load %arg17[%get3A_253, %get3A_254] {strides = array<i32>} : memref<32x256xf32, #tpu.memory_space<vmem>>, vector<16xf32>,
      %mul3A_256 = arith.mulf %div3A_201, %get3A_255 : vector<16xf32>
      %sub3A_257 = arith.constant 1.000000e+00 : f32
      %sub3A_258 = vector.broadcast %sub3A_257 : f32 to vector<16xf32>
      %sub3A_259 = arith.subf %sub3A_258, %div3A_201 : vector<16xf32>
      %get3A_260 = arith.index_cast %add3A_59 : i32 to index
      %get3A_261 = arith.constant 48 : index
      %get3A_262 = tpu.vector_load %arg15[%get3A_260, %get3A_261] {strides = array<i32>} : memref<32x256xf32, #tpu.memory_space<vmem>>, vector<16xf32>,
      %mul3A_263 = arith.mulf %sub3A_259, %get3A_262 : vector<16xf32>
      %add3A_264 = arith.addf %mul3A_256, %mul3A_263 : vector<16xf32>
      %swap3A_265 = arith.index_cast %add3A_59 : i32 to index
      %swap3A_266 = arith.constant 48 : index
      %swap3A_267 = tpu.vector_load %arg17[%swap3A_265, %swap3A_266] {strides = array<i32>} : memref<32x256xf32, #tpu.memory_space<vmem>>, vector<16xf32>,
      tpu.vector_store %arg17[%swap3A_265, %swap3A_266], %add3A_264 {strides = array<i32>} : memref<32x256xf32, #tpu.memory_space<vmem>>, vector<16xf32>,
      %mul3A_268 = arith.mulf %add3A_264, %add3A_264 : vector<16xf32>
      %add3A_269 = arith.addf %add3A_252, %mul3A_268 : vector<16xf32>
      %get3A_270 = arith.index_cast %add3A_59 : i32 to index
      %get3A_271 = arith.constant 64 : index
      %get3A_272 = tpu.vector_load %arg17[%get3A_270, %get3A_271] {strides = array<i32>} : memref<32x256xf32, #tpu.memory_space<vmem>>, vector<16xf32>,
      %mul3A_273 = arith.mulf %div3A_201, %get3A_272 : vector<16xf32>
      %sub3A_274 = arith.constant 1.000000e+00 : f32
      %sub3A_275 = vector.broadcast %sub3A_274 : f32 to vector<16xf32>
      %sub3A_276 = arith.subf %sub3A_275, %div3A_201 : vector<16xf32>
      %get3A_277 = arith.index_cast %add3A_59 : i32 to index
      %get3A_278 = arith.constant 64 : index
      %get3A_279 = tpu.vector_load %arg15[%get3A_277, %get3A_278] {strides = array<i32>} : memref<32x256xf32, #tpu.memory_space<vmem>>, vector<16xf32>,
      %mul3A_280 = arith.mulf %sub3A_276, %get3A_279 : vector<16xf32>
      %add3A_281 = arith.addf %mul3A_273, %mul3A_280 : vector<16xf32>
      %swap3A_282 = arith.index_cast %add3A_59 : i32 to index
      %swap3A_283 = arith.constant 64 : index
      %swap3A_284 = tpu.vector_load %arg17[%swap3A_282, %swap3A_283] {strides = array<i32>} : memref<32x256xf32, #tpu.memory_space<vmem>>, vector<16xf32>,
      tpu.vector_store %arg17[%swap3A_282, %swap3A_283], %add3A_281 {strides = array<i32>} : memref<32x256xf32, #tpu.memory_space<vmem>>, vector<16xf32>,
      %mul3A_285 = arith.mulf %add3A_281, %add3A_281 : vector<16xf32>
      %add3A_286 = arith.addf %add3A_269, %mul3A_285 : vector<16xf32>
      %get3A_287 = arith.index_cast %add3A_59 : i32 to index
      %get3A_288 = arith.constant 80 : index
      %get3A_289 = tpu.vector_load %arg17[%get3A_287, %get3A_288] {strides = array<i32>} : memref<32x256xf32, #tpu.memory_space<vmem>>, vector<16xf32>,
      %mul3A_290 = arith.mulf %div3A_201, %get3A_289 : vector<16xf32>
      %sub3A_291 = arith.constant 1.000000e+00 : f32
      %sub3A_292 = vector.broadcast %sub3A_291 : f32 to vector<16xf32>
      %sub3A_293 = arith.subf %sub3A_292, %div3A_201 : vector<16xf32>
      %get3A_294 = arith.index_cast %add3A_59 : i32 to index
      %get3A_295 = arith.constant 80 : index
      %get3A_296 = tpu.vector_load %arg15[%get3A_294, %get3A_295] {strides = array<i32>} : memref<32x256xf32, #tpu.memory_space<vmem>>, vector<16xf32>,
      %mul3A_297 = arith.mulf %sub3A_293, %get3A_296 : vector<16xf32>
      %add3A_298 = arith.addf %mul3A_290, %mul3A_297 : vector<16xf32>
      %swap3A_299 = arith.index_cast %add3A_59 : i32 to index
      %swap3A_300 = arith.constant 80 : index
      %swap3A_301 = tpu.vector_load %arg17[%swap3A_299, %swap3A_300] {strides = array<i32>} : memref<32x256xf32, #tpu.memory_space<vmem>>, vector<16xf32>,
      tpu.vector_store %arg17[%swap3A_299, %swap3A_300], %add3A_298 {strides = array<i32>} : memref<32x256xf32, #tpu.memory_space<vmem>>, vector<16xf32>,
      %mul3A_302 = arith.mulf %add3A_298, %add3A_298 : vector<16xf32>
      %add3A_303 = arith.addf %add3A_286, %mul3A_302 : vector<16xf32>
      %get3A_304 = arith.index_cast %add3A_59 : i32 to index
      %get3A_305 = arith.constant 96 : index
      %get3A_306 = tpu.vector_load %arg17[%get3A_304, %get3A_305] {strides = array<i32>} : memref<32x256xf32, #tpu.memory_space<vmem>>, vector<16xf32>,
      %mul3A_307 = arith.mulf %div3A_201, %get3A_306 : vector<16xf32>
      %sub3A_308 = arith.constant 1.000000e+00 : f32
      %sub3A_309 = vector.broadcast %sub3A_308 : f32 to vector<16xf32>
      %sub3A_310 = arith.subf %sub3A_309, %div3A_201 : vector<16xf32>
      %get3A_311 = arith.index_cast %add3A_59 : i32 to index
      %get3A_312 = arith.constant 96 : index
      %get3A_313 = tpu.vector_load %arg15[%get3A_311, %get3A_312] {strides = array<i32>} : memref<32x256xf32, #tpu.memory_space<vmem>>, vector<16xf32>,
      %mul3A_314 = arith.mulf %sub3A_310, %get3A_313 : vector<16xf32>
      %add3A_315 = arith.addf %mul3A_307, %mul3A_314 : vector<16xf32>
      %swap3A_316 = arith.index_cast %add3A_59 : i32 to index
      %swap3A_317 = arith.constant 96 : index
      %swap3A_318 = tpu.vector_load %arg17[%swap3A_316, %swap3A_317] {strides = array<i32>} : memref<32x256xf32, #tpu.memory_space<vmem>>, vector<16xf32>,
      tpu.vector_store %arg17[%swap3A_316, %swap3A_317], %add3A_315 {strides = array<i32>} : memref<32x256xf32, #tpu.memory_space<vmem>>, vector<16xf32>,
      %mul3A_319 = arith.mulf %add3A_315, %add3A_315 : vector<16xf32>
      %add3A_320 = arith.addf %add3A_303, %mul3A_319 : vector<16xf32>
      %get3A_321 = arith.index_cast %add3A_59 : i32 to index
      %get3A_322 = arith.constant 112 : index
      %get3A_323 = tpu.vector_load %arg17[%get3A_321, %get3A_322] {strides = array<i32>} : memref<32x256xf32, #tpu.memory_space<vmem>>, vector<16xf32>,
      %mul3A_324 = arith.mulf %div3A_201, %get3A_323 : vector<16xf32>
      %sub3A_325 = arith.constant 1.000000e+00 : f32
      %sub3A_326 = vector.broadcast %sub3A_325 : f32 to vector<16xf32>
      %sub3A_327 = arith.subf %sub3A_326, %div3A_201 : vector<16xf32>
      %get3A_328 = arith.index_cast %add3A_59 : i32 to index
      %get3A_329 = arith.constant 112 : index
      %get3A_330 = tpu.vector_load %arg15[%get3A_328, %get3A_329] {strides = array<i32>} : memref<32x256xf32, #tpu.memory_space<vmem>>, vector<16xf32>,
      %mul3A_331 = arith.mulf %sub3A_327, %get3A_330 : vector<16xf32>
      %add3A_332 = arith.addf %mul3A_324, %mul3A_331 : vector<16xf32>
      %swap3A_333 = arith.index_cast %add3A_59 : i32 to index
      %swap3A_334 = arith.constant 112 : index
      %swap3A_335 = tpu.vector_load %arg17[%swap3A_333, %swap3A_334] {strides = array<i32>} : memref<32x256xf32, #tpu.memory_space<vmem>>, vector<16xf32>,
      tpu.vector_store %arg17[%swap3A_333, %swap3A_334], %add3A_332 {strides = array<i32>} : memref<32x256xf32, #tpu.memory_space<vmem>>, vector<16xf32>,
      %mul3A_336 = arith.mulf %add3A_332, %add3A_332 : vector<16xf32>
      %add3A_337 = arith.addf %add3A_320, %mul3A_336 : vector<16xf32>
      %get3A_338 = arith.index_cast %add3A_59 : i32 to index
      %get3A_339 = arith.constant 128 : index
      %get3A_340 = tpu.vector_load %arg17[%get3A_338, %get3A_339] {strides = array<i32>} : memref<32x256xf32, #tpu.memory_space<vmem>>, vector<16xf32>,
      %mul3A_341 = arith.mulf %div3A_201, %get3A_340 : vector<16xf32>
      %sub3A_342 = arith.constant 1.000000e+00 : f32
      %sub3A_343 = vector.broadcast %sub3A_342 : f32 to vector<16xf32>
      %sub3A_344 = arith.subf %sub3A_343, %div3A_201 : vector<16xf32>
      %get3A_345 = arith.index_cast %add3A_59 : i32 to index
      %get3A_346 = arith.constant 128 : index
      %get3A_347 = tpu.vector_load %arg15[%get3A_345, %get3A_346] {strides = array<i32>} : memref<32x256xf32, #tpu.memory_space<vmem>>, vector<16xf32>,
      %mul3A_348 = arith.mulf %sub3A_344, %get3A_347 : vector<16xf32>
      %add3A_349 = arith.addf %mul3A_341, %mul3A_348 : vector<16xf32>
      %swap3A_350 = arith.index_cast %add3A_59 : i32 to index
      %swap3A_351 = arith.constant 128 : index
      %swap3A_352 = tpu.vector_load %arg17[%swap3A_350, %swap3A_351] {strides = array<i32>} : memref<32x256xf32, #tpu.memory_space<vmem>>, vector<16xf32>,
      tpu.vector_store %arg17[%swap3A_350, %swap3A_351], %add3A_349 {strides = array<i32>} : memref<32x256xf32, #tpu.memory_space<vmem>>, vector<16xf32>,
      %mul3A_353 = arith.mulf %add3A_349, %add3A_349 : vector<16xf32>
      %add3A_354 = arith.addf %add3A_337, %mul3A_353 : vector<16xf32>
      %get3A_355 = arith.index_cast %add3A_59 : i32 to index
      %get3A_356 = arith.constant 144 : index
      %get3A_357 = tpu.vector_load %arg17[%get3A_355, %get3A_356] {strides = array<i32>} : memref<32x256xf32, #tpu.memory_space<vmem>>, vector<16xf32>,
      %mul3A_358 = arith.mulf %div3A_201, %get3A_357 : vector<16xf32>
      %sub3A_359 = arith.constant 1.000000e+00 : f32
      %sub3A_360 = vector.broadcast %sub3A_359 : f32 to vector<16xf32>
      %sub3A_361 = arith.subf %sub3A_360, %div3A_201 : vector<16xf32>
      %get3A_362 = arith.index_cast %add3A_59 : i32 to index
      %get3A_363 = arith.constant 144 : index
      %get3A_364 = tpu.vector_load %arg15[%get3A_362, %get3A_363] {strides = array<i32>} : memref<32x256xf32, #tpu.memory_space<vmem>>, vector<16xf32>,
      %mul3A_365 = arith.mulf %sub3A_361, %get3A_364 : vector<16xf32>
      %add3A_366 = arith.addf %mul3A_358, %mul3A_365 : vector<16xf32>
      %swap3A_367 = arith.index_cast %add3A_59 : i32 to index
      %swap3A_368 = arith.constant 144 : index
      %swap3A_369 = tpu.vector_load %arg17[%swap3A_367, %swap3A_368] {strides = array<i32>} : memref<32x256xf32, #tpu.memory_space<vmem>>, vector<16xf32>,
      tpu.vector_store %arg17[%swap3A_367, %swap3A_368], %add3A_366 {strides = array<i32>} : memref<32x256xf32, #tpu.memory_space<vmem>>, vector<16xf32>,
      %mul3A_370 = arith.mulf %add3A_366, %add3A_366 : vector<16xf32>
      %add3A_371 = arith.addf %add3A_354, %mul3A_370 : vector<16xf32>
      %get3A_372 = arith.index_cast %add3A_59 : i32 to index
      %get3A_373 = arith.constant 160 : index
      %get3A_374 = tpu.vector_load %arg17[%get3A_372, %get3A_373] {strides = array<i32>} : memref<32x256xf32, #tpu.memory_space<vmem>>, vector<16xf32>,
      %mul3A_375 = arith.mulf %div3A_201, %get3A_374 : vector<16xf32>
      %sub3A_376 = arith.constant 1.000000e+00 : f32
      %sub3A_377 = vector.broadcast %sub3A_376 : f32 to vector<16xf32>
      %sub3A_378 = arith.subf %sub3A_377, %div3A_201 : vector<16xf32>
      %get3A_379 = arith.index_cast %add3A_59 : i32 to index
      %get3A_380 = arith.constant 160 : index
      %get3A_381 = tpu.vector_load %arg15[%get3A_379, %get3A_380] {strides = array<i32>} : memref<32x256xf32, #tpu.memory_space<vmem>>, vector<16xf32>,
      %mul3A_382 = arith.mulf %sub3A_378, %get3A_381 : vector<16xf32>
      %add3A_383 = arith.addf %mul3A_375, %mul3A_382 : vector<16xf32>
      %swap3A_384 = arith.index_cast %add3A_59 : i32 to index
      %swap3A_385 = arith.constant 160 : index
      %swap3A_386 = tpu.vector_load %arg17[%swap3A_384, %swap3A_385] {strides = array<i32>} : memref<32x256xf32, #tpu.memory_space<vmem>>, vector<16xf32>,
      tpu.vector_store %arg17[%swap3A_384, %swap3A_385], %add3A_383 {strides = array<i32>} : memref<32x256xf32, #tpu.memory_space<vmem>>, vector<16xf32>,
      %mul3A_387 = arith.mulf %add3A_383, %add3A_383 : vector<16xf32>
      %add3A_388 = arith.addf %add3A_371, %mul3A_387 : vector<16xf32>
      %get3A_389 = arith.index_cast %add3A_59 : i32 to index
      %get3A_390 = arith.constant 176 : index
      %get3A_391 = tpu.vector_load %arg17[%get3A_389, %get3A_390] {strides = array<i32>} : memref<32x256xf32, #tpu.memory_space<vmem>>, vector<16xf32>,
      %mul3A_392 = arith.mulf %div3A_201, %get3A_391 : vector<16xf32>
      %sub3A_393 = arith.constant 1.000000e+00 : f32
      %sub3A_394 = vector.broadcast %sub3A_393 : f32 to vector<16xf32>
      %sub3A_395 = arith.subf %sub3A_394, %div3A_201 : vector<16xf32>
      %get3A_396 = arith.index_cast %add3A_59 : i32 to index
      %get3A_397 = arith.constant 176 : index
      %get3A_398 = tpu.vector_load %arg15[%get3A_396, %get3A_397] {strides = array<i32>} : memref<32x256xf32, #tpu.memory_space<vmem>>, vector<16xf32>,
      %mul3A_399 = arith.mulf %sub3A_395, %get3A_398 : vector<16xf32>
      %add3A_400 = arith.addf %mul3A_392, %mul3A_399 : vector<16xf32>
      %swap3A_401 = arith.index_cast %add3A_59 : i32 to index
      %swap3A_402 = arith.constant 176 : index
      %swap3A_403 = tpu.vector_load %arg17[%swap3A_401, %swap3A_402] {strides = array<i32>} : memref<32x256xf32, #tpu.memory_space<vmem>>, vector<16xf32>,
      tpu.vector_store %arg17[%swap3A_401, %swap3A_402], %add3A_400 {strides = array<i32>} : memref<32x256xf32, #tpu.memory_space<vmem>>, vector<16xf32>,
      %mul3A_404 = arith.mulf %add3A_400, %add3A_400 : vector<16xf32>
      %add3A_405 = arith.addf %add3A_388, %mul3A_404 : vector<16xf32>
      %get3A_406 = arith.index_cast %add3A_59 : i32 to index
      %get3A_407 = arith.constant 192 : index
      %get3A_408 = tpu.vector_load %arg17[%get3A_406, %get3A_407] {strides = array<i32>} : memref<32x256xf32, #tpu.memory_space<vmem>>, vector<16xf32>,
      %mul3A_409 = arith.mulf %div3A_201, %get3A_408 : vector<16xf32>
      %sub3A_410 = arith.constant 1.000000e+00 : f32
      %sub3A_411 = vector.broadcast %sub3A_410 : f32 to vector<16xf32>
      %sub3A_412 = arith.subf %sub3A_411, %div3A_201 : vector<16xf32>
      %get3A_413 = arith.index_cast %add3A_59 : i32 to index
      %get3A_414 = arith.constant 192 : index
      %get3A_415 = tpu.vector_load %arg15[%get3A_413, %get3A_414] {strides = array<i32>} : memref<32x256xf32, #tpu.memory_space<vmem>>, vector<16xf32>,
      %mul3A_416 = arith.mulf %sub3A_412, %get3A_415 : vector<16xf32>
      %add3A_417 = arith.addf %mul3A_409, %mul3A_416 : vector<16xf32>
      %swap3A_418 = arith.index_cast %add3A_59 : i32 to index
      %swap3A_419 = arith.constant 192 : index
      %swap3A_420 = tpu.vector_load %arg17[%swap3A_418, %swap3A_419] {strides = array<i32>} : memref<32x256xf32, #tpu.memory_space<vmem>>, vector<16xf32>,
      tpu.vector_store %arg17[%swap3A_418, %swap3A_419], %add3A_417 {strides = array<i32>} : memref<32x256xf32, #tpu.memory_space<vmem>>, vector<16xf32>,
      %mul3A_421 = arith.mulf %add3A_417, %add3A_417 : vector<16xf32>
      %add3A_422 = arith.addf %add3A_405, %mul3A_421 : vector<16xf32>
      %get3A_423 = arith.index_cast %add3A_59 : i32 to index
      %get3A_424 = arith.constant 208 : index
      %get3A_425 = tpu.vector_load %arg17[%get3A_423, %get3A_424] {strides = array<i32>} : memref<32x256xf32, #tpu.memory_space<vmem>>, vector<16xf32>,
      %mul3A_426 = arith.mulf %div3A_201, %get3A_425 : vector<16xf32>
      %sub3A_427 = arith.constant 1.000000e+00 : f32
      %sub3A_428 = vector.broadcast %sub3A_427 : f32 to vector<16xf32>
      %sub3A_429 = arith.subf %sub3A_428, %div3A_201 : vector<16xf32>
      %get3A_430 = arith.index_cast %add3A_59 : i32 to index
      %get3A_431 = arith.constant 208 : index
      %get3A_432 = tpu.vector_load %arg15[%get3A_430, %get3A_431] {strides = array<i32>} : memref<32x256xf32, #tpu.memory_space<vmem>>, vector<16xf32>,
      %mul3A_433 = arith.mulf %sub3A_429, %get3A_432 : vector<16xf32>
      %add3A_434 = arith.addf %mul3A_426, %mul3A_433 : vector<16xf32>
      %swap3A_435 = arith.index_cast %add3A_59 : i32 to index
      %swap3A_436 = arith.constant 208 : index
      %swap3A_437 = tpu.vector_load %arg17[%swap3A_435, %swap3A_436] {strides = array<i32>} : memref<32x256xf32, #tpu.memory_space<vmem>>, vector<16xf32>,
      tpu.vector_store %arg17[%swap3A_435, %swap3A_436], %add3A_434 {strides = array<i32>} : memref<32x256xf32, #tpu.memory_space<vmem>>, vector<16xf32>,
      %mul3A_438 = arith.mulf %add3A_434, %add3A_434 : vector<16xf32>
      %add3A_439 = arith.addf %add3A_422, %mul3A_438 : vector<16xf32>
      %get3A_440 = arith.index_cast %add3A_59 : i32 to index
      %get3A_441 = arith.constant 224 : index
      %get3A_442 = tpu.vector_load %arg17[%get3A_440, %get3A_441] {strides = array<i32>} : memref<32x256xf32, #tpu.memory_space<vmem>>, vector<16xf32>,
      %mul3A_443 = arith.mulf %div3A_201, %get3A_442 : vector<16xf32>
      %sub3A_444 = arith.constant 1.000000e+00 : f32
      %sub3A_445 = vector.broadcast %sub3A_444 : f32 to vector<16xf32>
      %sub3A_446 = arith.subf %sub3A_445, %div3A_201 : vector<16xf32>
      %get3A_447 = arith.index_cast %add3A_59 : i32 to index
      %get3A_448 = arith.constant 224 : index
      %get3A_449 = tpu.vector_load %arg15[%get3A_447, %get3A_448] {strides = array<i32>} : memref<32x256xf32, #tpu.memory_space<vmem>>, vector<16xf32>,
      %mul3A_450 = arith.mulf %sub3A_446, %get3A_449 : vector<16xf32>
      %add3A_451 = arith.addf %mul3A_443, %mul3A_450 : vector<16xf32>
      %swap3A_452 = arith.index_cast %add3A_59 : i32 to index
      %swap3A_453 = arith.constant 224 : index
      %swap3A_454 = tpu.vector_load %arg17[%swap3A_452, %swap3A_453] {strides = array<i32>} : memref<32x256xf32, #tpu.memory_space<vmem>>, vector<16xf32>,
      tpu.vector_store %arg17[%swap3A_452, %swap3A_453], %add3A_451 {strides = array<i32>} : memref<32x256xf32, #tpu.memory_space<vmem>>, vector<16xf32>,
      %mul3A_455 = arith.mulf %add3A_451, %add3A_451 : vector<16xf32>
      %add3A_456 = arith.addf %add3A_439, %mul3A_455 : vector<16xf32>
      %get3A_457 = arith.index_cast %add3A_59 : i32 to index
      %get3A_458 = arith.constant 240 : index
      %get3A_459 = tpu.vector_load %arg17[%get3A_457, %get3A_458] {strides = array<i32>} : memref<32x256xf32, #tpu.memory_space<vmem>>, vector<16xf32>,
      %mul3A_460 = arith.mulf %div3A_201, %get3A_459 : vector<16xf32>
      %sub3A_461 = arith.constant 1.000000e+00 : f32
      %sub3A_462 = vector.broadcast %sub3A_461 : f32 to vector<16xf32>
      %sub3A_463 = arith.subf %sub3A_462, %div3A_201 : vector<16xf32>
      %get3A_464 = arith.index_cast %add3A_59 : i32 to index
      %get3A_465 = arith.constant 240 : index
      %get3A_466 = tpu.vector_load %arg15[%get3A_464, %get3A_465] {strides = array<i32>} : memref<32x256xf32, #tpu.memory_space<vmem>>, vector<16xf32>,
      %mul3A_467 = arith.mulf %sub3A_463, %get3A_466 : vector<16xf32>
      %add3A_468 = arith.addf %mul3A_460, %mul3A_467 : vector<16xf32>
      %swap3A_469 = arith.index_cast %add3A_59 : i32 to index
      %swap3A_470 = arith.constant 240 : index
      %swap3A_471 = tpu.vector_load %arg17[%swap3A_469, %swap3A_470] {strides = array<i32>} : memref<32x256xf32, #tpu.memory_space<vmem>>, vector<16xf32>,
      tpu.vector_store %arg17[%swap3A_469, %swap3A_470], %add3A_468 {strides = array<i32>} : memref<32x256xf32, #tpu.memory_space<vmem>>, vector<16xf32>,
      %mul3A_472 = arith.mulf %add3A_468, %add3A_468 : vector<16xf32>
      %add3A_473 = arith.addf %add3A_456, %mul3A_472 : vector<16xf32>
      %reduce_sum3A_474 = arith.constant true
      %reduce_sum3A_475 = vector.broadcast %reduce_sum3A_474 : i1 to vector<16xi1>
      %reduce_sum3A_476 = tpu.scan <sum>, %add3A_473 masked %reduce_sum3A_475 : vector<16xf32>, vector<16xi1> -> vector<16xf32>
      %reduce_sum3A_477 = vector.extract %reduce_sum3A_476[15] : f32 from vector<16xf32>
      %mul3A_478 = vector.broadcast %reduce_sum3A_477 : f32 to vector<16xf32>
      %mul3A_479 = arith.mulf %mul3A_478, %broadcast_in_dim3A_30 : vector<16xf32>
      %bitcast3A = vector.bitcast %mul3A_479 : vector<16xf32> to vector<16xi32>
      %shift_right_logical3A = arith.constant 1 : i32
      %shift_right_logical3A_480 = vector.broadcast %shift_right_logical3A : i32 to vector<16xi32>
      %shift_right_logical3A_481 = arith.shrui %bitcast3A, %shift_right_logical3A_480 : vector<16xi32>
      %sub3A_482 = arith.constant 1597463007 : i32
      %sub3A_483 = vector.broadcast %sub3A_482 : i32 to vector<16xi32>
      %sub3A_484 = arith.subi %sub3A_483, %shift_right_logical3A_481 : vector<16xi32>
      %bitcast3A_485 = vector.bitcast %sub3A_484 : vector<16xi32> to vector<16xf32>
      %mul3A_486 = arith.constant 5.000000e-01 : f32
      %mul3A_487 = vector.broadcast %mul3A_486 : f32 to vector<16xf32>
      %mul3A_488 = arith.mulf %mul3A_487, %mul3A_479 : vector<16xf32>
      %mul3A_489 = arith.mulf %mul3A_488, %bitcast3A_485 : vector<16xf32>
      %mul3A_490 = arith.mulf %mul3A_489, %bitcast3A_485 : vector<16xf32>
      %sub3A_491 = arith.constant 1.500000e+00 : f32
      %sub3A_492 = vector.broadcast %sub3A_491 : f32 to vector<16xf32>
      %sub3A_493 = arith.subf %sub3A_492, %mul3A_490 : vector<16xf32>
      %mul3A_494 = arith.mulf %bitcast3A_485, %sub3A_493 : vector<16xf32>
      %mul3A_495 = arith.constant 5.000000e-01 : f32
      %mul3A_496 = vector.broadcast %mul3A_495 : f32 to vector<16xf32>
      %mul3A_497 = arith.mulf %mul3A_496, %mul3A_479 : vector<16xf32>
      %mul3A_498 = arith.mulf %mul3A_497, %mul3A_494 : vector<16xf32>
      %mul3A_499 = arith.mulf %mul3A_498, %mul3A_494 : vector<16xf32>
      %sub3A_500 = arith.constant 1.500000e+00 : f32
      %sub3A_501 = vector.broadcast %sub3A_500 : f32 to vector<16xf32>
      %sub3A_502 = arith.subf %sub3A_501, %mul3A_499 : vector<16xf32>
      %mul3A_503 = arith.mulf %mul3A_494, %sub3A_502 : vector<16xf32>
      %mul3A_504 = arith.constant 5.000000e-01 : f32
      %mul3A_505 = vector.broadcast %mul3A_504 : f32 to vector<16xf32>
      %mul3A_506 = arith.mulf %mul3A_505, %mul3A_479 : vector<16xf32>
      %mul3A_507 = arith.mulf %mul3A_506, %mul3A_503 : vector<16xf32>
      %mul3A_508 = arith.mulf %mul3A_507, %mul3A_503 : vector<16xf32>
      %sub3A_509 = arith.constant 1.500000e+00 : f32
      %sub3A_510 = vector.broadcast %sub3A_509 : f32 to vector<16xf32>
      %sub3A_511 = arith.subf %sub3A_510, %mul3A_508 : vector<16xf32>
      %mul3A_512 = arith.mulf %mul3A_503, %sub3A_511 : vector<16xf32>
      %mul3A_513 = arith.constant 5.000000e-01 : f32
      %mul3A_514 = vector.broadcast %mul3A_513 : f32 to vector<16xf32>
      %mul3A_515 = arith.mulf %mul3A_514, %mul3A_479 : vector<16xf32>
      %mul3A_516 = arith.mulf %mul3A_515, %mul3A_512 : vector<16xf32>
      %mul3A_517 = arith.mulf %mul3A_516, %mul3A_512 : vector<16xf32>
      %sub3A_518 = arith.constant 1.500000e+00 : f32
      %sub3A_519 = vector.broadcast %sub3A_518 : f32 to vector<16xf32>
      %sub3A_520 = arith.subf %sub3A_519, %mul3A_517 : vector<16xf32>
      %mul3A_521 = arith.mulf %mul3A_512, %sub3A_520 : vector<16xf32>
      %get3A_522 = arith.index_cast %add3A_59 : i32 to index
      %get3A_523 = arith.constant 0 : index
      %get3A_524 = tpu.vector_load %arg17[%get3A_522, %get3A_523] {strides = array<i32>} : memref<32x256xf32, #tpu.memory_space<vmem>>, vector<16xf32>,
      %mul3A_525 = arith.mulf %get3A_524, %mul3A_521 : vector<16xf32>
      %swap3A_526 = arith.index_cast %add3A_59 : i32 to index
      %swap3A_527 = arith.constant 0 : index
      %swap3A_528 = tpu.vector_load %arg17[%swap3A_526, %swap3A_527] {strides = array<i32>} : memref<32x256xf32, #tpu.memory_space<vmem>>, vector<16xf32>,
      tpu.vector_store %arg17[%swap3A_526, %swap3A_527], %mul3A_525 {strides = array<i32>} : memref<32x256xf32, #tpu.memory_space<vmem>>, vector<16xf32>,
      %get3A_529 = arith.index_cast %add3A_59 : i32 to index
      %get3A_530 = arith.constant 16 : index
      %get3A_531 = tpu.vector_load %arg17[%get3A_529, %get3A_530] {strides = array<i32>} : memref<32x256xf32, #tpu.memory_space<vmem>>, vector<16xf32>,
      %mul3A_532 = arith.mulf %get3A_531, %mul3A_521 : vector<16xf32>
      %swap3A_533 = arith.index_cast %add3A_59 : i32 to index
      %swap3A_534 = arith.constant 16 : index
      %swap3A_535 = tpu.vector_load %arg17[%swap3A_533, %swap3A_534] {strides = array<i32>} : memref<32x256xf32, #tpu.memory_space<vmem>>, vector<16xf32>,
      tpu.vector_store %arg17[%swap3A_533, %swap3A_534], %mul3A_532 {strides = array<i32>} : memref<32x256xf32, #tpu.memory_space<vmem>>, vector<16xf32>,
      %get3A_536 = arith.index_cast %add3A_59 : i32 to index
      %get3A_537 = arith.constant 32 : index
      %get3A_538 = tpu.vector_load %arg17[%get3A_536, %get3A_537] {strides = array<i32>} : memref<32x256xf32, #tpu.memory_space<vmem>>, vector<16xf32>,
      %mul3A_539 = arith.mulf %get3A_538, %mul3A_521 : vector<16xf32>
      %swap3A_540 = arith.index_cast %add3A_59 : i32 to index
      %swap3A_541 = arith.constant 32 : index
      %swap3A_542 = tpu.vector_load %arg17[%swap3A_540, %swap3A_541] {strides = array<i32>} : memref<32x256xf32, #tpu.memory_space<vmem>>, vector<16xf32>,
      tpu.vector_store %arg17[%swap3A_540, %swap3A_541], %mul3A_539 {strides = array<i32>} : memref<32x256xf32, #tpu.memory_space<vmem>>, vector<16xf32>,
      %get3A_543 = arith.index_cast %add3A_59 : i32 to index
      %get3A_544 = arith.constant 48 : index
      %get3A_545 = tpu.vector_load %arg17[%get3A_543, %get3A_544] {strides = array<i32>} : memref<32x256xf32, #tpu.memory_space<vmem>>, vector<16xf32>,
      %mul3A_546 = arith.mulf %get3A_545, %mul3A_521 : vector<16xf32>
      %swap3A_547 = arith.index_cast %add3A_59 : i32 to index
      %swap3A_548 = arith.constant 48 : index
      %swap3A_549 = tpu.vector_load %arg17[%swap3A_547, %swap3A_548] {strides = array<i32>} : memref<32x256xf32, #tpu.memory_space<vmem>>, vector<16xf32>,
      tpu.vector_store %arg17[%swap3A_547, %swap3A_548], %mul3A_546 {strides = array<i32>} : memref<32x256xf32, #tpu.memory_space<vmem>>, vector<16xf32>,
      %get3A_550 = arith.index_cast %add3A_59 : i32 to index
      %get3A_551 = arith.constant 64 : index
      %get3A_552 = tpu.vector_load %arg17[%get3A_550, %get3A_551] {strides = array<i32>} : memref<32x256xf32, #tpu.memory_space<vmem>>, vector<16xf32>,
      %mul3A_553 = arith.mulf %get3A_552, %mul3A_521 : vector<16xf32>
      %swap3A_554 = arith.index_cast %add3A_59 : i32 to index
      %swap3A_555 = arith.constant 64 : index
      %swap3A_556 = tpu.vector_load %arg17[%swap3A_554, %swap3A_555] {strides = array<i32>} : memref<32x256xf32, #tpu.memory_space<vmem>>, vector<16xf32>,
      tpu.vector_store %arg17[%swap3A_554, %swap3A_555], %mul3A_553 {strides = array<i32>} : memref<32x256xf32, #tpu.memory_space<vmem>>, vector<16xf32>,
      %get3A_557 = arith.index_cast %add3A_59 : i32 to index
      %get3A_558 = arith.constant 80 : index
      %get3A_559 = tpu.vector_load %arg17[%get3A_557, %get3A_558] {strides = array<i32>} : memref<32x256xf32, #tpu.memory_space<vmem>>, vector<16xf32>,
      %mul3A_560 = arith.mulf %get3A_559, %mul3A_521 : vector<16xf32>
      %swap3A_561 = arith.index_cast %add3A_59 : i32 to index
      %swap3A_562 = arith.constant 80 : index
      %swap3A_563 = tpu.vector_load %arg17[%swap3A_561, %swap3A_562] {strides = array<i32>} : memref<32x256xf32, #tpu.memory_space<vmem>>, vector<16xf32>,
      tpu.vector_store %arg17[%swap3A_561, %swap3A_562], %mul3A_560 {strides = array<i32>} : memref<32x256xf32, #tpu.memory_space<vmem>>, vector<16xf32>,
      %get3A_564 = arith.index_cast %add3A_59 : i32 to index
      %get3A_565 = arith.constant 96 : index
      %get3A_566 = tpu.vector_load %arg17[%get3A_564, %get3A_565] {strides = array<i32>} : memref<32x256xf32, #tpu.memory_space<vmem>>, vector<16xf32>,
      %mul3A_567 = arith.mulf %get3A_566, %mul3A_521 : vector<16xf32>
      %swap3A_568 = arith.index_cast %add3A_59 : i32 to index
      %swap3A_569 = arith.constant 96 : index
      %swap3A_570 = tpu.vector_load %arg17[%swap3A_568, %swap3A_569] {strides = array<i32>} : memref<32x256xf32, #tpu.memory_space<vmem>>, vector<16xf32>,
      tpu.vector_store %arg17[%swap3A_568, %swap3A_569], %mul3A_567 {strides = array<i32>} : memref<32x256xf32, #tpu.memory_space<vmem>>, vector<16xf32>,
      %get3A_571 = arith.index_cast %add3A_59 : i32 to index
      %get3A_572 = arith.constant 112 : index
      %get3A_573 = tpu.vector_load %arg17[%get3A_571, %get3A_572] {strides = array<i32>} : memref<32x256xf32, #tpu.memory_space<vmem>>, vector<16xf32>,
      %mul3A_574 = arith.mulf %get3A_573, %mul3A_521 : vector<16xf32>
      %swap3A_575 = arith.index_cast %add3A_59 : i32 to index
      %swap3A_576 = arith.constant 112 : index
      %swap3A_577 = tpu.vector_load %arg17[%swap3A_575, %swap3A_576] {strides = array<i32>} : memref<32x256xf32, #tpu.memory_space<vmem>>, vector<16xf32>,
      tpu.vector_store %arg17[%swap3A_575, %swap3A_576], %mul3A_574 {strides = array<i32>} : memref<32x256xf32, #tpu.memory_space<vmem>>, vector<16xf32>,
      %get3A_578 = arith.index_cast %add3A_59 : i32 to index
      %get3A_579 = arith.constant 128 : index
      %get3A_580 = tpu.vector_load %arg17[%get3A_578, %get3A_579] {strides = array<i32>} : memref<32x256xf32, #tpu.memory_space<vmem>>, vector<16xf32>,
      %mul3A_581 = arith.mulf %get3A_580, %mul3A_521 : vector<16xf32>
      %swap3A_582 = arith.index_cast %add3A_59 : i32 to index
      %swap3A_583 = arith.constant 128 : index
      %swap3A_584 = tpu.vector_load %arg17[%swap3A_582, %swap3A_583] {strides = array<i32>} : memref<32x256xf32, #tpu.memory_space<vmem>>, vector<16xf32>,
      tpu.vector_store %arg17[%swap3A_582, %swap3A_583], %mul3A_581 {strides = array<i32>} : memref<32x256xf32, #tpu.memory_space<vmem>>, vector<16xf32>,
      %get3A_585 = arith.index_cast %add3A_59 : i32 to index
      %get3A_586 = arith.constant 144 : index
      %get3A_587 = tpu.vector_load %arg17[%get3A_585, %get3A_586] {strides = array<i32>} : memref<32x256xf32, #tpu.memory_space<vmem>>, vector<16xf32>,
      %mul3A_588 = arith.mulf %get3A_587, %mul3A_521 : vector<16xf32>
      %swap3A_589 = arith.index_cast %add3A_59 : i32 to index
      %swap3A_590 = arith.constant 144 : index
      %swap3A_591 = tpu.vector_load %arg17[%swap3A_589, %swap3A_590] {strides = array<i32>} : memref<32x256xf32, #tpu.memory_space<vmem>>, vector<16xf32>,
      tpu.vector_store %arg17[%swap3A_589, %swap3A_590], %mul3A_588 {strides = array<i32>} : memref<32x256xf32, #tpu.memory_space<vmem>>, vector<16xf32>,
      %get3A_592 = arith.index_cast %add3A_59 : i32 to index
      %get3A_593 = arith.constant 160 : index
      %get3A_594 = tpu.vector_load %arg17[%get3A_592, %get3A_593] {strides = array<i32>} : memref<32x256xf32, #tpu.memory_space<vmem>>, vector<16xf32>,
      %mul3A_595 = arith.mulf %get3A_594, %mul3A_521 : vector<16xf32>
      %swap3A_596 = arith.index_cast %add3A_59 : i32 to index
      %swap3A_597 = arith.constant 160 : index
      %swap3A_598 = tpu.vector_load %arg17[%swap3A_596, %swap3A_597] {strides = array<i32>} : memref<32x256xf32, #tpu.memory_space<vmem>>, vector<16xf32>,
      tpu.vector_store %arg17[%swap3A_596, %swap3A_597], %mul3A_595 {strides = array<i32>} : memref<32x256xf32, #tpu.memory_space<vmem>>, vector<16xf32>,
      %get3A_599 = arith.index_cast %add3A_59 : i32 to index
      %get3A_600 = arith.constant 176 : index
      %get3A_601 = tpu.vector_load %arg17[%get3A_599, %get3A_600] {strides = array<i32>} : memref<32x256xf32, #tpu.memory_space<vmem>>, vector<16xf32>,
      %mul3A_602 = arith.mulf %get3A_601, %mul3A_521 : vector<16xf32>
      %swap3A_603 = arith.index_cast %add3A_59 : i32 to index
      %swap3A_604 = arith.constant 176 : index
      %swap3A_605 = tpu.vector_load %arg17[%swap3A_603, %swap3A_604] {strides = array<i32>} : memref<32x256xf32, #tpu.memory_space<vmem>>, vector<16xf32>,
      tpu.vector_store %arg17[%swap3A_603, %swap3A_604], %mul3A_602 {strides = array<i32>} : memref<32x256xf32, #tpu.memory_space<vmem>>, vector<16xf32>,
      %get3A_606 = arith.index_cast %add3A_59 : i32 to index
      %get3A_607 = arith.constant 192 : index
      %get3A_608 = tpu.vector_load %arg17[%get3A_606, %get3A_607] {strides = array<i32>} : memref<32x256xf32, #tpu.memory_space<vmem>>, vector<16xf32>,
      %mul3A_609 = arith.mulf %get3A_608, %mul3A_521 : vector<16xf32>
      %swap3A_610 = arith.index_cast %add3A_59 : i32 to index
      %swap3A_611 = arith.constant 192 : index
      %swap3A_612 = tpu.vector_load %arg17[%swap3A_610, %swap3A_611] {strides = array<i32>} : memref<32x256xf32, #tpu.memory_space<vmem>>, vector<16xf32>,
      tpu.vector_store %arg17[%swap3A_610, %swap3A_611], %mul3A_609 {strides = array<i32>} : memref<32x256xf32, #tpu.memory_space<vmem>>, vector<16xf32>,
      %get3A_613 = arith.index_cast %add3A_59 : i32 to index
      %get3A_614 = arith.constant 208 : index
      %get3A_615 = tpu.vector_load %arg17[%get3A_613, %get3A_614] {strides = array<i32>} : memref<32x256xf32, #tpu.memory_space<vmem>>, vector<16xf32>,
      %mul3A_616 = arith.mulf %get3A_615, %mul3A_521 : vector<16xf32>
      %swap3A_617 = arith.index_cast %add3A_59 : i32 to index
      %swap3A_618 = arith.constant 208 : index
      %swap3A_619 = tpu.vector_load %arg17[%swap3A_617, %swap3A_618] {strides = array<i32>} : memref<32x256xf32, #tpu.memory_space<vmem>>, vector<16xf32>,
      tpu.vector_store %arg17[%swap3A_617, %swap3A_618], %mul3A_616 {strides = array<i32>} : memref<32x256xf32, #tpu.memory_space<vmem>>, vector<16xf32>,
      %get3A_620 = arith.index_cast %add3A_59 : i32 to index
      %get3A_621 = arith.constant 224 : index
      %get3A_622 = tpu.vector_load %arg17[%get3A_620, %get3A_621] {strides = array<i32>} : memref<32x256xf32, #tpu.memory_space<vmem>>, vector<16xf32>,
      %mul3A_623 = arith.mulf %get3A_622, %mul3A_521 : vector<16xf32>
      %swap3A_624 = arith.index_cast %add3A_59 : i32 to index
      %swap3A_625 = arith.constant 224 : index
      %swap3A_626 = tpu.vector_load %arg17[%swap3A_624, %swap3A_625] {strides = array<i32>} : memref<32x256xf32, #tpu.memory_space<vmem>>, vector<16xf32>,
      tpu.vector_store %arg17[%swap3A_624, %swap3A_625], %mul3A_623 {strides = array<i32>} : memref<32x256xf32, #tpu.memory_space<vmem>>, vector<16xf32>,
      %get3A_627 = arith.index_cast %add3A_59 : i32 to index
      %get3A_628 = arith.constant 240 : index
      %get3A_629 = tpu.vector_load %arg17[%get3A_627, %get3A_628] {strides = array<i32>} : memref<32x256xf32, #tpu.memory_space<vmem>>, vector<16xf32>,
      %mul3A_630 = arith.mulf %get3A_629, %mul3A_521 : vector<16xf32>
      %swap3A_631 = arith.index_cast %add3A_59 : i32 to index
      %swap3A_632 = arith.constant 240 : index
      %swap3A_633 = tpu.vector_load %arg17[%swap3A_631, %swap3A_632] {strides = array<i32>} : memref<32x256xf32, #tpu.memory_space<vmem>>, vector<16xf32>,
      tpu.vector_store %arg17[%swap3A_631, %swap3A_632], %mul3A_630 {strides = array<i32>} : memref<32x256xf32, #tpu.memory_space<vmem>>, vector<16xf32>,
    }
    %scan3A_34 = arith.constant 32 : i32
    %dma_wait3A_35 = tpu.memref_slice %arg9[%mul3A_2] : memref<1024xi32, #tpu.memory_space<hbm>> -> memref<32xi32, #tpu.memory_space<hbm>>
    %dma_wait3A_36 = tpu.memref_slice %arg9[%mul3A_2] : memref<1024xi32, #tpu.memory_space<hbm>> -> memref<32xi32, #tpu.memory_space<hbm>>
    tpu.wait_dma2 semaphore(%arg24 : memref<!tpu.dma_semaphore, #tpu.memory_space<semaphore_mem>>) src(%dma_wait3A_36 : memref<32xi32, #tpu.memory_space<hbm>>) dst(%arg14 : memref<32xi32, #tpu.memory_space<vmem>>)
    %dma_start3A_37 = arith.constant 0 : i32
    %dma_start3A_38 = arith.constant 0 : i32
    %dma_start3A_39 = tpu.memref_slice %arg10[%dma_start3A_37, %dma_start3A_38] : memref<16392x256xf32, #tpu.memory_space<hbm>> -> memref<16392x256xf32, #tpu.memory_space<hbm>>
    tpu.enqueue_indirect_dma source(%arg17 : memref<32x256xf32, #tpu.memory_space<vmem>>) target(%dma_start3A_39 : memref<16392x256xf32, #tpu.memory_space<hbm>>) offsets(%arg14 : memref<32xi32, #tpu.memory_space<vmem>>) semaphore(%arg27 : memref<!tpu.dma_semaphore, #tpu.memory_space<semaphore_mem>>)
    %dma_wait3A_40 = arith.constant 0 : i32
    %dma_wait3A_41 = arith.constant 0 : i32
    %dma_wait3A_42 = tpu.memref_slice %arg10[%dma_wait3A_40, %dma_wait3A_41] : memref<16392x256xf32, #tpu.memory_space<hbm>> -> memref<16392x256xf32, #tpu.memory_space<hbm>>
    tpu.wait_indirect_dma semaphore(%arg27 : memref<!tpu.dma_semaphore, #tpu.memory_space<semaphore_mem>>) src(%arg17 : memref<32x256xf32, #tpu.memory_space<vmem>>) dst(%dma_wait3A_42 : memref<16392x256xf32, #tpu.memory_space<hbm>>)
    %eq3A = arith.constant 0 : i32
    %eq3A_43 = arith.cmpi eq, %arg0, %eq3A : i32
    %eq3A_44 = arith.constant 0 : i32
    %eq3A_45 = arith.cmpi eq, %arg1, %eq3A_44 : i32
    %and3A = arith.andi %eq3A_43, %eq3A_45 : i1
    %convert_element_type3A = arith.extui %and3A : i1 to i32
    %cond3A = arith.constant 0 : i32
    %cond3A_46 = arith.cmpi ne, %convert_element_type3A, %cond3A : i32
    scf.if %cond3A_46 {
      %broadcast_in_dim3A_55 = arith.constant 0.000000e+00 : f32
      %broadcast_in_dim3A_56 = vector.broadcast %broadcast_in_dim3A_55 : f32 to vector<16xf32>
      %broadcast_in_dim3A_57 = arith.constant 1.000000e+00 : f32
      %broadcast_in_dim3A_58 = vector.broadcast %broadcast_in_dim3A_57 : f32 to vector<16xf32>
      %scan3A_59 = arith.constant 0 : i32
      %scan3A_60 = arith.constant 1025 : i32
      %scan3A_61 = arith.addi %scan3A_59, %scan3A_60 : i32
      %scan3A_62 = arith.constant 1 : i32
      scf.for %scan3A_192 = %scan3A_59 to %scan3A_61 step %scan3A_62  : i32 {
        %mul3A_193 = arith.constant 1 : i32
        %mul3A_194 = arith.muli %scan3A_192, %mul3A_193 : i32
        %add3A_195 = arith.constant 0 : i32
        %add3A_196 = arith.addi %add3A_195, %mul3A_194 : i32
        %mul3A_197 = arith.constant 16 : i32
        %mul3A_198 = arith.muli %add3A_196, %mul3A_197 : i32
        %swap3A = arith.index_cast %mul3A_198 : i32 to index
        %swap3A_199 = tpu.vector_load %arg20[%swap3A] {strides = array<i32>} : memref<16400xf32, #tpu.memory_space<vmem>>, vector<16xf32>,
        tpu.vector_store %arg20[%swap3A], %broadcast_in_dim3A_56 {strides = array<i32>} : memref<16400xf32, #tpu.memory_space<vmem>>, vector<16xf32>,
      }
      %scan3A_63 = arith.constant 1025 : i32
      "tpu.region"() ({
        %run_scoped3A = tpu.sem_alloc : memref<!tpu.dma_semaphore, #tpu.memory_space<semaphore_mem>>
        tpu.enqueue_dma source(%arg9 : memref<1024xi32, #tpu.memory_space<hbm>>) target(%arg21 : memref<1024xi32, #tpu.memory_space<vmem>>) target_semaphore(%run_scoped3A : memref<!tpu.dma_semaphore, #tpu.memory_space<semaphore_mem>>)
        tpu.wait_dma2 semaphore(%run_scoped3A : memref<!tpu.dma_semaphore, #tpu.memory_space<semaphore_mem>>) src(%arg9 : memref<1024xi32, #tpu.memory_space<hbm>>) dst(%arg21 : memref<1024xi32, #tpu.memory_space<vmem>>)
        tpu.yield
      }) : () -> ()
      %get3A_64 = arith.constant 0 : index
      %get3A_65 = tpu.vector_load %arg21[%get3A_64] {strides = array<i32>} : memref<1024xi32, #tpu.memory_space<vmem>>, vector<16xi32>,
      tpu.vector_store_idx %arg20[%get3A_65], %broadcast_in_dim3A_58 : memref<16400xf32, #tpu.memory_space<vmem>>[vector<16xi32>], vector<16xf32>,
      %get3A_66 = arith.constant 16 : index
      %get3A_67 = tpu.vector_load %arg21[%get3A_66] {strides = array<i32>} : memref<1024xi32, #tpu.memory_space<vmem>>, vector<16xi32>,
      tpu.vector_store_idx %arg20[%get3A_67], %broadcast_in_dim3A_58 : memref<16400xf32, #tpu.memory_space<vmem>>[vector<16xi32>], vector<16xf32>,
      %get3A_68 = arith.constant 32 : index
      %get3A_69 = tpu.vector_load %arg21[%get3A_68] {strides = array<i32>} : memref<1024xi32, #tpu.memory_space<vmem>>, vector<16xi32>,
      tpu.vector_store_idx %arg20[%get3A_69], %broadcast_in_dim3A_58 : memref<16400xf32, #tpu.memory_space<vmem>>[vector<16xi32>], vector<16xf32>,
      %get3A_70 = arith.constant 48 : index
      %get3A_71 = tpu.vector_load %arg21[%get3A_70] {strides = array<i32>} : memref<1024xi32, #tpu.memory_space<vmem>>, vector<16xi32>,
      tpu.vector_store_idx %arg20[%get3A_71], %broadcast_in_dim3A_58 : memref<16400xf32, #tpu.memory_space<vmem>>[vector<16xi32>], vector<16xf32>,
      %get3A_72 = arith.constant 64 : index
      %get3A_73 = tpu.vector_load %arg21[%get3A_72] {strides = array<i32>} : memref<1024xi32, #tpu.memory_space<vmem>>, vector<16xi32>,
      tpu.vector_store_idx %arg20[%get3A_73], %broadcast_in_dim3A_58 : memref<16400xf32, #tpu.memory_space<vmem>>[vector<16xi32>], vector<16xf32>,
      %get3A_74 = arith.constant 80 : index
      %get3A_75 = tpu.vector_load %arg21[%get3A_74] {strides = array<i32>} : memref<1024xi32, #tpu.memory_space<vmem>>, vector<16xi32>,
      tpu.vector_store_idx %arg20[%get3A_75], %broadcast_in_dim3A_58 : memref<16400xf32, #tpu.memory_space<vmem>>[vector<16xi32>], vector<16xf32>,
      %get3A_76 = arith.constant 96 : index
      %get3A_77 = tpu.vector_load %arg21[%get3A_76] {strides = array<i32>} : memref<1024xi32, #tpu.memory_space<vmem>>, vector<16xi32>,
      tpu.vector_store_idx %arg20[%get3A_77], %broadcast_in_dim3A_58 : memref<16400xf32, #tpu.memory_space<vmem>>[vector<16xi32>], vector<16xf32>,
      %get3A_78 = arith.constant 112 : index
      %get3A_79 = tpu.vector_load %arg21[%get3A_78] {strides = array<i32>} : memref<1024xi32, #tpu.memory_space<vmem>>, vector<16xi32>,
      tpu.vector_store_idx %arg20[%get3A_79], %broadcast_in_dim3A_58 : memref<16400xf32, #tpu.memory_space<vmem>>[vector<16xi32>], vector<16xf32>,
      %get3A_80 = arith.constant 128 : index
      %get3A_81 = tpu.vector_load %arg21[%get3A_80] {strides = array<i32>} : memref<1024xi32, #tpu.memory_space<vmem>>, vector<16xi32>,
      tpu.vector_store_idx %arg20[%get3A_81], %broadcast_in_dim3A_58 : memref<16400xf32, #tpu.memory_space<vmem>>[vector<16xi32>], vector<16xf32>,
      %get3A_82 = arith.constant 144 : index
      %get3A_83 = tpu.vector_load %arg21[%get3A_82] {strides = array<i32>} : memref<1024xi32, #tpu.memory_space<vmem>>, vector<16xi32>,
      tpu.vector_store_idx %arg20[%get3A_83], %broadcast_in_dim3A_58 : memref<16400xf32, #tpu.memory_space<vmem>>[vector<16xi32>], vector<16xf32>,
      %get3A_84 = arith.constant 160 : index
      %get3A_85 = tpu.vector_load %arg21[%get3A_84] {strides = array<i32>} : memref<1024xi32, #tpu.memory_space<vmem>>, vector<16xi32>,
      tpu.vector_store_idx %arg20[%get3A_85], %broadcast_in_dim3A_58 : memref<16400xf32, #tpu.memory_space<vmem>>[vector<16xi32>], vector<16xf32>,
      %get3A_86 = arith.constant 176 : index
      %get3A_87 = tpu.vector_load %arg21[%get3A_86] {strides = array<i32>} : memref<1024xi32, #tpu.memory_space<vmem>>, vector<16xi32>,
      tpu.vector_store_idx %arg20[%get3A_87], %broadcast_in_dim3A_58 : memref<16400xf32, #tpu.memory_space<vmem>>[vector<16xi32>], vector<16xf32>,
      %get3A_88 = arith.constant 192 : index
      %get3A_89 = tpu.vector_load %arg21[%get3A_88] {strides = array<i32>} : memref<1024xi32, #tpu.memory_space<vmem>>, vector<16xi32>,
      tpu.vector_store_idx %arg20[%get3A_89], %broadcast_in_dim3A_58 : memref<16400xf32, #tpu.memory_space<vmem>>[vector<16xi32>], vector<16xf32>,
      %get3A_90 = arith.constant 208 : index
      %get3A_91 = tpu.vector_load %arg21[%get3A_90] {strides = array<i32>} : memref<1024xi32, #tpu.memory_space<vmem>>, vector<16xi32>,
      tpu.vector_store_idx %arg20[%get3A_91], %broadcast_in_dim3A_58 : memref<16400xf32, #tpu.memory_space<vmem>>[vector<16xi32>], vector<16xf32>,
      %get3A_92 = arith.constant 224 : index
      %get3A_93 = tpu.vector_load %arg21[%get3A_92] {strides = array<i32>} : memref<1024xi32, #tpu.memory_space<vmem>>, vector<16xi32>,
      tpu.vector_store_idx %arg20[%get3A_93], %broadcast_in_dim3A_58 : memref<16400xf32, #tpu.memory_space<vmem>>[vector<16xi32>], vector<16xf32>,
      %get3A_94 = arith.constant 240 : index
      %get3A_95 = tpu.vector_load %arg21[%get3A_94] {strides = array<i32>} : memref<1024xi32, #tpu.memory_space<vmem>>, vector<16xi32>,
      tpu.vector_store_idx %arg20[%get3A_95], %broadcast_in_dim3A_58 : memref<16400xf32, #tpu.memory_space<vmem>>[vector<16xi32>], vector<16xf32>,
      %get3A_96 = arith.constant 256 : index
      %get3A_97 = tpu.vector_load %arg21[%get3A_96] {strides = array<i32>} : memref<1024xi32, #tpu.memory_space<vmem>>, vector<16xi32>,
      tpu.vector_store_idx %arg20[%get3A_97], %broadcast_in_dim3A_58 : memref<16400xf32, #tpu.memory_space<vmem>>[vector<16xi32>], vector<16xf32>,
      %get3A_98 = arith.constant 272 : index
      %get3A_99 = tpu.vector_load %arg21[%get3A_98] {strides = array<i32>} : memref<1024xi32, #tpu.memory_space<vmem>>, vector<16xi32>,
      tpu.vector_store_idx %arg20[%get3A_99], %broadcast_in_dim3A_58 : memref<16400xf32, #tpu.memory_space<vmem>>[vector<16xi32>], vector<16xf32>,
      %get3A_100 = arith.constant 288 : index
      %get3A_101 = tpu.vector_load %arg21[%get3A_100] {strides = array<i32>} : memref<1024xi32, #tpu.memory_space<vmem>>, vector<16xi32>,
      tpu.vector_store_idx %arg20[%get3A_101], %broadcast_in_dim3A_58 : memref<16400xf32, #tpu.memory_space<vmem>>[vector<16xi32>], vector<16xf32>,
      %get3A_102 = arith.constant 304 : index
      %get3A_103 = tpu.vector_load %arg21[%get3A_102] {strides = array<i32>} : memref<1024xi32, #tpu.memory_space<vmem>>, vector<16xi32>,
      tpu.vector_store_idx %arg20[%get3A_103], %broadcast_in_dim3A_58 : memref<16400xf32, #tpu.memory_space<vmem>>[vector<16xi32>], vector<16xf32>,
      %get3A_104 = arith.constant 320 : index
      %get3A_105 = tpu.vector_load %arg21[%get3A_104] {strides = array<i32>} : memref<1024xi32, #tpu.memory_space<vmem>>, vector<16xi32>,
      tpu.vector_store_idx %arg20[%get3A_105], %broadcast_in_dim3A_58 : memref<16400xf32, #tpu.memory_space<vmem>>[vector<16xi32>], vector<16xf32>,
      %get3A_106 = arith.constant 336 : index
      %get3A_107 = tpu.vector_load %arg21[%get3A_106] {strides = array<i32>} : memref<1024xi32, #tpu.memory_space<vmem>>, vector<16xi32>,
      tpu.vector_store_idx %arg20[%get3A_107], %broadcast_in_dim3A_58 : memref<16400xf32, #tpu.memory_space<vmem>>[vector<16xi32>], vector<16xf32>,
      %get3A_108 = arith.constant 352 : index
      %get3A_109 = tpu.vector_load %arg21[%get3A_108] {strides = array<i32>} : memref<1024xi32, #tpu.memory_space<vmem>>, vector<16xi32>,
      tpu.vector_store_idx %arg20[%get3A_109], %broadcast_in_dim3A_58 : memref<16400xf32, #tpu.memory_space<vmem>>[vector<16xi32>], vector<16xf32>,
      %get3A_110 = arith.constant 368 : index
      %get3A_111 = tpu.vector_load %arg21[%get3A_110] {strides = array<i32>} : memref<1024xi32, #tpu.memory_space<vmem>>, vector<16xi32>,
      tpu.vector_store_idx %arg20[%get3A_111], %broadcast_in_dim3A_58 : memref<16400xf32, #tpu.memory_space<vmem>>[vector<16xi32>], vector<16xf32>,
      %get3A_112 = arith.constant 384 : index
      %get3A_113 = tpu.vector_load %arg21[%get3A_112] {strides = array<i32>} : memref<1024xi32, #tpu.memory_space<vmem>>, vector<16xi32>,
      tpu.vector_store_idx %arg20[%get3A_113], %broadcast_in_dim3A_58 : memref<16400xf32, #tpu.memory_space<vmem>>[vector<16xi32>], vector<16xf32>,
      %get3A_114 = arith.constant 400 : index
      %get3A_115 = tpu.vector_load %arg21[%get3A_114] {strides = array<i32>} : memref<1024xi32, #tpu.memory_space<vmem>>, vector<16xi32>,
      tpu.vector_store_idx %arg20[%get3A_115], %broadcast_in_dim3A_58 : memref<16400xf32, #tpu.memory_space<vmem>>[vector<16xi32>], vector<16xf32>,
      %get3A_116 = arith.constant 416 : index
      %get3A_117 = tpu.vector_load %arg21[%get3A_116] {strides = array<i32>} : memref<1024xi32, #tpu.memory_space<vmem>>, vector<16xi32>,
      tpu.vector_store_idx %arg20[%get3A_117], %broadcast_in_dim3A_58 : memref<16400xf32, #tpu.memory_space<vmem>>[vector<16xi32>], vector<16xf32>,
      %get3A_118 = arith.constant 432 : index
      %get3A_119 = tpu.vector_load %arg21[%get3A_118] {strides = array<i32>} : memref<1024xi32, #tpu.memory_space<vmem>>, vector<16xi32>,
      tpu.vector_store_idx %arg20[%get3A_119], %broadcast_in_dim3A_58 : memref<16400xf32, #tpu.memory_space<vmem>>[vector<16xi32>], vector<16xf32>,
      %get3A_120 = arith.constant 448 : index
      %get3A_121 = tpu.vector_load %arg21[%get3A_120] {strides = array<i32>} : memref<1024xi32, #tpu.memory_space<vmem>>, vector<16xi32>,
      tpu.vector_store_idx %arg20[%get3A_121], %broadcast_in_dim3A_58 : memref<16400xf32, #tpu.memory_space<vmem>>[vector<16xi32>], vector<16xf32>,
      %get3A_122 = arith.constant 464 : index
      %get3A_123 = tpu.vector_load %arg21[%get3A_122] {strides = array<i32>} : memref<1024xi32, #tpu.memory_space<vmem>>, vector<16xi32>,
      tpu.vector_store_idx %arg20[%get3A_123], %broadcast_in_dim3A_58 : memref<16400xf32, #tpu.memory_space<vmem>>[vector<16xi32>], vector<16xf32>,
      %get3A_124 = arith.constant 480 : index
      %get3A_125 = tpu.vector_load %arg21[%get3A_124] {strides = array<i32>} : memref<1024xi32, #tpu.memory_space<vmem>>, vector<16xi32>,
      tpu.vector_store_idx %arg20[%get3A_125], %broadcast_in_dim3A_58 : memref<16400xf32, #tpu.memory_space<vmem>>[vector<16xi32>], vector<16xf32>,
      %get3A_126 = arith.constant 496 : index
      %get3A_127 = tpu.vector_load %arg21[%get3A_126] {strides = array<i32>} : memref<1024xi32, #tpu.memory_space<vmem>>, vector<16xi32>,
      tpu.vector_store_idx %arg20[%get3A_127], %broadcast_in_dim3A_58 : memref<16400xf32, #tpu.memory_space<vmem>>[vector<16xi32>], vector<16xf32>,
      %get3A_128 = arith.constant 512 : index
      %get3A_129 = tpu.vector_load %arg21[%get3A_128] {strides = array<i32>} : memref<1024xi32, #tpu.memory_space<vmem>>, vector<16xi32>,
      tpu.vector_store_idx %arg20[%get3A_129], %broadcast_in_dim3A_58 : memref<16400xf32, #tpu.memory_space<vmem>>[vector<16xi32>], vector<16xf32>,
      %get3A_130 = arith.constant 528 : index
      %get3A_131 = tpu.vector_load %arg21[%get3A_130] {strides = array<i32>} : memref<1024xi32, #tpu.memory_space<vmem>>, vector<16xi32>,
      tpu.vector_store_idx %arg20[%get3A_131], %broadcast_in_dim3A_58 : memref<16400xf32, #tpu.memory_space<vmem>>[vector<16xi32>], vector<16xf32>,
      %get3A_132 = arith.constant 544 : index
      %get3A_133 = tpu.vector_load %arg21[%get3A_132] {strides = array<i32>} : memref<1024xi32, #tpu.memory_space<vmem>>, vector<16xi32>,
      tpu.vector_store_idx %arg20[%get3A_133], %broadcast_in_dim3A_58 : memref<16400xf32, #tpu.memory_space<vmem>>[vector<16xi32>], vector<16xf32>,
      %get3A_134 = arith.constant 560 : index
      %get3A_135 = tpu.vector_load %arg21[%get3A_134] {strides = array<i32>} : memref<1024xi32, #tpu.memory_space<vmem>>, vector<16xi32>,
      tpu.vector_store_idx %arg20[%get3A_135], %broadcast_in_dim3A_58 : memref<16400xf32, #tpu.memory_space<vmem>>[vector<16xi32>], vector<16xf32>,
      %get3A_136 = arith.constant 576 : index
      %get3A_137 = tpu.vector_load %arg21[%get3A_136] {strides = array<i32>} : memref<1024xi32, #tpu.memory_space<vmem>>, vector<16xi32>,
      tpu.vector_store_idx %arg20[%get3A_137], %broadcast_in_dim3A_58 : memref<16400xf32, #tpu.memory_space<vmem>>[vector<16xi32>], vector<16xf32>,
      %get3A_138 = arith.constant 592 : index
      %get3A_139 = tpu.vector_load %arg21[%get3A_138] {strides = array<i32>} : memref<1024xi32, #tpu.memory_space<vmem>>, vector<16xi32>,
      tpu.vector_store_idx %arg20[%get3A_139], %broadcast_in_dim3A_58 : memref<16400xf32, #tpu.memory_space<vmem>>[vector<16xi32>], vector<16xf32>,
      %get3A_140 = arith.constant 608 : index
      %get3A_141 = tpu.vector_load %arg21[%get3A_140] {strides = array<i32>} : memref<1024xi32, #tpu.memory_space<vmem>>, vector<16xi32>,
      tpu.vector_store_idx %arg20[%get3A_141], %broadcast_in_dim3A_58 : memref<16400xf32, #tpu.memory_space<vmem>>[vector<16xi32>], vector<16xf32>,
      %get3A_142 = arith.constant 624 : index
      %get3A_143 = tpu.vector_load %arg21[%get3A_142] {strides = array<i32>} : memref<1024xi32, #tpu.memory_space<vmem>>, vector<16xi32>,
      tpu.vector_store_idx %arg20[%get3A_143], %broadcast_in_dim3A_58 : memref<16400xf32, #tpu.memory_space<vmem>>[vector<16xi32>], vector<16xf32>,
      %get3A_144 = arith.constant 640 : index
      %get3A_145 = tpu.vector_load %arg21[%get3A_144] {strides = array<i32>} : memref<1024xi32, #tpu.memory_space<vmem>>, vector<16xi32>,
      tpu.vector_store_idx %arg20[%get3A_145], %broadcast_in_dim3A_58 : memref<16400xf32, #tpu.memory_space<vmem>>[vector<16xi32>], vector<16xf32>,
      %get3A_146 = arith.constant 656 : index
      %get3A_147 = tpu.vector_load %arg21[%get3A_146] {strides = array<i32>} : memref<1024xi32, #tpu.memory_space<vmem>>, vector<16xi32>,
      tpu.vector_store_idx %arg20[%get3A_147], %broadcast_in_dim3A_58 : memref<16400xf32, #tpu.memory_space<vmem>>[vector<16xi32>], vector<16xf32>,
      %get3A_148 = arith.constant 672 : index
      %get3A_149 = tpu.vector_load %arg21[%get3A_148] {strides = array<i32>} : memref<1024xi32, #tpu.memory_space<vmem>>, vector<16xi32>,
      tpu.vector_store_idx %arg20[%get3A_149], %broadcast_in_dim3A_58 : memref<16400xf32, #tpu.memory_space<vmem>>[vector<16xi32>], vector<16xf32>,
      %get3A_150 = arith.constant 688 : index
      %get3A_151 = tpu.vector_load %arg21[%get3A_150] {strides = array<i32>} : memref<1024xi32, #tpu.memory_space<vmem>>, vector<16xi32>,
      tpu.vector_store_idx %arg20[%get3A_151], %broadcast_in_dim3A_58 : memref<16400xf32, #tpu.memory_space<vmem>>[vector<16xi32>], vector<16xf32>,
      %get3A_152 = arith.constant 704 : index
      %get3A_153 = tpu.vector_load %arg21[%get3A_152] {strides = array<i32>} : memref<1024xi32, #tpu.memory_space<vmem>>, vector<16xi32>,
      tpu.vector_store_idx %arg20[%get3A_153], %broadcast_in_dim3A_58 : memref<16400xf32, #tpu.memory_space<vmem>>[vector<16xi32>], vector<16xf32>,
      %get3A_154 = arith.constant 720 : index
      %get3A_155 = tpu.vector_load %arg21[%get3A_154] {strides = array<i32>} : memref<1024xi32, #tpu.memory_space<vmem>>, vector<16xi32>,
      tpu.vector_store_idx %arg20[%get3A_155], %broadcast_in_dim3A_58 : memref<16400xf32, #tpu.memory_space<vmem>>[vector<16xi32>], vector<16xf32>,
      %get3A_156 = arith.constant 736 : index
      %get3A_157 = tpu.vector_load %arg21[%get3A_156] {strides = array<i32>} : memref<1024xi32, #tpu.memory_space<vmem>>, vector<16xi32>,
      tpu.vector_store_idx %arg20[%get3A_157], %broadcast_in_dim3A_58 : memref<16400xf32, #tpu.memory_space<vmem>>[vector<16xi32>], vector<16xf32>,
      %get3A_158 = arith.constant 752 : index
      %get3A_159 = tpu.vector_load %arg21[%get3A_158] {strides = array<i32>} : memref<1024xi32, #tpu.memory_space<vmem>>, vector<16xi32>,
      tpu.vector_store_idx %arg20[%get3A_159], %broadcast_in_dim3A_58 : memref<16400xf32, #tpu.memory_space<vmem>>[vector<16xi32>], vector<16xf32>,
      %get3A_160 = arith.constant 768 : index
      %get3A_161 = tpu.vector_load %arg21[%get3A_160] {strides = array<i32>} : memref<1024xi32, #tpu.memory_space<vmem>>, vector<16xi32>,
      tpu.vector_store_idx %arg20[%get3A_161], %broadcast_in_dim3A_58 : memref<16400xf32, #tpu.memory_space<vmem>>[vector<16xi32>], vector<16xf32>,
      %get3A_162 = arith.constant 784 : index
      %get3A_163 = tpu.vector_load %arg21[%get3A_162] {strides = array<i32>} : memref<1024xi32, #tpu.memory_space<vmem>>, vector<16xi32>,
      tpu.vector_store_idx %arg20[%get3A_163], %broadcast_in_dim3A_58 : memref<16400xf32, #tpu.memory_space<vmem>>[vector<16xi32>], vector<16xf32>,
      %get3A_164 = arith.constant 800 : index
      %get3A_165 = tpu.vector_load %arg21[%get3A_164] {strides = array<i32>} : memref<1024xi32, #tpu.memory_space<vmem>>, vector<16xi32>,
      tpu.vector_store_idx %arg20[%get3A_165], %broadcast_in_dim3A_58 : memref<16400xf32, #tpu.memory_space<vmem>>[vector<16xi32>], vector<16xf32>,
      %get3A_166 = arith.constant 816 : index
      %get3A_167 = tpu.vector_load %arg21[%get3A_166] {strides = array<i32>} : memref<1024xi32, #tpu.memory_space<vmem>>, vector<16xi32>,
      tpu.vector_store_idx %arg20[%get3A_167], %broadcast_in_dim3A_58 : memref<16400xf32, #tpu.memory_space<vmem>>[vector<16xi32>], vector<16xf32>,
      %get3A_168 = arith.constant 832 : index
      %get3A_169 = tpu.vector_load %arg21[%get3A_168] {strides = array<i32>} : memref<1024xi32, #tpu.memory_space<vmem>>, vector<16xi32>,
      tpu.vector_store_idx %arg20[%get3A_169], %broadcast_in_dim3A_58 : memref<16400xf32, #tpu.memory_space<vmem>>[vector<16xi32>], vector<16xf32>,
      %get3A_170 = arith.constant 848 : index
      %get3A_171 = tpu.vector_load %arg21[%get3A_170] {strides = array<i32>} : memref<1024xi32, #tpu.memory_space<vmem>>, vector<16xi32>,
      tpu.vector_store_idx %arg20[%get3A_171], %broadcast_in_dim3A_58 : memref<16400xf32, #tpu.memory_space<vmem>>[vector<16xi32>], vector<16xf32>,
      %get3A_172 = arith.constant 864 : index
      %get3A_173 = tpu.vector_load %arg21[%get3A_172] {strides = array<i32>} : memref<1024xi32, #tpu.memory_space<vmem>>, vector<16xi32>,
      tpu.vector_store_idx %arg20[%get3A_173], %broadcast_in_dim3A_58 : memref<16400xf32, #tpu.memory_space<vmem>>[vector<16xi32>], vector<16xf32>,
      %get3A_174 = arith.constant 880 : index
      %get3A_175 = tpu.vector_load %arg21[%get3A_174] {strides = array<i32>} : memref<1024xi32, #tpu.memory_space<vmem>>, vector<16xi32>,
      tpu.vector_store_idx %arg20[%get3A_175], %broadcast_in_dim3A_58 : memref<16400xf32, #tpu.memory_space<vmem>>[vector<16xi32>], vector<16xf32>,
      %get3A_176 = arith.constant 896 : index
      %get3A_177 = tpu.vector_load %arg21[%get3A_176] {strides = array<i32>} : memref<1024xi32, #tpu.memory_space<vmem>>, vector<16xi32>,
      tpu.vector_store_idx %arg20[%get3A_177], %broadcast_in_dim3A_58 : memref<16400xf32, #tpu.memory_space<vmem>>[vector<16xi32>], vector<16xf32>,
      %get3A_178 = arith.constant 912 : index
      %get3A_179 = tpu.vector_load %arg21[%get3A_178] {strides = array<i32>} : memref<1024xi32, #tpu.memory_space<vmem>>, vector<16xi32>,
      tpu.vector_store_idx %arg20[%get3A_179], %broadcast_in_dim3A_58 : memref<16400xf32, #tpu.memory_space<vmem>>[vector<16xi32>], vector<16xf32>,
      %get3A_180 = arith.constant 928 : index
      %get3A_181 = tpu.vector_load %arg21[%get3A_180] {strides = array<i32>} : memref<1024xi32, #tpu.memory_space<vmem>>, vector<16xi32>,
      tpu.vector_store_idx %arg20[%get3A_181], %broadcast_in_dim3A_58 : memref<16400xf32, #tpu.memory_space<vmem>>[vector<16xi32>], vector<16xf32>,
      %get3A_182 = arith.constant 944 : index
      %get3A_183 = tpu.vector_load %arg21[%get3A_182] {strides = array<i32>} : memref<1024xi32, #tpu.memory_space<vmem>>, vector<16xi32>,
      tpu.vector_store_idx %arg20[%get3A_183], %broadcast_in_dim3A_58 : memref<16400xf32, #tpu.memory_space<vmem>>[vector<16xi32>], vector<16xf32>,
      %get3A_184 = arith.constant 960 : index
      %get3A_185 = tpu.vector_load %arg21[%get3A_184] {strides = array<i32>} : memref<1024xi32, #tpu.memory_space<vmem>>, vector<16xi32>,
      tpu.vector_store_idx %arg20[%get3A_185], %broadcast_in_dim3A_58 : memref<16400xf32, #tpu.memory_space<vmem>>[vector<16xi32>], vector<16xf32>,
      %get3A_186 = arith.constant 976 : index
      %get3A_187 = tpu.vector_load %arg21[%get3A_186] {strides = array<i32>} : memref<1024xi32, #tpu.memory_space<vmem>>, vector<16xi32>,
      tpu.vector_store_idx %arg20[%get3A_187], %broadcast_in_dim3A_58 : memref<16400xf32, #tpu.memory_space<vmem>>[vector<16xi32>], vector<16xf32>,
      %get3A_188 = arith.constant 992 : index
      %get3A_189 = tpu.vector_load %arg21[%get3A_188] {strides = array<i32>} : memref<1024xi32, #tpu.memory_space<vmem>>, vector<16xi32>,
      tpu.vector_store_idx %arg20[%get3A_189], %broadcast_in_dim3A_58 : memref<16400xf32, #tpu.memory_space<vmem>>[vector<16xi32>], vector<16xf32>,
      %get3A_190 = arith.constant 1008 : index
      %get3A_191 = tpu.vector_load %arg21[%get3A_190] {strides = array<i32>} : memref<1024xi32, #tpu.memory_space<vmem>>, vector<16xi32>,
      tpu.vector_store_idx %arg20[%get3A_191], %broadcast_in_dim3A_58 : memref<16400xf32, #tpu.memory_space<vmem>>[vector<16xi32>], vector<16xf32>,
      "tpu.region"() ({
        %run_scoped3A = tpu.sem_alloc : memref<!tpu.dma_semaphore, #tpu.memory_space<semaphore_mem>>
        %dma_start3A_192 = arith.constant 0 : i32
        %dma_start3A_193 = tpu.memref_slice %arg20[%dma_start3A_192] : memref<16400xf32, #tpu.memory_space<vmem>> -> memref<16384xf32, #tpu.memory_space<vmem>>
        %dma_start3A_194 = arith.constant 0 : i32
        %dma_start3A_195 = tpu.memref_slice %arg20[%dma_start3A_194] : memref<16400xf32, #tpu.memory_space<vmem>> -> memref<16384xf32, #tpu.memory_space<vmem>>
        tpu.enqueue_dma source(%dma_start3A_195 : memref<16384xf32, #tpu.memory_space<vmem>>) target(%arg11 : memref<16384xf32, #tpu.memory_space<hbm>>) target_semaphore(%run_scoped3A : memref<!tpu.dma_semaphore, #tpu.memory_space<semaphore_mem>>)
        %dma_wait3A_196 = arith.constant 0 : i32
        %dma_wait3A_197 = tpu.memref_slice %arg20[%dma_wait3A_196] : memref<16400xf32, #tpu.memory_space<vmem>> -> memref<16384xf32, #tpu.memory_space<vmem>>
        %dma_wait3A_198 = arith.constant 0 : i32
        %dma_wait3A_199 = tpu.memref_slice %arg20[%dma_wait3A_198] : memref<16400xf32, #tpu.memory_space<vmem>> -> memref<16384xf32, #tpu.memory_space<vmem>>
        tpu.wait_dma2 semaphore(%run_scoped3A : memref<!tpu.dma_semaphore, #tpu.memory_space<semaphore_mem>>) src(%dma_wait3A_199 : memref<16384xf32, #tpu.memory_space<vmem>>) dst(%arg11 : memref<16384xf32, #tpu.memory_space<hbm>>)
        tpu.yield
      }) : () -> ()
    } else {
    }
    %eq3A_47 = arith.constant 1 : i32
    %eq3A_48 = arith.cmpi eq, %arg0, %eq3A_47 : i32
    %eq3A_49 = arith.constant 0 : i32
    %eq3A_50 = arith.cmpi eq, %arg1, %eq3A_49 : i32
    %and3A_51 = arith.andi %eq3A_48, %eq3A_50 : i1
    %convert_element_type3A_52 = arith.extui %and3A_51 : i1 to i32
    %cond3A_53 = arith.constant 0 : i32
    %cond3A_54 = arith.cmpi ne, %convert_element_type3A_52, %cond3A_53 : i32
    scf.if %cond3A_54 {
      "tpu.region"() ({
        %run_scoped3A = tpu.sem_alloc : memref<!tpu.dma_semaphore, #tpu.memory_space<semaphore_mem>>
        %dma_start3A_311 = arith.constant 0 : i32
        %dma_start3A_312 = tpu.memref_slice %arg19[%dma_start3A_311] : memref<16400xf32, #tpu.memory_space<vmem>> -> memref<16384xf32, #tpu.memory_space<vmem>>
        %dma_start3A_313 = arith.constant 0 : i32
        %dma_start3A_314 = tpu.memref_slice %arg19[%dma_start3A_313] : memref<16400xf32, #tpu.memory_space<vmem>> -> memref<16384xf32, #tpu.memory_space<vmem>>
        tpu.enqueue_dma source(%arg6 : memref<16384xf32, #tpu.memory_space<hbm>>) target(%dma_start3A_314 : memref<16384xf32, #tpu.memory_space<vmem>>) target_semaphore(%run_scoped3A : memref<!tpu.dma_semaphore, #tpu.memory_space<semaphore_mem>>)
        %dma_wait3A_315 = arith.constant 0 : i32
        %dma_wait3A_316 = tpu.memref_slice %arg19[%dma_wait3A_315] : memref<16400xf32, #tpu.memory_space<vmem>> -> memref<16384xf32, #tpu.memory_space<vmem>>
        %dma_wait3A_317 = arith.constant 0 : i32
        %dma_wait3A_318 = tpu.memref_slice %arg19[%dma_wait3A_317] : memref<16400xf32, #tpu.memory_space<vmem>> -> memref<16384xf32, #tpu.memory_space<vmem>>
        tpu.wait_dma2 semaphore(%run_scoped3A : memref<!tpu.dma_semaphore, #tpu.memory_space<semaphore_mem>>) src(%arg6 : memref<16384xf32, #tpu.memory_space<hbm>>) dst(%dma_wait3A_318 : memref<16384xf32, #tpu.memory_space<vmem>>)
        tpu.yield
      }) : () -> ()
      "tpu.region"() ({
        %run_scoped3A = tpu.sem_alloc : memref<!tpu.dma_semaphore, #tpu.memory_space<semaphore_mem>>
        tpu.enqueue_dma source(%arg9 : memref<1024xi32, #tpu.memory_space<hbm>>) target(%arg21 : memref<1024xi32, #tpu.memory_space<vmem>>) target_semaphore(%run_scoped3A : memref<!tpu.dma_semaphore, #tpu.memory_space<semaphore_mem>>)
        tpu.wait_dma2 semaphore(%run_scoped3A : memref<!tpu.dma_semaphore, #tpu.memory_space<semaphore_mem>>) src(%arg9 : memref<1024xi32, #tpu.memory_space<hbm>>) dst(%arg21 : memref<1024xi32, #tpu.memory_space<vmem>>)
        tpu.yield
      }) : () -> ()
      "tpu.region"() ({
        %run_scoped3A = tpu.sem_alloc : memref<!tpu.dma_semaphore, #tpu.memory_space<semaphore_mem>>
        tpu.enqueue_dma source(%arg7 : memref<1024xf32, #tpu.memory_space<hbm>>) target(%arg22 : memref<1024xf32, #tpu.memory_space<vmem>>) target_semaphore(%run_scoped3A : memref<!tpu.dma_semaphore, #tpu.memory_space<semaphore_mem>>)
        tpu.wait_dma2 semaphore(%run_scoped3A : memref<!tpu.dma_semaphore, #tpu.memory_space<semaphore_mem>>) src(%arg7 : memref<1024xf32, #tpu.memory_space<hbm>>) dst(%arg22 : memref<1024xf32, #tpu.memory_space<vmem>>)
        tpu.yield
      }) : () -> ()
      %get3A_55 = arith.constant 0 : index
      %get3A_56 = tpu.vector_load %arg21[%get3A_55] {strides = array<i32>} : memref<1024xi32, #tpu.memory_space<vmem>>, vector<16xi32>,
      %get3A_57 = arith.constant 0 : index
      %get3A_58 = tpu.vector_load %arg22[%get3A_57] {strides = array<i32>} : memref<1024xf32, #tpu.memory_space<vmem>>, vector<16xf32>,
      tpu.vector_store_idx %arg19[%get3A_56], %get3A_58 : memref<16400xf32, #tpu.memory_space<vmem>>[vector<16xi32>], vector<16xf32>,
      %get3A_59 = arith.constant 16 : index
      %get3A_60 = tpu.vector_load %arg21[%get3A_59] {strides = array<i32>} : memref<1024xi32, #tpu.memory_space<vmem>>, vector<16xi32>,
      %get3A_61 = arith.constant 16 : index
      %get3A_62 = tpu.vector_load %arg22[%get3A_61] {strides = array<i32>} : memref<1024xf32, #tpu.memory_space<vmem>>, vector<16xf32>,
      tpu.vector_store_idx %arg19[%get3A_60], %get3A_62 : memref<16400xf32, #tpu.memory_space<vmem>>[vector<16xi32>], vector<16xf32>,
      %get3A_63 = arith.constant 32 : index
      %get3A_64 = tpu.vector_load %arg21[%get3A_63] {strides = array<i32>} : memref<1024xi32, #tpu.memory_space<vmem>>, vector<16xi32>,
      %get3A_65 = arith.constant 32 : index
      %get3A_66 = tpu.vector_load %arg22[%get3A_65] {strides = array<i32>} : memref<1024xf32, #tpu.memory_space<vmem>>, vector<16xf32>,
      tpu.vector_store_idx %arg19[%get3A_64], %get3A_66 : memref<16400xf32, #tpu.memory_space<vmem>>[vector<16xi32>], vector<16xf32>,
      %get3A_67 = arith.constant 48 : index
      %get3A_68 = tpu.vector_load %arg21[%get3A_67] {strides = array<i32>} : memref<1024xi32, #tpu.memory_space<vmem>>, vector<16xi32>,
      %get3A_69 = arith.constant 48 : index
      %get3A_70 = tpu.vector_load %arg22[%get3A_69] {strides = array<i32>} : memref<1024xf32, #tpu.memory_space<vmem>>, vector<16xf32>,
      tpu.vector_store_idx %arg19[%get3A_68], %get3A_70 : memref<16400xf32, #tpu.memory_space<vmem>>[vector<16xi32>], vector<16xf32>,
      %get3A_71 = arith.constant 64 : index
      %get3A_72 = tpu.vector_load %arg21[%get3A_71] {strides = array<i32>} : memref<1024xi32, #tpu.memory_space<vmem>>, vector<16xi32>,
      %get3A_73 = arith.constant 64 : index
      %get3A_74 = tpu.vector_load %arg22[%get3A_73] {strides = array<i32>} : memref<1024xf32, #tpu.memory_space<vmem>>, vector<16xf32>,
      tpu.vector_store_idx %arg19[%get3A_72], %get3A_74 : memref<16400xf32, #tpu.memory_space<vmem>>[vector<16xi32>], vector<16xf32>,
      %get3A_75 = arith.constant 80 : index
      %get3A_76 = tpu.vector_load %arg21[%get3A_75] {strides = array<i32>} : memref<1024xi32, #tpu.memory_space<vmem>>, vector<16xi32>,
      %get3A_77 = arith.constant 80 : index
      %get3A_78 = tpu.vector_load %arg22[%get3A_77] {strides = array<i32>} : memref<1024xf32, #tpu.memory_space<vmem>>, vector<16xf32>,
      tpu.vector_store_idx %arg19[%get3A_76], %get3A_78 : memref<16400xf32, #tpu.memory_space<vmem>>[vector<16xi32>], vector<16xf32>,
      %get3A_79 = arith.constant 96 : index
      %get3A_80 = tpu.vector_load %arg21[%get3A_79] {strides = array<i32>} : memref<1024xi32, #tpu.memory_space<vmem>>, vector<16xi32>,
      %get3A_81 = arith.constant 96 : index
      %get3A_82 = tpu.vector_load %arg22[%get3A_81] {strides = array<i32>} : memref<1024xf32, #tpu.memory_space<vmem>>, vector<16xf32>,
      tpu.vector_store_idx %arg19[%get3A_80], %get3A_82 : memref<16400xf32, #tpu.memory_space<vmem>>[vector<16xi32>], vector<16xf32>,
      %get3A_83 = arith.constant 112 : index
      %get3A_84 = tpu.vector_load %arg21[%get3A_83] {strides = array<i32>} : memref<1024xi32, #tpu.memory_space<vmem>>, vector<16xi32>,
      %get3A_85 = arith.constant 112 : index
      %get3A_86 = tpu.vector_load %arg22[%get3A_85] {strides = array<i32>} : memref<1024xf32, #tpu.memory_space<vmem>>, vector<16xf32>,
      tpu.vector_store_idx %arg19[%get3A_84], %get3A_86 : memref<16400xf32, #tpu.memory_space<vmem>>[vector<16xi32>], vector<16xf32>,
      %get3A_87 = arith.constant 128 : index
      %get3A_88 = tpu.vector_load %arg21[%get3A_87] {strides = array<i32>} : memref<1024xi32, #tpu.memory_space<vmem>>, vector<16xi32>,
      %get3A_89 = arith.constant 128 : index
      %get3A_90 = tpu.vector_load %arg22[%get3A_89] {strides = array<i32>} : memref<1024xf32, #tpu.memory_space<vmem>>, vector<16xf32>,
      tpu.vector_store_idx %arg19[%get3A_88], %get3A_90 : memref<16400xf32, #tpu.memory_space<vmem>>[vector<16xi32>], vector<16xf32>,
      %get3A_91 = arith.constant 144 : index
      %get3A_92 = tpu.vector_load %arg21[%get3A_91] {strides = array<i32>} : memref<1024xi32, #tpu.memory_space<vmem>>, vector<16xi32>,
      %get3A_93 = arith.constant 144 : index
      %get3A_94 = tpu.vector_load %arg22[%get3A_93] {strides = array<i32>} : memref<1024xf32, #tpu.memory_space<vmem>>, vector<16xf32>,
      tpu.vector_store_idx %arg19[%get3A_92], %get3A_94 : memref<16400xf32, #tpu.memory_space<vmem>>[vector<16xi32>], vector<16xf32>,
      %get3A_95 = arith.constant 160 : index
      %get3A_96 = tpu.vector_load %arg21[%get3A_95] {strides = array<i32>} : memref<1024xi32, #tpu.memory_space<vmem>>, vector<16xi32>,
      %get3A_97 = arith.constant 160 : index
      %get3A_98 = tpu.vector_load %arg22[%get3A_97] {strides = array<i32>} : memref<1024xf32, #tpu.memory_space<vmem>>, vector<16xf32>,
      tpu.vector_store_idx %arg19[%get3A_96], %get3A_98 : memref<16400xf32, #tpu.memory_space<vmem>>[vector<16xi32>], vector<16xf32>,
      %get3A_99 = arith.constant 176 : index
      %get3A_100 = tpu.vector_load %arg21[%get3A_99] {strides = array<i32>} : memref<1024xi32, #tpu.memory_space<vmem>>, vector<16xi32>,
      %get3A_101 = arith.constant 176 : index
      %get3A_102 = tpu.vector_load %arg22[%get3A_101] {strides = array<i32>} : memref<1024xf32, #tpu.memory_space<vmem>>, vector<16xf32>,
      tpu.vector_store_idx %arg19[%get3A_100], %get3A_102 : memref<16400xf32, #tpu.memory_space<vmem>>[vector<16xi32>], vector<16xf32>,
      %get3A_103 = arith.constant 192 : index
      %get3A_104 = tpu.vector_load %arg21[%get3A_103] {strides = array<i32>} : memref<1024xi32, #tpu.memory_space<vmem>>, vector<16xi32>,
      %get3A_105 = arith.constant 192 : index
      %get3A_106 = tpu.vector_load %arg22[%get3A_105] {strides = array<i32>} : memref<1024xf32, #tpu.memory_space<vmem>>, vector<16xf32>,
      tpu.vector_store_idx %arg19[%get3A_104], %get3A_106 : memref<16400xf32, #tpu.memory_space<vmem>>[vector<16xi32>], vector<16xf32>,
      %get3A_107 = arith.constant 208 : index
      %get3A_108 = tpu.vector_load %arg21[%get3A_107] {strides = array<i32>} : memref<1024xi32, #tpu.memory_space<vmem>>, vector<16xi32>,
      %get3A_109 = arith.constant 208 : index
      %get3A_110 = tpu.vector_load %arg22[%get3A_109] {strides = array<i32>} : memref<1024xf32, #tpu.memory_space<vmem>>, vector<16xf32>,
      tpu.vector_store_idx %arg19[%get3A_108], %get3A_110 : memref<16400xf32, #tpu.memory_space<vmem>>[vector<16xi32>], vector<16xf32>,
      %get3A_111 = arith.constant 224 : index
      %get3A_112 = tpu.vector_load %arg21[%get3A_111] {strides = array<i32>} : memref<1024xi32, #tpu.memory_space<vmem>>, vector<16xi32>,
      %get3A_113 = arith.constant 224 : index
      %get3A_114 = tpu.vector_load %arg22[%get3A_113] {strides = array<i32>} : memref<1024xf32, #tpu.memory_space<vmem>>, vector<16xf32>,
      tpu.vector_store_idx %arg19[%get3A_112], %get3A_114 : memref<16400xf32, #tpu.memory_space<vmem>>[vector<16xi32>], vector<16xf32>,
      %get3A_115 = arith.constant 240 : index
      %get3A_116 = tpu.vector_load %arg21[%get3A_115] {strides = array<i32>} : memref<1024xi32, #tpu.memory_space<vmem>>, vector<16xi32>,
      %get3A_117 = arith.constant 240 : index
      %get3A_118 = tpu.vector_load %arg22[%get3A_117] {strides = array<i32>} : memref<1024xf32, #tpu.memory_space<vmem>>, vector<16xf32>,
      tpu.vector_store_idx %arg19[%get3A_116], %get3A_118 : memref<16400xf32, #tpu.memory_space<vmem>>[vector<16xi32>], vector<16xf32>,
      %get3A_119 = arith.constant 256 : index
      %get3A_120 = tpu.vector_load %arg21[%get3A_119] {strides = array<i32>} : memref<1024xi32, #tpu.memory_space<vmem>>, vector<16xi32>,
      %get3A_121 = arith.constant 256 : index
      %get3A_122 = tpu.vector_load %arg22[%get3A_121] {strides = array<i32>} : memref<1024xf32, #tpu.memory_space<vmem>>, vector<16xf32>,
      tpu.vector_store_idx %arg19[%get3A_120], %get3A_122 : memref<16400xf32, #tpu.memory_space<vmem>>[vector<16xi32>], vector<16xf32>,
      %get3A_123 = arith.constant 272 : index
      %get3A_124 = tpu.vector_load %arg21[%get3A_123] {strides = array<i32>} : memref<1024xi32, #tpu.memory_space<vmem>>, vector<16xi32>,
      %get3A_125 = arith.constant 272 : index
      %get3A_126 = tpu.vector_load %arg22[%get3A_125] {strides = array<i32>} : memref<1024xf32, #tpu.memory_space<vmem>>, vector<16xf32>,
      tpu.vector_store_idx %arg19[%get3A_124], %get3A_126 : memref<16400xf32, #tpu.memory_space<vmem>>[vector<16xi32>], vector<16xf32>,
      %get3A_127 = arith.constant 288 : index
      %get3A_128 = tpu.vector_load %arg21[%get3A_127] {strides = array<i32>} : memref<1024xi32, #tpu.memory_space<vmem>>, vector<16xi32>,
      %get3A_129 = arith.constant 288 : index
      %get3A_130 = tpu.vector_load %arg22[%get3A_129] {strides = array<i32>} : memref<1024xf32, #tpu.memory_space<vmem>>, vector<16xf32>,
      tpu.vector_store_idx %arg19[%get3A_128], %get3A_130 : memref<16400xf32, #tpu.memory_space<vmem>>[vector<16xi32>], vector<16xf32>,
      %get3A_131 = arith.constant 304 : index
      %get3A_132 = tpu.vector_load %arg21[%get3A_131] {strides = array<i32>} : memref<1024xi32, #tpu.memory_space<vmem>>, vector<16xi32>,
      %get3A_133 = arith.constant 304 : index
      %get3A_134 = tpu.vector_load %arg22[%get3A_133] {strides = array<i32>} : memref<1024xf32, #tpu.memory_space<vmem>>, vector<16xf32>,
      tpu.vector_store_idx %arg19[%get3A_132], %get3A_134 : memref<16400xf32, #tpu.memory_space<vmem>>[vector<16xi32>], vector<16xf32>,
      %get3A_135 = arith.constant 320 : index
      %get3A_136 = tpu.vector_load %arg21[%get3A_135] {strides = array<i32>} : memref<1024xi32, #tpu.memory_space<vmem>>, vector<16xi32>,
      %get3A_137 = arith.constant 320 : index
      %get3A_138 = tpu.vector_load %arg22[%get3A_137] {strides = array<i32>} : memref<1024xf32, #tpu.memory_space<vmem>>, vector<16xf32>,
      tpu.vector_store_idx %arg19[%get3A_136], %get3A_138 : memref<16400xf32, #tpu.memory_space<vmem>>[vector<16xi32>], vector<16xf32>,
      %get3A_139 = arith.constant 336 : index
      %get3A_140 = tpu.vector_load %arg21[%get3A_139] {strides = array<i32>} : memref<1024xi32, #tpu.memory_space<vmem>>, vector<16xi32>,
      %get3A_141 = arith.constant 336 : index
      %get3A_142 = tpu.vector_load %arg22[%get3A_141] {strides = array<i32>} : memref<1024xf32, #tpu.memory_space<vmem>>, vector<16xf32>,
      tpu.vector_store_idx %arg19[%get3A_140], %get3A_142 : memref<16400xf32, #tpu.memory_space<vmem>>[vector<16xi32>], vector<16xf32>,
      %get3A_143 = arith.constant 352 : index
      %get3A_144 = tpu.vector_load %arg21[%get3A_143] {strides = array<i32>} : memref<1024xi32, #tpu.memory_space<vmem>>, vector<16xi32>,
      %get3A_145 = arith.constant 352 : index
      %get3A_146 = tpu.vector_load %arg22[%get3A_145] {strides = array<i32>} : memref<1024xf32, #tpu.memory_space<vmem>>, vector<16xf32>,
      tpu.vector_store_idx %arg19[%get3A_144], %get3A_146 : memref<16400xf32, #tpu.memory_space<vmem>>[vector<16xi32>], vector<16xf32>,
      %get3A_147 = arith.constant 368 : index
      %get3A_148 = tpu.vector_load %arg21[%get3A_147] {strides = array<i32>} : memref<1024xi32, #tpu.memory_space<vmem>>, vector<16xi32>,
      %get3A_149 = arith.constant 368 : index
      %get3A_150 = tpu.vector_load %arg22[%get3A_149] {strides = array<i32>} : memref<1024xf32, #tpu.memory_space<vmem>>, vector<16xf32>,
      tpu.vector_store_idx %arg19[%get3A_148], %get3A_150 : memref<16400xf32, #tpu.memory_space<vmem>>[vector<16xi32>], vector<16xf32>,
      %get3A_151 = arith.constant 384 : index
      %get3A_152 = tpu.vector_load %arg21[%get3A_151] {strides = array<i32>} : memref<1024xi32, #tpu.memory_space<vmem>>, vector<16xi32>,
      %get3A_153 = arith.constant 384 : index
      %get3A_154 = tpu.vector_load %arg22[%get3A_153] {strides = array<i32>} : memref<1024xf32, #tpu.memory_space<vmem>>, vector<16xf32>,
      tpu.vector_store_idx %arg19[%get3A_152], %get3A_154 : memref<16400xf32, #tpu.memory_space<vmem>>[vector<16xi32>], vector<16xf32>,
      %get3A_155 = arith.constant 400 : index
      %get3A_156 = tpu.vector_load %arg21[%get3A_155] {strides = array<i32>} : memref<1024xi32, #tpu.memory_space<vmem>>, vector<16xi32>,
      %get3A_157 = arith.constant 400 : index
      %get3A_158 = tpu.vector_load %arg22[%get3A_157] {strides = array<i32>} : memref<1024xf32, #tpu.memory_space<vmem>>, vector<16xf32>,
      tpu.vector_store_idx %arg19[%get3A_156], %get3A_158 : memref<16400xf32, #tpu.memory_space<vmem>>[vector<16xi32>], vector<16xf32>,
      %get3A_159 = arith.constant 416 : index
      %get3A_160 = tpu.vector_load %arg21[%get3A_159] {strides = array<i32>} : memref<1024xi32, #tpu.memory_space<vmem>>, vector<16xi32>,
      %get3A_161 = arith.constant 416 : index
      %get3A_162 = tpu.vector_load %arg22[%get3A_161] {strides = array<i32>} : memref<1024xf32, #tpu.memory_space<vmem>>, vector<16xf32>,
      tpu.vector_store_idx %arg19[%get3A_160], %get3A_162 : memref<16400xf32, #tpu.memory_space<vmem>>[vector<16xi32>], vector<16xf32>,
      %get3A_163 = arith.constant 432 : index
      %get3A_164 = tpu.vector_load %arg21[%get3A_163] {strides = array<i32>} : memref<1024xi32, #tpu.memory_space<vmem>>, vector<16xi32>,
      %get3A_165 = arith.constant 432 : index
      %get3A_166 = tpu.vector_load %arg22[%get3A_165] {strides = array<i32>} : memref<1024xf32, #tpu.memory_space<vmem>>, vector<16xf32>,
      tpu.vector_store_idx %arg19[%get3A_164], %get3A_166 : memref<16400xf32, #tpu.memory_space<vmem>>[vector<16xi32>], vector<16xf32>,
      %get3A_167 = arith.constant 448 : index
      %get3A_168 = tpu.vector_load %arg21[%get3A_167] {strides = array<i32>} : memref<1024xi32, #tpu.memory_space<vmem>>, vector<16xi32>,
      %get3A_169 = arith.constant 448 : index
      %get3A_170 = tpu.vector_load %arg22[%get3A_169] {strides = array<i32>} : memref<1024xf32, #tpu.memory_space<vmem>>, vector<16xf32>,
      tpu.vector_store_idx %arg19[%get3A_168], %get3A_170 : memref<16400xf32, #tpu.memory_space<vmem>>[vector<16xi32>], vector<16xf32>,
      %get3A_171 = arith.constant 464 : index
      %get3A_172 = tpu.vector_load %arg21[%get3A_171] {strides = array<i32>} : memref<1024xi32, #tpu.memory_space<vmem>>, vector<16xi32>,
      %get3A_173 = arith.constant 464 : index
      %get3A_174 = tpu.vector_load %arg22[%get3A_173] {strides = array<i32>} : memref<1024xf32, #tpu.memory_space<vmem>>, vector<16xf32>,
      tpu.vector_store_idx %arg19[%get3A_172], %get3A_174 : memref<16400xf32, #tpu.memory_space<vmem>>[vector<16xi32>], vector<16xf32>,
      %get3A_175 = arith.constant 480 : index
      %get3A_176 = tpu.vector_load %arg21[%get3A_175] {strides = array<i32>} : memref<1024xi32, #tpu.memory_space<vmem>>, vector<16xi32>,
      %get3A_177 = arith.constant 480 : index
      %get3A_178 = tpu.vector_load %arg22[%get3A_177] {strides = array<i32>} : memref<1024xf32, #tpu.memory_space<vmem>>, vector<16xf32>,
      tpu.vector_store_idx %arg19[%get3A_176], %get3A_178 : memref<16400xf32, #tpu.memory_space<vmem>>[vector<16xi32>], vector<16xf32>,
      %get3A_179 = arith.constant 496 : index
      %get3A_180 = tpu.vector_load %arg21[%get3A_179] {strides = array<i32>} : memref<1024xi32, #tpu.memory_space<vmem>>, vector<16xi32>,
      %get3A_181 = arith.constant 496 : index
      %get3A_182 = tpu.vector_load %arg22[%get3A_181] {strides = array<i32>} : memref<1024xf32, #tpu.memory_space<vmem>>, vector<16xf32>,
      tpu.vector_store_idx %arg19[%get3A_180], %get3A_182 : memref<16400xf32, #tpu.memory_space<vmem>>[vector<16xi32>], vector<16xf32>,
      %get3A_183 = arith.constant 512 : index
      %get3A_184 = tpu.vector_load %arg21[%get3A_183] {strides = array<i32>} : memref<1024xi32, #tpu.memory_space<vmem>>, vector<16xi32>,
      %get3A_185 = arith.constant 512 : index
      %get3A_186 = tpu.vector_load %arg22[%get3A_185] {strides = array<i32>} : memref<1024xf32, #tpu.memory_space<vmem>>, vector<16xf32>,
      tpu.vector_store_idx %arg19[%get3A_184], %get3A_186 : memref<16400xf32, #tpu.memory_space<vmem>>[vector<16xi32>], vector<16xf32>,
      %get3A_187 = arith.constant 528 : index
      %get3A_188 = tpu.vector_load %arg21[%get3A_187] {strides = array<i32>} : memref<1024xi32, #tpu.memory_space<vmem>>, vector<16xi32>,
      %get3A_189 = arith.constant 528 : index
      %get3A_190 = tpu.vector_load %arg22[%get3A_189] {strides = array<i32>} : memref<1024xf32, #tpu.memory_space<vmem>>, vector<16xf32>,
      tpu.vector_store_idx %arg19[%get3A_188], %get3A_190 : memref<16400xf32, #tpu.memory_space<vmem>>[vector<16xi32>], vector<16xf32>,
      %get3A_191 = arith.constant 544 : index
      %get3A_192 = tpu.vector_load %arg21[%get3A_191] {strides = array<i32>} : memref<1024xi32, #tpu.memory_space<vmem>>, vector<16xi32>,
      %get3A_193 = arith.constant 544 : index
      %get3A_194 = tpu.vector_load %arg22[%get3A_193] {strides = array<i32>} : memref<1024xf32, #tpu.memory_space<vmem>>, vector<16xf32>,
      tpu.vector_store_idx %arg19[%get3A_192], %get3A_194 : memref<16400xf32, #tpu.memory_space<vmem>>[vector<16xi32>], vector<16xf32>,
      %get3A_195 = arith.constant 560 : index
      %get3A_196 = tpu.vector_load %arg21[%get3A_195] {strides = array<i32>} : memref<1024xi32, #tpu.memory_space<vmem>>, vector<16xi32>,
      %get3A_197 = arith.constant 560 : index
      %get3A_198 = tpu.vector_load %arg22[%get3A_197] {strides = array<i32>} : memref<1024xf32, #tpu.memory_space<vmem>>, vector<16xf32>,
      tpu.vector_store_idx %arg19[%get3A_196], %get3A_198 : memref<16400xf32, #tpu.memory_space<vmem>>[vector<16xi32>], vector<16xf32>,
      %get3A_199 = arith.constant 576 : index
      %get3A_200 = tpu.vector_load %arg21[%get3A_199] {strides = array<i32>} : memref<1024xi32, #tpu.memory_space<vmem>>, vector<16xi32>,
      %get3A_201 = arith.constant 576 : index
      %get3A_202 = tpu.vector_load %arg22[%get3A_201] {strides = array<i32>} : memref<1024xf32, #tpu.memory_space<vmem>>, vector<16xf32>,
      tpu.vector_store_idx %arg19[%get3A_200], %get3A_202 : memref<16400xf32, #tpu.memory_space<vmem>>[vector<16xi32>], vector<16xf32>,
      %get3A_203 = arith.constant 592 : index
      %get3A_204 = tpu.vector_load %arg21[%get3A_203] {strides = array<i32>} : memref<1024xi32, #tpu.memory_space<vmem>>, vector<16xi32>,
      %get3A_205 = arith.constant 592 : index
      %get3A_206 = tpu.vector_load %arg22[%get3A_205] {strides = array<i32>} : memref<1024xf32, #tpu.memory_space<vmem>>, vector<16xf32>,
      tpu.vector_store_idx %arg19[%get3A_204], %get3A_206 : memref<16400xf32, #tpu.memory_space<vmem>>[vector<16xi32>], vector<16xf32>,
      %get3A_207 = arith.constant 608 : index
      %get3A_208 = tpu.vector_load %arg21[%get3A_207] {strides = array<i32>} : memref<1024xi32, #tpu.memory_space<vmem>>, vector<16xi32>,
      %get3A_209 = arith.constant 608 : index
      %get3A_210 = tpu.vector_load %arg22[%get3A_209] {strides = array<i32>} : memref<1024xf32, #tpu.memory_space<vmem>>, vector<16xf32>,
      tpu.vector_store_idx %arg19[%get3A_208], %get3A_210 : memref<16400xf32, #tpu.memory_space<vmem>>[vector<16xi32>], vector<16xf32>,
      %get3A_211 = arith.constant 624 : index
      %get3A_212 = tpu.vector_load %arg21[%get3A_211] {strides = array<i32>} : memref<1024xi32, #tpu.memory_space<vmem>>, vector<16xi32>,
      %get3A_213 = arith.constant 624 : index
      %get3A_214 = tpu.vector_load %arg22[%get3A_213] {strides = array<i32>} : memref<1024xf32, #tpu.memory_space<vmem>>, vector<16xf32>,
      tpu.vector_store_idx %arg19[%get3A_212], %get3A_214 : memref<16400xf32, #tpu.memory_space<vmem>>[vector<16xi32>], vector<16xf32>,
      %get3A_215 = arith.constant 640 : index
      %get3A_216 = tpu.vector_load %arg21[%get3A_215] {strides = array<i32>} : memref<1024xi32, #tpu.memory_space<vmem>>, vector<16xi32>,
      %get3A_217 = arith.constant 640 : index
      %get3A_218 = tpu.vector_load %arg22[%get3A_217] {strides = array<i32>} : memref<1024xf32, #tpu.memory_space<vmem>>, vector<16xf32>,
      tpu.vector_store_idx %arg19[%get3A_216], %get3A_218 : memref<16400xf32, #tpu.memory_space<vmem>>[vector<16xi32>], vector<16xf32>,
      %get3A_219 = arith.constant 656 : index
      %get3A_220 = tpu.vector_load %arg21[%get3A_219] {strides = array<i32>} : memref<1024xi32, #tpu.memory_space<vmem>>, vector<16xi32>,
      %get3A_221 = arith.constant 656 : index
      %get3A_222 = tpu.vector_load %arg22[%get3A_221] {strides = array<i32>} : memref<1024xf32, #tpu.memory_space<vmem>>, vector<16xf32>,
      tpu.vector_store_idx %arg19[%get3A_220], %get3A_222 : memref<16400xf32, #tpu.memory_space<vmem>>[vector<16xi32>], vector<16xf32>,
      %get3A_223 = arith.constant 672 : index
      %get3A_224 = tpu.vector_load %arg21[%get3A_223] {strides = array<i32>} : memref<1024xi32, #tpu.memory_space<vmem>>, vector<16xi32>,
      %get3A_225 = arith.constant 672 : index
      %get3A_226 = tpu.vector_load %arg22[%get3A_225] {strides = array<i32>} : memref<1024xf32, #tpu.memory_space<vmem>>, vector<16xf32>,
      tpu.vector_store_idx %arg19[%get3A_224], %get3A_226 : memref<16400xf32, #tpu.memory_space<vmem>>[vector<16xi32>], vector<16xf32>,
      %get3A_227 = arith.constant 688 : index
      %get3A_228 = tpu.vector_load %arg21[%get3A_227] {strides = array<i32>} : memref<1024xi32, #tpu.memory_space<vmem>>, vector<16xi32>,
      %get3A_229 = arith.constant 688 : index
      %get3A_230 = tpu.vector_load %arg22[%get3A_229] {strides = array<i32>} : memref<1024xf32, #tpu.memory_space<vmem>>, vector<16xf32>,
      tpu.vector_store_idx %arg19[%get3A_228], %get3A_230 : memref<16400xf32, #tpu.memory_space<vmem>>[vector<16xi32>], vector<16xf32>,
      %get3A_231 = arith.constant 704 : index
      %get3A_232 = tpu.vector_load %arg21[%get3A_231] {strides = array<i32>} : memref<1024xi32, #tpu.memory_space<vmem>>, vector<16xi32>,
      %get3A_233 = arith.constant 704 : index
      %get3A_234 = tpu.vector_load %arg22[%get3A_233] {strides = array<i32>} : memref<1024xf32, #tpu.memory_space<vmem>>, vector<16xf32>,
      tpu.vector_store_idx %arg19[%get3A_232], %get3A_234 : memref<16400xf32, #tpu.memory_space<vmem>>[vector<16xi32>], vector<16xf32>,
      %get3A_235 = arith.constant 720 : index
      %get3A_236 = tpu.vector_load %arg21[%get3A_235] {strides = array<i32>} : memref<1024xi32, #tpu.memory_space<vmem>>, vector<16xi32>,
      %get3A_237 = arith.constant 720 : index
      %get3A_238 = tpu.vector_load %arg22[%get3A_237] {strides = array<i32>} : memref<1024xf32, #tpu.memory_space<vmem>>, vector<16xf32>,
      tpu.vector_store_idx %arg19[%get3A_236], %get3A_238 : memref<16400xf32, #tpu.memory_space<vmem>>[vector<16xi32>], vector<16xf32>,
      %get3A_239 = arith.constant 736 : index
      %get3A_240 = tpu.vector_load %arg21[%get3A_239] {strides = array<i32>} : memref<1024xi32, #tpu.memory_space<vmem>>, vector<16xi32>,
      %get3A_241 = arith.constant 736 : index
      %get3A_242 = tpu.vector_load %arg22[%get3A_241] {strides = array<i32>} : memref<1024xf32, #tpu.memory_space<vmem>>, vector<16xf32>,
      tpu.vector_store_idx %arg19[%get3A_240], %get3A_242 : memref<16400xf32, #tpu.memory_space<vmem>>[vector<16xi32>], vector<16xf32>,
      %get3A_243 = arith.constant 752 : index
      %get3A_244 = tpu.vector_load %arg21[%get3A_243] {strides = array<i32>} : memref<1024xi32, #tpu.memory_space<vmem>>, vector<16xi32>,
      %get3A_245 = arith.constant 752 : index
      %get3A_246 = tpu.vector_load %arg22[%get3A_245] {strides = array<i32>} : memref<1024xf32, #tpu.memory_space<vmem>>, vector<16xf32>,
      tpu.vector_store_idx %arg19[%get3A_244], %get3A_246 : memref<16400xf32, #tpu.memory_space<vmem>>[vector<16xi32>], vector<16xf32>,
      %get3A_247 = arith.constant 768 : index
      %get3A_248 = tpu.vector_load %arg21[%get3A_247] {strides = array<i32>} : memref<1024xi32, #tpu.memory_space<vmem>>, vector<16xi32>,
      %get3A_249 = arith.constant 768 : index
      %get3A_250 = tpu.vector_load %arg22[%get3A_249] {strides = array<i32>} : memref<1024xf32, #tpu.memory_space<vmem>>, vector<16xf32>,
      tpu.vector_store_idx %arg19[%get3A_248], %get3A_250 : memref<16400xf32, #tpu.memory_space<vmem>>[vector<16xi32>], vector<16xf32>,
      %get3A_251 = arith.constant 784 : index
      %get3A_252 = tpu.vector_load %arg21[%get3A_251] {strides = array<i32>} : memref<1024xi32, #tpu.memory_space<vmem>>, vector<16xi32>,
      %get3A_253 = arith.constant 784 : index
      %get3A_254 = tpu.vector_load %arg22[%get3A_253] {strides = array<i32>} : memref<1024xf32, #tpu.memory_space<vmem>>, vector<16xf32>,
      tpu.vector_store_idx %arg19[%get3A_252], %get3A_254 : memref<16400xf32, #tpu.memory_space<vmem>>[vector<16xi32>], vector<16xf32>,
      %get3A_255 = arith.constant 800 : index
      %get3A_256 = tpu.vector_load %arg21[%get3A_255] {strides = array<i32>} : memref<1024xi32, #tpu.memory_space<vmem>>, vector<16xi32>,
      %get3A_257 = arith.constant 800 : index
      %get3A_258 = tpu.vector_load %arg22[%get3A_257] {strides = array<i32>} : memref<1024xf32, #tpu.memory_space<vmem>>, vector<16xf32>,
      tpu.vector_store_idx %arg19[%get3A_256], %get3A_258 : memref<16400xf32, #tpu.memory_space<vmem>>[vector<16xi32>], vector<16xf32>,
      %get3A_259 = arith.constant 816 : index
      %get3A_260 = tpu.vector_load %arg21[%get3A_259] {strides = array<i32>} : memref<1024xi32, #tpu.memory_space<vmem>>, vector<16xi32>,
      %get3A_261 = arith.constant 816 : index
      %get3A_262 = tpu.vector_load %arg22[%get3A_261] {strides = array<i32>} : memref<1024xf32, #tpu.memory_space<vmem>>, vector<16xf32>,
      tpu.vector_store_idx %arg19[%get3A_260], %get3A_262 : memref<16400xf32, #tpu.memory_space<vmem>>[vector<16xi32>], vector<16xf32>,
      %get3A_263 = arith.constant 832 : index
      %get3A_264 = tpu.vector_load %arg21[%get3A_263] {strides = array<i32>} : memref<1024xi32, #tpu.memory_space<vmem>>, vector<16xi32>,
      %get3A_265 = arith.constant 832 : index
      %get3A_266 = tpu.vector_load %arg22[%get3A_265] {strides = array<i32>} : memref<1024xf32, #tpu.memory_space<vmem>>, vector<16xf32>,
      tpu.vector_store_idx %arg19[%get3A_264], %get3A_266 : memref<16400xf32, #tpu.memory_space<vmem>>[vector<16xi32>], vector<16xf32>,
      %get3A_267 = arith.constant 848 : index
      %get3A_268 = tpu.vector_load %arg21[%get3A_267] {strides = array<i32>} : memref<1024xi32, #tpu.memory_space<vmem>>, vector<16xi32>,
      %get3A_269 = arith.constant 848 : index
      %get3A_270 = tpu.vector_load %arg22[%get3A_269] {strides = array<i32>} : memref<1024xf32, #tpu.memory_space<vmem>>, vector<16xf32>,
      tpu.vector_store_idx %arg19[%get3A_268], %get3A_270 : memref<16400xf32, #tpu.memory_space<vmem>>[vector<16xi32>], vector<16xf32>,
      %get3A_271 = arith.constant 864 : index
      %get3A_272 = tpu.vector_load %arg21[%get3A_271] {strides = array<i32>} : memref<1024xi32, #tpu.memory_space<vmem>>, vector<16xi32>,
      %get3A_273 = arith.constant 864 : index
      %get3A_274 = tpu.vector_load %arg22[%get3A_273] {strides = array<i32>} : memref<1024xf32, #tpu.memory_space<vmem>>, vector<16xf32>,
      tpu.vector_store_idx %arg19[%get3A_272], %get3A_274 : memref<16400xf32, #tpu.memory_space<vmem>>[vector<16xi32>], vector<16xf32>,
      %get3A_275 = arith.constant 880 : index
      %get3A_276 = tpu.vector_load %arg21[%get3A_275] {strides = array<i32>} : memref<1024xi32, #tpu.memory_space<vmem>>, vector<16xi32>,
      %get3A_277 = arith.constant 880 : index
      %get3A_278 = tpu.vector_load %arg22[%get3A_277] {strides = array<i32>} : memref<1024xf32, #tpu.memory_space<vmem>>, vector<16xf32>,
      tpu.vector_store_idx %arg19[%get3A_276], %get3A_278 : memref<16400xf32, #tpu.memory_space<vmem>>[vector<16xi32>], vector<16xf32>,
      %get3A_279 = arith.constant 896 : index
      %get3A_280 = tpu.vector_load %arg21[%get3A_279] {strides = array<i32>} : memref<1024xi32, #tpu.memory_space<vmem>>, vector<16xi32>,
      %get3A_281 = arith.constant 896 : index
      %get3A_282 = tpu.vector_load %arg22[%get3A_281] {strides = array<i32>} : memref<1024xf32, #tpu.memory_space<vmem>>, vector<16xf32>,
      tpu.vector_store_idx %arg19[%get3A_280], %get3A_282 : memref<16400xf32, #tpu.memory_space<vmem>>[vector<16xi32>], vector<16xf32>,
      %get3A_283 = arith.constant 912 : index
      %get3A_284 = tpu.vector_load %arg21[%get3A_283] {strides = array<i32>} : memref<1024xi32, #tpu.memory_space<vmem>>, vector<16xi32>,
      %get3A_285 = arith.constant 912 : index
      %get3A_286 = tpu.vector_load %arg22[%get3A_285] {strides = array<i32>} : memref<1024xf32, #tpu.memory_space<vmem>>, vector<16xf32>,
      tpu.vector_store_idx %arg19[%get3A_284], %get3A_286 : memref<16400xf32, #tpu.memory_space<vmem>>[vector<16xi32>], vector<16xf32>,
      %get3A_287 = arith.constant 928 : index
      %get3A_288 = tpu.vector_load %arg21[%get3A_287] {strides = array<i32>} : memref<1024xi32, #tpu.memory_space<vmem>>, vector<16xi32>,
      %get3A_289 = arith.constant 928 : index
      %get3A_290 = tpu.vector_load %arg22[%get3A_289] {strides = array<i32>} : memref<1024xf32, #tpu.memory_space<vmem>>, vector<16xf32>,
      tpu.vector_store_idx %arg19[%get3A_288], %get3A_290 : memref<16400xf32, #tpu.memory_space<vmem>>[vector<16xi32>], vector<16xf32>,
      %get3A_291 = arith.constant 944 : index
      %get3A_292 = tpu.vector_load %arg21[%get3A_291] {strides = array<i32>} : memref<1024xi32, #tpu.memory_space<vmem>>, vector<16xi32>,
      %get3A_293 = arith.constant 944 : index
      %get3A_294 = tpu.vector_load %arg22[%get3A_293] {strides = array<i32>} : memref<1024xf32, #tpu.memory_space<vmem>>, vector<16xf32>,
      tpu.vector_store_idx %arg19[%get3A_292], %get3A_294 : memref<16400xf32, #tpu.memory_space<vmem>>[vector<16xi32>], vector<16xf32>,
      %get3A_295 = arith.constant 960 : index
      %get3A_296 = tpu.vector_load %arg21[%get3A_295] {strides = array<i32>} : memref<1024xi32, #tpu.memory_space<vmem>>, vector<16xi32>,
      %get3A_297 = arith.constant 960 : index
      %get3A_298 = tpu.vector_load %arg22[%get3A_297] {strides = array<i32>} : memref<1024xf32, #tpu.memory_space<vmem>>, vector<16xf32>,
      tpu.vector_store_idx %arg19[%get3A_296], %get3A_298 : memref<16400xf32, #tpu.memory_space<vmem>>[vector<16xi32>], vector<16xf32>,
      %get3A_299 = arith.constant 976 : index
      %get3A_300 = tpu.vector_load %arg21[%get3A_299] {strides = array<i32>} : memref<1024xi32, #tpu.memory_space<vmem>>, vector<16xi32>,
      %get3A_301 = arith.constant 976 : index
      %get3A_302 = tpu.vector_load %arg22[%get3A_301] {strides = array<i32>} : memref<1024xf32, #tpu.memory_space<vmem>>, vector<16xf32>,
      tpu.vector_store_idx %arg19[%get3A_300], %get3A_302 : memref<16400xf32, #tpu.memory_space<vmem>>[vector<16xi32>], vector<16xf32>,
      %get3A_303 = arith.constant 992 : index
      %get3A_304 = tpu.vector_load %arg21[%get3A_303] {strides = array<i32>} : memref<1024xi32, #tpu.memory_space<vmem>>, vector<16xi32>,
      %get3A_305 = arith.constant 992 : index
      %get3A_306 = tpu.vector_load %arg22[%get3A_305] {strides = array<i32>} : memref<1024xf32, #tpu.memory_space<vmem>>, vector<16xf32>,
      tpu.vector_store_idx %arg19[%get3A_304], %get3A_306 : memref<16400xf32, #tpu.memory_space<vmem>>[vector<16xi32>], vector<16xf32>,
      %get3A_307 = arith.constant 1008 : index
      %get3A_308 = tpu.vector_load %arg21[%get3A_307] {strides = array<i32>} : memref<1024xi32, #tpu.memory_space<vmem>>, vector<16xi32>,
      %get3A_309 = arith.constant 1008 : index
      %get3A_310 = tpu.vector_load %arg22[%get3A_309] {strides = array<i32>} : memref<1024xf32, #tpu.memory_space<vmem>>, vector<16xf32>,
      tpu.vector_store_idx %arg19[%get3A_308], %get3A_310 : memref<16400xf32, #tpu.memory_space<vmem>>[vector<16xi32>], vector<16xf32>,
      "tpu.region"() ({
        %run_scoped3A = tpu.sem_alloc : memref<!tpu.dma_semaphore, #tpu.memory_space<semaphore_mem>>
        %dma_start3A_311 = arith.constant 0 : i32
        %dma_start3A_312 = tpu.memref_slice %arg19[%dma_start3A_311] : memref<16400xf32, #tpu.memory_space<vmem>> -> memref<16384xf32, #tpu.memory_space<vmem>>
        %dma_start3A_313 = arith.constant 0 : i32
        %dma_start3A_314 = tpu.memref_slice %arg19[%dma_start3A_313] : memref<16400xf32, #tpu.memory_space<vmem>> -> memref<16384xf32, #tpu.memory_space<vmem>>
        tpu.enqueue_dma source(%dma_start3A_314 : memref<16384xf32, #tpu.memory_space<vmem>>) target(%arg12 : memref<16384xf32, #tpu.memory_space<hbm>>) target_semaphore(%run_scoped3A : memref<!tpu.dma_semaphore, #tpu.memory_space<semaphore_mem>>)
        %dma_wait3A_315 = arith.constant 0 : i32
        %dma_wait3A_316 = tpu.memref_slice %arg19[%dma_wait3A_315] : memref<16400xf32, #tpu.memory_space<vmem>> -> memref<16384xf32, #tpu.memory_space<vmem>>
        %dma_wait3A_317 = arith.constant 0 : i32
        %dma_wait3A_318 = tpu.memref_slice %arg19[%dma_wait3A_317] : memref<16400xf32, #tpu.memory_space<vmem>> -> memref<16384xf32, #tpu.memory_space<vmem>>
        tpu.wait_dma2 semaphore(%run_scoped3A : memref<!tpu.dma_semaphore, #tpu.memory_space<semaphore_mem>>) src(%dma_wait3A_318 : memref<16384xf32, #tpu.memory_space<vmem>>) dst(%arg12 : memref<16384xf32, #tpu.memory_space<hbm>>)
        tpu.yield
      }) : () -> ()
    } else {
    }
    return
  }
}

module attributes {stable_mosaic.version = 14 : i64} {
  func.func @body(%arg0: memref<1024x256xf32, #tpu.memory_space<vmem>>, %arg1: memref<1024x1xi32, #tpu.memory_space<vmem>>, %arg2: memref<1x1024xi32, #tpu.memory_space<vmem>>, %arg3: memref<256x256xf32, #tpu.memory_space<vmem>>, %arg4: memref<256x256xf32, #tpu.memory_space<vmem>>, %arg5: memref<1024x256xf32, #tpu.memory_space<vmem>>, %arg6: memref<1024x256xf32, #tpu.memory_space<vmem>>, %arg7: memref<1024x1xi32, #tpu.memory_space<vmem>>) attributes {dimension_semantics = [], scalar_prefetch = 0 : i64, scratch_operands = 0 : i64, tpu.core_type = #tpu.core_type<tc>} {
    %get3A = arith.constant 0 : index
    %get3A_0 = arith.constant 0 : index
    %get3A_1 = vector.load %arg0[%get3A, %get3A_0] : memref<1024x256xf32, #tpu.memory_space<vmem>>, vector<1024x256xf32>
    %get3A_2 = arith.constant 0 : index
    %get3A_3 = arith.constant 0 : index
    %get3A_4 = vector.load %arg3[%get3A_2, %get3A_3] : memref<256x256xf32, #tpu.memory_space<vmem>>, vector<256x256xf32>
    %dot_general3A = arith.constant dense<0.000000e+00> : vector<1024x256xf32>
    %dot_general3A_5 = tpu.matmul %get3A_1, %get3A_4, %dot_general3A {dimension_numbers = #tpu.dot_dimension_numbers<[1], [1], [0], [0], [0, 0, 1, 0], [], []>, transpose_lhs_hint = false} : vector<1024x256xf32>, vector<256x256xf32>, vector<1024x256xf32> -> vector<1024x256xf32>
    %swap3A = arith.constant 0 : index
    %swap3A_6 = arith.constant 0 : index
    %swap3A_7 = vector.load %arg5[%swap3A, %swap3A_6] : memref<1024x256xf32, #tpu.memory_space<vmem>>, vector<1024x256xf32>
    tpu.vector_store %arg5[%swap3A, %swap3A_6], %dot_general3A_5 {strides = array<i32>} : memref<1024x256xf32, #tpu.memory_space<vmem>>, vector<1024x256xf32>,
    %get3A_8 = arith.constant 0 : index
    %get3A_9 = arith.constant 0 : index
    %get3A_10 = vector.load %arg4[%get3A_8, %get3A_9] : memref<256x256xf32, #tpu.memory_space<vmem>>, vector<256x256xf32>
    %dot_general3A_11 = arith.constant dense<0.000000e+00> : vector<1024x256xf32>
    %dot_general3A_12 = tpu.matmul %get3A_1, %get3A_10, %dot_general3A_11 {dimension_numbers = #tpu.dot_dimension_numbers<[1], [1], [0], [0], [0, 0, 1, 0], [], []>, transpose_lhs_hint = false} : vector<1024x256xf32>, vector<256x256xf32>, vector<1024x256xf32> -> vector<1024x256xf32>
    %swap3A_13 = arith.constant 0 : index
    %swap3A_14 = arith.constant 0 : index
    %swap3A_15 = vector.load %arg6[%swap3A_13, %swap3A_14] : memref<1024x256xf32, #tpu.memory_space<vmem>>, vector<1024x256xf32>
    tpu.vector_store %arg6[%swap3A_13, %swap3A_14], %dot_general3A_12 {strides = array<i32>} : memref<1024x256xf32, #tpu.memory_space<vmem>>, vector<1024x256xf32>,
    %get3A_16 = arith.constant 0 : index
    %get3A_17 = arith.constant 0 : index
    %get3A_18 = vector.load %arg1[%get3A_16, %get3A_17] : memref<1024x1xi32, #tpu.memory_space<vmem>>, vector<1024x1xi32>
    %get3A_19 = arith.constant 0 : index
    %get3A_20 = arith.constant 0 : index
    %get3A_21 = vector.load %arg2[%get3A_19, %get3A_20] : memref<1x1024xi32, #tpu.memory_space<vmem>>, vector<1x1024xi32>
    %eq3A = vector.broadcast %get3A_18 : vector<1024x1xi32> to vector<1024x1024xi32>
    %eq3A_22 = vector.broadcast %get3A_21 : vector<1x1024xi32> to vector<1024x1024xi32>
    %eq3A_23 = arith.cmpi eq, %eq3A, %eq3A_22 : vector<1024x1024xi32>
    %iota3A = tpu.iota {dimensions = array<i32: 1>} : vector<1024x1024xi32>
    %jit3A = arith.constant -1 : i32
    %broadcast_in_dim3A = vector.broadcast %jit3A : i32 to vector<1024x1024xi32>
    %select_n3A = arith.select %eq3A_23, %iota3A, %broadcast_in_dim3A : vector<1024x1024xi1>, vector<1024x1024xi32>
    %reduce_max3A = arith.constant dense<-2147483648> : vector<1024xi32>
    %reduce_max3A_24 = vector.multi_reduction <maxsi>, %select_n3A, %reduce_max3A [1] : vector<1024x1024xi32> to vector<1024xi32>
    %broadcast_in_dim3A_25 = vector.shape_cast %reduce_max3A_24 : vector<1024xi32> to vector<1024x1xi32>
    %iota3A_26 = tpu.iota {dimensions = array<i32: 0>} : vector<1024x1xi32>
    %eq3A_27 = arith.cmpi eq, %broadcast_in_dim3A_25, %iota3A_26 : vector<1024x1xi32>
    %jit3A_28 = arith.constant 16384 : i32
    %broadcast_in_dim3A_29 = vector.broadcast %jit3A_28 : i32 to vector<1024x1xi32>
    %select_n3A_30 = arith.select %eq3A_27, %get3A_18, %broadcast_in_dim3A_29 : vector<1024x1xi1>, vector<1024x1xi32>
    %swap3A_31 = arith.constant 0 : index
    %swap3A_32 = arith.constant 0 : index
    %swap3A_33 = vector.load %arg7[%swap3A_31, %swap3A_32] : memref<1024x1xi32, #tpu.memory_space<vmem>>, vector<1024x1xi32>
    tpu.vector_store %arg7[%swap3A_31, %swap3A_32], %select_n3A_30 {strides = array<i32>} : memref<1024x1xi32, #tpu.memory_space<vmem>>, vector<1024x1xi32>,
    return
  }
}

module attributes {stable_mosaic.version = 14 : i64} {
  func.func @body(%arg0: i32, %arg1: memref<1024x1xf32, #tpu.memory_space<vmem>>, %arg2: memref<1x1xf32, #tpu.memory_space<vmem>>, %arg3: memref<1x1xf32, #tpu.memory_space<vmem>>, %arg4: memref<1x1xf32, #tpu.memory_space<vmem>>, %arg5: memref<1024x256xf32, #tpu.memory_space<vmem>>, %arg6: memref<2048x256xf32, #tpu.memory_space<vmem>>, %arg7: memref<2048x256xf32, #tpu.memory_space<vmem>>, %arg8: memref<2048x1xf32, #tpu.memory_space<vmem>>, %arg9: memref<1x2048xf32, #tpu.memory_space<vmem>>, %arg10: memref<1024x2048xf32, #tpu.memory_space<vmem>>) attributes {dimension_semantics = [#tpu.dimension_semantics<parallel>], iteration_bounds = array<i64: 8>, scalar_prefetch = 0 : i64, scratch_operands = 0 : i64, tpu.core_type = #tpu.core_type<tc>, window_params = [{pipeline_mode = #tpu.pipeline_mode<synchronous>, transform_indices = @transform_0, window_bounds = array<i64: 1024, 1>}, {pipeline_mode = #tpu.pipeline_mode<synchronous>, transform_indices = @transform_1, window_bounds = array<i64: 1, 1>}, {pipeline_mode = #tpu.pipeline_mode<synchronous>, transform_indices = @transform_2, window_bounds = array<i64: 1, 1>}, {pipeline_mode = #tpu.pipeline_mode<synchronous>, transform_indices = @transform_3, window_bounds = array<i64: 1, 1>}, {pipeline_mode = #tpu.pipeline_mode<synchronous>, transform_indices = @transform_4, window_bounds = array<i64: 1024, 256>}, {transform_indices = @transform_5, window_bounds = array<i64: 2048, 256>}, {transform_indices = @transform_6, window_bounds = array<i64: 2048, 256>}, {transform_indices = @transform_7, window_bounds = array<i64: 2048, 1>}, {transform_indices = @transform_8, window_bounds = array<i64: 1, 2048>}, {transform_indices = @transform_9, window_bounds = array<i64: 1024, 2048>}]} {
    %get3A = arith.constant 0 : index
    %get3A_0 = arith.constant 0 : index
    %get3A_1 = vector.load %arg8[%get3A, %get3A_0] : memref<2048x1xf32, #tpu.memory_space<vmem>>, vector<2048x1xf32>
    %gt3A = arith.constant 0.000000e+00 : f32
    %gt3A_2 = vector.broadcast %gt3A : f32 to vector<2048x1xf32>
    %gt3A_3 = arith.cmpf ogt, %get3A_1, %gt3A_2 : vector<2048x1xf32>
    %get3A_4 = arith.constant 0 : index
    %get3A_5 = arith.constant 0 : index
    %get3A_6 = vector.load %arg7[%get3A_4, %get3A_5] : memref<2048x256xf32, #tpu.memory_space<vmem>>, vector<2048x256xf32>
    %get3A_7 = arith.constant 0 : index
    %get3A_8 = arith.constant 0 : index
    %get3A_9 = vector.load %arg6[%get3A_7, %get3A_8] : memref<2048x256xf32, #tpu.memory_space<vmem>>, vector<2048x256xf32>
    %broadcast_in_dim3A = vector.shape_cast %gt3A_3 : vector<2048x1xi1> to vector<2048x1xi1>
    %broadcast_in_dim3A_10 = vector.broadcast %broadcast_in_dim3A : vector<2048x1xi1> to vector<2048x256xi1>
    %select_n3A = arith.select %broadcast_in_dim3A_10, %get3A_6, %get3A_9 : vector<2048x256xi1>, vector<2048x256xf32>
    %get3A_11 = arith.constant 0 : index
    %get3A_12 = arith.constant 0 : index
    %get3A_13 = vector.load %arg5[%get3A_11, %get3A_12] : memref<1024x256xf32, #tpu.memory_space<vmem>>, vector<1024x256xf32>
    %dot_general3A = arith.constant dense<0.000000e+00> : vector<1024x2048xf32>
    %dot_general3A_14 = tpu.matmul %get3A_13, %select_n3A, %dot_general3A {dimension_numbers = #tpu.dot_dimension_numbers<[1], [1], [0], [0], [0, 0, 1, 0], [], []>, transpose_lhs_hint = false} : vector<1024x256xf32>, vector<2048x256xf32>, vector<1024x2048xf32> -> vector<1024x2048xf32>
    %get3A_15 = arith.constant 0 : index
    %get3A_16 = arith.constant 0 : index
    %get3A_17 = vector.load %arg1[%get3A_15, %get3A_16] : memref<1024x1xf32, #tpu.memory_space<vmem>>, vector<1024x1xf32>
    %reduce_sum3A = vector.shape_cast %get3A_17 : vector<1024x1xf32> to vector<1x1024x1xf32>
    %reduce_sum3A_18 = arith.constant dense<0.000000e+00> : vector<1xf32>
    %reduce_sum3A_19 = vector.multi_reduction <add>, %reduce_sum3A, %reduce_sum3A_18 [1, 2] : vector<1x1024x1xf32> to vector<1xf32>
    %reduce_sum3A_20 = vector.shape_cast %reduce_sum3A_19 : vector<1xf32> to vector<1x1x1xf32>
    %reduce_sum3A_21 = vector.extract %reduce_sum3A_20[0, 0, 0] : f32 from vector<1x1x1xf32>
    %broadcast_in_dim3A_22 = vector.broadcast %reduce_sum3A_21 : f32 to vector<1x1xf32>
    %div3A = arith.constant 1.024000e+03 : f32
    %div3A_23 = vector.broadcast %div3A : f32 to vector<1x1xf32>
    %div3A_24 = arith.divf %broadcast_in_dim3A_22, %div3A_23 : vector<1x1xf32>
    %get3A_25 = arith.constant 0 : index
    %get3A_26 = arith.constant 0 : index
    %get3A_27 = vector.load %arg2[%get3A_25, %get3A_26] : memref<1x1xf32, #tpu.memory_space<vmem>>, vector<1x1xf32>
    %get3A_28 = arith.constant 0 : index
    %get3A_29 = arith.constant 0 : index
    %get3A_30 = vector.load %arg3[%get3A_28, %get3A_29] : memref<1x1xf32, #tpu.memory_space<vmem>>, vector<1x1xf32>
    %get3A_31 = arith.constant 0 : index
    %get3A_32 = arith.constant 0 : index
    %get3A_33 = vector.load %arg4[%get3A_31, %get3A_32] : memref<1x1xf32, #tpu.memory_space<vmem>>, vector<1x1xf32>
    %add3A = arith.addf %get3A_30, %get3A_33 : vector<1x1xf32>
    %mul3A = arith.mulf %div3A_24, %get3A_27 : vector<1x1xf32>
    %sub3A = arith.subf %add3A, %mul3A : vector<1x1xf32>
    %get3A_34 = arith.constant 0 : index
    %get3A_35 = arith.constant 0 : index
    %get3A_36 = vector.load %arg9[%get3A_34, %get3A_35] : memref<1x2048xf32, #tpu.memory_space<vmem>>, vector<1x2048xf32>
    %mul3A_37 = vector.broadcast %get3A_27 : vector<1x1xf32> to vector<1x2048xf32>
    %mul3A_38 = arith.mulf %get3A_36, %mul3A_37 : vector<1x2048xf32>
    %add3A_39 = vector.broadcast %sub3A : vector<1x1xf32> to vector<1x2048xf32>
    %add3A_40 = arith.addf %mul3A_38, %add3A_39 : vector<1x2048xf32>
    %add3A_41 = vector.broadcast %add3A_40 : vector<1x2048xf32> to vector<1024x2048xf32>
    %add3A_42 = arith.addf %dot_general3A_14, %add3A_41 : vector<1024x2048xf32>
    %swap3A = arith.constant 0 : index
    %swap3A_43 = arith.constant 0 : index
    %swap3A_44 = vector.load %arg10[%swap3A, %swap3A_43] : memref<1024x2048xf32, #tpu.memory_space<vmem>>, vector<1024x2048xf32>
    tpu.vector_store %arg10[%swap3A, %swap3A_43], %add3A_42 {strides = array<i32>} : memref<1024x2048xf32, #tpu.memory_space<vmem>>, vector<1024x2048xf32>,
    return
  }
  func.func @transform_0(%arg0: i32) -> (i32, i32) {
    %c0_i32 = arith.constant 0 : i32
    %c0_i32_0 = arith.constant 0 : i32
    %c0_i32_1 = arith.constant 0 : i32
    return %c0_i32, %c0_i32_0 : i32, i32
  }
  func.func @transform_1(%arg0: i32) -> (i32, i32) {
    %c0_i32 = arith.constant 0 : i32
    %c0_i32_0 = arith.constant 0 : i32
    %c0_i32_1 = arith.constant 0 : i32
    return %c0_i32, %c0_i32_0 : i32, i32
  }
  func.func @transform_2(%arg0: i32) -> (i32, i32) {
    %c0_i32 = arith.constant 0 : i32
    %c0_i32_0 = arith.constant 0 : i32
    %c0_i32_1 = arith.constant 0 : i32
    return %c0_i32, %c0_i32_0 : i32, i32
  }
  func.func @transform_3(%arg0: i32) -> (i32, i32) {
    %c0_i32 = arith.constant 0 : i32
    %c0_i32_0 = arith.constant 0 : i32
    %c0_i32_1 = arith.constant 0 : i32
    return %c0_i32, %c0_i32_0 : i32, i32
  }
  func.func @transform_4(%arg0: i32) -> (i32, i32) {
    %c0_i32 = arith.constant 0 : i32
    %c0_i32_0 = arith.constant 0 : i32
    %c0_i32_1 = arith.constant 0 : i32
    return %c0_i32, %c0_i32_0 : i32, i32
  }
  func.func @transform_5(%arg0: i32) -> (i32, i32) {
    %c0_i32 = arith.constant 0 : i32
    %c0_i32_0 = arith.constant 0 : i32
    return %arg0, %c0_i32 : i32, i32
  }
  func.func @transform_6(%arg0: i32) -> (i32, i32) {
    %c0_i32 = arith.constant 0 : i32
    %c0_i32_0 = arith.constant 0 : i32
    return %arg0, %c0_i32 : i32, i32
  }
  func.func @transform_7(%arg0: i32) -> (i32, i32) {
    %c0_i32 = arith.constant 0 : i32
    %c0_i32_0 = arith.constant 0 : i32
    return %arg0, %c0_i32 : i32, i32
  }
  func.func @transform_8(%arg0: i32) -> (i32, i32) {
    %c0_i32 = arith.constant 0 : i32
    %c0_i32_0 = arith.constant 0 : i32
    return %c0_i32, %arg0 : i32, i32
  }
  func.func @transform_9(%arg0: i32) -> (i32, i32) {
    %c0_i32 = arith.constant 0 : i32
    %c0_i32_0 = arith.constant 0 : i32
    return %c0_i32, %arg0 : i32, i32
  }
}

</mosaic_0001>

<sc_bundles>
// kernel: kernel.5.cloned.1.call-start
scs
__scs_entry_jumppad:
0x0: {  	(pc) =	sbr.rel $0x88, $3  }
0x1: {  	(tag) =	ssettag $0x0;
	lr =	simm.s32 $0x1  }
0x2: {  	[smem:$0x3F96] =	sst lr;
	_ =	strace $0xD0000000  }
0x3: {  	_ = 	snop  }
0x4: {  	_ = 	snop  }
0x5: {  	_ = 	snop  }
0x6: {  	_ = 	snop  }
0x7: {  	_ = 	snop  }
__scs_overlays_trampoline_lowered:
0x8: {  	[smem:$0x3FA5] =	sst s0  }
0x9: {  	[smem:$0x3FA6] =	sst s1  }
0xa: {  	[smem:$0x3FA7] =	sst s2  }
0xb: {  	[smem:$0x3FA8] =	sst s3  }
0xc: {  	[smem:$0x3FA9] =	sst s4  }
0xd: {  	[smem:$0x3FAA] =	sst s5  }
0xe: {  	[smem:$0x3FAB] =	sst s6  }
0xf: {  	[smem:$0x3FAC] =	sst s7  }
0x10: {  	[smem:$0x3FAD] =	sst s8  }
0x11: {  	[smem:$0x3FAE] =	sst s9;
	s0 =	simm.s32 @!p0 $0x0  }
0x12: {  	s1 =	sld [smem:$0x3F94];
	s0 =	simm.s32 @p0 $0x1  }
0x13: {  	[smem:$0x3FAF] =	sst s0;
	s0 =	simm.s32 @!p1 $0x0  }
0x14: {  	s2 =	sld [smem:$0x3F93];
	s0 =	simm.s32 @p1 $0x1  }
0x15: {  	[smem:$0x3FB0] =	sst s0;
	s0 =	simm.s32 @!p2 $0x0  }
0x16: {  	s3 =	sld [smem:$0x3FDB];
	s0 =	simm.s32 @p2 $0x1  }
0x17: {  	s4 =	simm.s32 $0x1BF5;
	[smem:$0x3FB2] =	sst s0  }
0x18: {  	s0 =	sld [smem:$0x3F95];
	_ =	swait.ge [sflag:s4], $0x0  }
0x19: {  	s7 =	sld [smem:$0x3F96]  }
0x1a: {  	s8 =	sadd.s32 $0xFFFFE003, lr  }
0x1b: {  	s9 =	sadd.s32 $0xFFFFFEF7, lr;
	s5 =	simm.s32 $0xFFFFFFFF;
	p2 =	slt.u32 s8, $0xFFFFF086  }
0x1c: {  	p1 =	slt.u32 s9, $0xF7A;
	s5 =	simm.s32 @!p2 $0x0  }
0x1d: {  	s5 =	simm.s32 @p1 $0x1;
	p0 =	seq.s32 s7, s2  }
0x1e: {  	s7 =	smul.u32 @!p0 $0xF7A, s2;
	p2 =	seq.s32 @!p0 s5, $0x0  }
0x1f: {  	s9 =	smul.u32 $0xF7A, s1;
	s8 =	simm.s32 @!p0 $0x1BF5;
	p2 =	por !p2, p0  }
0x20: {  	[sflag:s8] =	ssyncset.s32 @!p0 $0xFFFFF086;
	s6 =	sadd.s32 @!p0 s3, s7;
	s7 =	simm.s32 @!p0 $0x108  }
0x21: {  	s3 =	sadd.s32 s3, s9;
	s6 =	sadd.s32 @!p0 $0x88, s6;
	s7 =	simm.s32 @p2 $0x1082  }
0x22: {  	[simem:s7], [sflag:s8] =	dma.local @!p0 [hbm:s6], $0xF7A  }
0x23: {  	s9 =	sor.u32 $0xD0000000, s2;
	s6 =	simm.s32 $0x108;
	_ =	swait.ge @!p0 [sflag:s8], $0x0  }
0x24: {  	s3 =	sadd.s32 $0x88, s3;
	s6 =	simm.s32 @!p1 $0x1082;
	[sflag:s4] =	ssyncset.s32 $0xFFFFF086  }
0x25: {  	[simem:s6], [sflag:s4] =	dma.local [hbm:s3], $0xF7A  }
0x26: {  	[smem:$0x3F96] =	sst s1;
	(tag) =	ssettag s2;
	_ =	strace s9  }
0x27: {  	s1 =	sld [smem:$0x3FA6]  }
0x28: {  	s2 =	sld [smem:$0x3FA7]  }
0x29: {  	s4 =	sld [smem:$0x3FA9]  }
0x2a: {  	p0 =	seq.s32 s5, $0x0;
	s5 =	sld [smem:$0x3FAA]  }
0x2b: {  	s6 =	sld [smem:$0x3FAB]  }
0x2c: {  	s7 =	sld [smem:$0x3FAC]  }
0x2d: {  	s3 =	simm.s32 $0x108;
	s8 =	sld [smem:$0x3FAD]  }
0x2e: {  	s3 =	simm.s32 @!p0 $0x1082;
	s9 =	sld [smem:$0x3FAE]  }
0x2f: {  	lr =	sadd.s32 s0, s3;
	s0 =	sld [smem:$0x3FA5]  }
0x30: {  	s3 =	sld [smem:$0x3FA8]  }
0x31: {  	[smem:$0x3FB1] =	sst s10  }
0x32: {  	s10 =	sld [smem:$0x3FAF];
	_ =	sdelay $0x3  }
0x33: {  	p0 =	seq.s32 s10, $0x1;
	s10 =	sld [smem:$0x3FB1];
	_ =	sdelay $0x3  }
0x34: {  	[smem:$0x3FB1] =	sst s10  }
0x35: {  	s10 =	sld [smem:$0x3FB0];
	_ =	sdelay $0x3  }
0x36: {  	p1 =	seq.s32 s10, $0x1;
	s10 =	sld [smem:$0x3FB1];
	_ =	sdelay $0x3  }
0x37: {  	[smem:$0x3FB1] =	sst s10  }
0x38: {  	s10 =	sld [smem:$0x3FB2]  }
0x39: {  	_ = 	snop;
	(pc) =	sbr.ind lr, $3  }
0x3a: {  	_ = 	snop  }
0x3b: {  	_ = 	snop  }
0x3c: {  	p2 =	seq.s32 s10, $0x1;
	s10 =	sld [smem:$0x3FB1]  }
0x3d: {  	_ =	shalt  }
0x3e: {  	_ =	shalt  }
0x3f: {  	_ =	shalt  }
0x40: {  	_ =	shalt  }
0x41: {  	_ =	shalt  }
0x42: {  	_ =	shalt  }
0x43: {  	_ =	shalt  }
0x44: {  	_ =	shalt  }
0x45: {  	_ =	shalt  }
0x46: {  	_ =	shalt  }
0x47: {  	_ =	shalt  }
0x48: {  	_ =	shalt  }
0x49: {  	_ =	shalt  }
0x4a: {  	_ =	shalt  }
0x4b: {  	_ =	shalt  }
0x4c: {  	_ =	shalt  }
0x4d: {  	_ =	shalt  }
0x4e: {  	_ =	shalt  }
0x4f: {  	_ =	shalt  }
0x50: {  	_ =	shalt  }
0x51: {  	_ =	shalt  }
0x52: {  	_ =	shalt  }
0x53: {  	_ =	shalt  }
0x54: {  	_ =	shalt  }
0x55: {  	_ =	shalt  }
0x56: {  	_ =	shalt  }
0x57: {  	_ =	shalt  }
0x58: {  	_ =	shalt  }
0x59: {  	_ =	shalt  }
0x5a: {  	_ =	shalt  }
0x5b: {  	_ =	shalt  }
0x5c: {  	_ =	shalt  }
0x5d: {  	_ =	shalt  }
0x5e: {  	_ =	shalt  }
0x5f: {  	_ =	shalt  }
0x60: {  	_ =	shalt  }
0x61: {  	_ =	shalt  }
0x62: {  	_ =	shalt  }
0x63: {  	_ =	shalt  }
0x64: {  	_ =	shalt  }
0x65: {  	_ =	shalt  }
0x66: {  	_ =	shalt  }
0x67: {  	_ =	shalt  }
0x68: {  	_ =	shalt  }
0x69: {  	_ =	shalt  }
0x6a: {  	_ =	shalt  }
0x6b: {  	_ =	shalt  }
0x6c: {  	_ =	shalt  }
0x6d: {  	_ =	shalt  }
0x6e: {  	_ =	shalt  }
0x6f: {  	_ =	shalt  }
0x70: {  	_ =	shalt  }
0x71: {  	_ =	shalt  }
0x72: {  	_ =	shalt  }
0x73: {  	_ =	shalt  }
0x74: {  	_ =	shalt  }
0x75: {  	_ =	shalt  }
0x76: {  	_ =	shalt  }
0x77: {  	_ =	shalt  }
0x78: {  	_ =	shalt  }
0x79: {  	_ =	shalt  }
0x7a: {  	_ =	shalt  }
0x7b: {  	_ =	shalt  }
0x7c: {  	_ =	shalt  }
0x7d: {  	_ =	shalt  }
0x7e: {  	_ =	shalt  }
0x7f: {  	_ =	shalt  }
0x80: {  	_ =	shalt  }
0x81: {  	_ =	shalt  }
0x82: {  	_ =	shalt  }
0x83: {  	_ =	shalt  }
0x84: {  	_ =	shalt  }
0x85: {  	_ =	shalt  }
0x86: {  	_ =	shalt  }
0x87: {  	_ =	shalt  }
.Lfunc_end0:
.L_simem_size_0:
called_computation_lowered:
.L_overlay_start_0:
0x88: {  	s2 =	sld [smem:$0x3FD9]  }
0x89: {  	s3 =	sld [smem:$0x3FFE];
	_ =	sdelay $0x1  }
0x8a: {  	s1 =	srdreg.scid  }
0x8b: {  	s0 =	sand.u32 $0x1, s1  }
0x8c: {  	s17 =	sshll.u32 s0, $0xA;
	s2 =	sadd.s32 s3, s2  }
0x8d: {  	s2 =	sadd.s32 s2, s17  }
0x8e: {  	[smem:$0x3FBD] =	sst s2  }
0x8f: {  	_ = 	snop  }
0x90: {  	s2 =	sld [smem:$0x3FC9]  }
0x91: {  	s18 =	sld [smem:$0x3FC8]  }
0x92: {  	s4 =	sld [smem:$0x3FC7]  }
0x93: {  	s5 =	sld [smem:$0x3FC6]  }
0x94: {  	s6 =	sld [smem:$0x3FBF]  }
0x95: {  	s7 =	sld [smem:$0x3FD0];
	(tm) =	ssettm $0x1  }
0x96: {  	s8 =	sld [smem:$0x3FFB];
	_ =	sdelay $0x3  }
0x97: {  	_ =	strace s8  }
0x98: {  	s8 =	sld [smem:$0x3FFC];
	_ =	sdelay $0x3  }
0x99: {  	_ =	strace s8  }
0x9a: {  	s8 =	sld [smem:$0x3FFD];
	_ =	sdelay $0x3  }
0x9b: {  	_ =	strace s8  }
0x9c: {  	_ =	strace $0x8FFFFFFF  }
0x9d: {  	s19 =	sld [smem:$0x3FDB];
	_ =	sdelay $0x1  }
0x9e: {  	s9 =	simm.s32 $_scs_section_size  }
0x9f: {  	s10 =	simm.s32 $_size__tile_overlayer_lowered;
	s11 =	simm.s32 $_tile_overlayer_lowered  }
0xa0: {  	s22 =	simm.s32 $0x1BFF;
	s21 =	sshll.u32 s11, $0x1;
	s8 =	sadd.s32 s9, s19  }
0xa1: {  	s12 =	simm.s32 $0x0;
	s20 =	sshll.u32 s10, $0x1;
	s10 =	sadd.s32 s21, s8  }
0xa2: {  	[timem:s12], [sflag:s22] =	dma.local [hbm:s10], s20  }
0xa3: {  	_ =	swait.ge [sflag:s22], s20  }
0xa4: {  	s9 =	ssub.s32 $0x0, s20;
	[sflag:s22] =	ssyncset.done $0x0  }
0xa5: {  	[sflag:s22] =	ssyncadd.s32 s9;
	_ =	sdelay $0x1  }
0xa6: {  	s23 =	simm.s32 $0x1B8B  }
0xa7: {  	_ =	swait.ge [sflag:s23], $0x1  }
0xa8: {  	[sflag:s23] =	ssyncset.done $0x0  }
0xa9: {  	s25 =	simm.s32 $0x1B8E;
	s24 =	sld [smem:$0x3FFE];
	[sflag:s23] =	ssyncadd.s32 $0xFFFFFFFF  }
0xaa: {  	s26 =	simm.s32 $execute0_lowered;
	[smem:$0x3FD2] =	sst s25  }
0xab: {  	s10 =	sshll.u32 s26, $0x1;
	_ =	strace $0x80000046;
	[dreg:$0x1] =	wrdreg $0xFFFFFFFF  }
0xac: {  	s28 =	simm.s32 $_size_execute0_lowered;
	s8 =	sadd.s32 s8, s10;
	[dreg:$0x0] =	wrdreg $0x0  }
0xad: {  	s10 =	sshll.u32 s28, $0x1;
	[dreg:$0x2] =	wrdreg s8  }
0xae: {  	[dreg:$0x3] =	wrdreg s10  }
0xaf: {  	[dreg:$0x4] =	wrdreg $0xC0  }
0xb0: {  	_ =	task [dreg:s12], $0x5FFFF  }
0xb1: {  	[dreg:$0x1] =	wrdreg $0xFFFFFFFF  }
0xb2: {  	[dreg:$0x0] =	wrdreg $0x60  }
0xb3: {  	[dreg:$0x2] =	wrdreg s2  }
0xb4: {  	[dreg:$0x3] =	wrdreg s4  }
0xb5: {  	[dreg:$0x4] =	wrdreg s7  }
0xb6: {  	[dreg:$0x5] =	wrdreg s24  }
0xb7: {  	[dreg:$0x6] =	wrdreg s18  }
0xb8: {  	[dreg:$0x7] =	wrdreg s5  }
0xb9: {  	[dreg:$0x8] =	wrdreg s6  }
0xba: {  	[dreg:$0x9] =	wrdreg $0x9  }
0xbb: {  	_ =	task.clear_ibuf [dreg:s12], $0xAFFFF;
	_ =	strace $0x90000046  }
0xbc: {  	s29 =	simm.s32 $0x9;
	_ =	strace $0x80000048  }
0xbd: {  	_ =	swait.ge [sflag:s29], $0x1  }
0xbe: {  	[sflag:s29] =	ssyncadd.s32 $0xFFFFFFFF  }
0xbf: {  	_ =	strace $0x90000048  }
0xc0: {  	_ =	sfence  }
0xc1: {  	s30 =	sld [smem:$0x0];
	_ =	sdelay $0x2  }
0xc2: {  	s31 =	sshll.u32 s1, $0xD;
	s1 =	sshrl.u32 s1, $0x2  }
0xc3: {  	s3 =	sand.u32 $0x4000, s31;
	s1 =	sadd.s32 s1, s30  }
0xc4: {  	s0 =	sor.u32 s3, s0;
	s1 =	sshll.u32 s1, $0x11  }
0xc5: {  	s0 =	sor.u32 s1, s0  }
0xc6: {  	s0 =	sadd.s32 $0x8F2B, s0  }
0xc7: {  	[sflag:s0] =	ssyncadd.remote.s32 $0x1  }
0xc8: {  	_ =	sfence.sel $0xFFFF  }
0xc9: {  	[dreg:$0x0] =	wrdreg $0xFFFFFFFF;
	(pc) =	sbr.abs _section_cstart, $3  }
0xca: {  	[dreg:$0x1] =	wrdreg $0xFFFFFFFF  }
0xcb: {  	_ =	task.clear_ibuf [dreg:s12], $0x2FFFF;
	_ =	strace $0x9FFFFFFF  }
0xcc: {  	(tm) =	ssettm $0x7FFFFFFF  }
0xcd: {  	_ =	shalt  }
tec
execute0_lowered:
.L_overlay_start_1:
0x0: {  	(tag) =	ssettag $0x1  }
0x1: {  	s0 =	rddreg [dreg:$0x0]  }
0x2: {  	s1 =	rddreg [dreg:$0x1]  }
0x3: {  	s2 =	rddreg [dreg:$0x2]  }
0x4: {  	s3 =	rddreg [dreg:$0x3]  }
0x5: {  	s5 =	rddreg [dreg:$0x6];
	s4 =	simm.s32 $0x0;
	s7 =	srdreg.scid  }
0x6: {  	s15 =	stileid.u32;
	s18 =	simm.s32 $0x2100;
	s19 =	simm.s32 $0x6100  }
0x7: {  	s20 =	simm.s32 $0x6;
	s21 =	simm.s32 $0x1;
	s22 =	simm.s32 $0x4100  }
0x8: {  	s28 =	simm.s32 $0x3;
	s29 =	simm.s32 $0x4;
	s30 =	simm.s32 $0x2  }
0x9: {  	[smem:$0x7FF] =	sst s4;
	s6 =	sadd.s32 $0x1800, s3;
	s9 =	sand.u32 $0x1, s7  }
0xa: {  	s7 =	sadd.s32 $0x1600, s3;
	s11 =	sshll.u32 s15, $0x5;
	s8 =	sadd.s32 $0x2A00, s3  }
0xb: {  	s23 =	sadd.s32 $0x1A00, s3;
	p0 =	seq.s32 s15, $0x0;
	_ =	strace $0x80000047  }
0xc: {  	s10 =	sshll.u32 s9, $0x9;
	s12 =	ssub.s32 $0x2, s9;
	[dreg:$0x8] =	wrdreg s23  }
0xd: {  	p1 =	seq.s32 s9, $0x1;
	s31 =	sor.u32 s15, s9;
	s23 =	simm.s32 $0x4900  }
0xe: {  	s13 =	sor.u32 s11, s10;
	s24 =	sshrl.u32 s12, $0x1;
	s10 =	sadd.s32 $0x2200, s3  }
0xf: {  	p0 =	por !p0, !p1;
	p1 =	sne.s32 s31, $0x0;
	s3 =	simm.s32 $0x0  }
.Ltmp0:
0x10: {  	s14 =	sshrl.u32 s13, $0x3;
	s25 =	ssub.s32 s12, s24;
	(pc) =	sbr.rel .LBB2_1-.Ltmp0, $4  }
0x11: {  	s26 =	sshll.u32 s13, $0x5;
	p0 =	por !p0, !p0;
	s24 =	simm.s32 $0x5100  }
0x12: {  	v2 =	vlaneseq.u32;
	vm0 =	vmmov $0xffff;
	s11 =	sadd.s32 s5, s14;
	s12 =	sadd.s32 s7, s14;
	s13 =	sadd.s32 s1, s26  }
0x13: {  	v3 =	vimm.f32 $0.0e+00;
	v4 =	vimm.f32 $1.000000000e+00;
	v1 =	vshrl.u32 v2, $0x3;
	s14 =	sadd.s32 s2, s26;
	s15 =	smax.u32 s25, $0x1;
	s25 =	simm.s32 $0x5900  }
0x14: {  	v0 =	vand.u32 $0x7, v2;
	v2 =	vor.u32 $0x8, v2;
	v1 =	vmul.u32 $0x8, v1;
	s26 =	simm.s32 $0x5;
	s1 =	simm.s32 $0xA200;
	s5 =	simm.s32 $0x6180  }
.LBB2_9:
0x15: {  	s3 =	sadd.s32 $0x1, s3  }
0x16: {  	p2 =	sne.s32 s3, s15  }
.Ltmp1:
0x17: {  	_ = 	snop;
	(pc) =	sbr.rel @!p2 .LBB2_10-.Ltmp1, $1  }
0x18: {  	_ =	sdelay $0x3  }
.LBB2_1:
0x19: {  	[tilespmem:s4], [sflag:$0x1] =	stream.linear.gather [hbm4b:s11+s4], $0x20, $0x38;
	[tilespmem:$0xEA80] =	vst v63  }
0x1a: {  	s2 =	simm.s32 $0x80  }
0x1b: {  	[tilespmem:s2], [sflag:$0x2] =	stream.linear.gather [hbm4b:s12+s4], $0x20, $0x38;
	[tilespmem:$0xEA80] =	vst v63  }
0x1c: {  	s16 =	simm.s32 $0x100  }
0x1d: {  	[tilespmem:s16], [sflag:$0x3] =	stream.linear.gather [hbm4b:s13+s4], $0x2000, $0x38;
	[tilespmem:$0xEA80] =	vst v63  }
0x1e: {  	_ = 	snop  }
0x1f: {  	[tilespmem:s18], [sflag:$0x4] =	stream.linear.gather [hbm4b:s14+s4], $0x2000, $0x38;
	[tilespmem:$0xEA80] =	vst v63  }
0x20: {  	_ = 	snop  }
0x21: {  	[tilespmem:s19], [sflag:$0x6] =	stream.linear.gather [hbm4b:s6+s4], $0x80, $0x38;
	[tilespmem:$0xEA80] =	vst v63  }
0x22: {  	_ =	swait.ge [sflag:s20], $0x80  }
0x23: {  	[sflag:s20] =	ssyncset.done $0x0  }
0x24: {  	[sflag:s20] =	ssyncadd.s32 $0xFFFFFF80  }
0x25: {  	_ =	swait.ge [sflag:s21], $0x20  }
0x26: {  	[sflag:s21] =	ssyncset.done $0x0  }
0x27: {  	[sflag:s21] =	ssyncadd.s32 $0xFFFFFFE0  }
0x28: {  	v5 =	vld [tilespmem:$0x0];
	_ =	sdelay $0x4  }
0x29: {  	v6 =	vshll.u32 v5, $0x1  }
0x2a: {  	v5 =	vand.u32 $0x7, v5;
	v6 =	vand.u32 $0xFFFFFFF0, v6  }
0x2b: {  	v5 =	vor.u32 v5, v6  }
0x2c: {  	v6 =	vperm.xlane v5, v0;
	_ =	sdelay $0x1  }
0x2d: {  	v5 =	vperm.xlane v5, v2;
	v6 =	vadd.s32 v1, v6;
	_ =	sdelay $0x1  }
0x2e: {  	v5 =	vadd.s32 v1, v5;
	_ =	sdelay $0x2  }
0x2f: {  	[tilespmem:s22], [sflag:$0x5] =	stream.indirect_vreg.gather [hbm4b:s0+s4], $0x80, v6, vm0, $0xb8;
	[tilespmem:$0xEA80] =	vst v63  }
0x30: {  	_ = 	snop  }
0x31: {  	[tilespmem:s23], [sflag:$0x5] =	stream.indirect_vreg.gather [hbm4b:s0+s4], $0x80, v5, vm0, $0xb8;
	[tilespmem:$0xEA80] =	vst v63  }
0x32: {  	v5 =	vld [tilespmem:$0x10];
	_ =	sdelay $0x4  }
0x33: {  	v6 =	vshll.u32 v5, $0x1  }
0x34: {  	v5 =	vand.u32 $0x7, v5;
	v6 =	vand.u32 $0xFFFFFFF0, v6  }
0x35: {  	v5 =	vor.u32 v5, v6  }
0x36: {  	v6 =	vperm.xlane v5, v0;
	_ =	sdelay $0x1  }
0x37: {  	v5 =	vperm.xlane v5, v2;
	v6 =	vadd.s32 v1, v6;
	_ =	sdelay $0x1  }
0x38: {  	v5 =	vadd.s32 v1, v5;
	_ =	sdelay $0x2  }
0x39: {  	[tilespmem:s24], [sflag:$0x5] =	stream.indirect_vreg.gather [hbm4b:s0+s4], $0x80, v6, vm0, $0xb8;
	[tilespmem:$0xEA80] =	vst v63  }
0x3a: {  	_ = 	snop  }
0x3b: {  	[tilespmem:s25], [sflag:$0x5] =	stream.indirect_vreg.gather [hbm4b:s0+s4], $0x80, v5, vm0, $0xb8;
	[tilespmem:$0xEA80] =	vst v63  }
0x3c: {  	_ =	swait.ge [sflag:s26], $0x2000  }
0x3d: {  	[sflag:s26] =	ssyncset.done $0x0  }
0x3e: {  	[sflag:s26] =	ssyncadd.s32 $0xFFFFE000  }
0x3f: {  	_ =	swait.ge [sflag:s28], $0x2000  }
0x40: {  	[sflag:s28] =	ssyncset.done $0x0  }
0x41: {  	[sflag:s28] =	ssyncadd.s32 $0xFFFFE000  }
0x42: {  	_ =	swait.ge [sflag:s29], $0x2000  }
0x43: {  	s17 =	sand.u32 $0x1800, s4;
	s9 =	sand.u32 $0x380, s4;
	[sflag:s29] =	ssyncset.done $0x0  }
0x44: {  	s2 =	sor.u32 s9, s17;
	[sflag:s29] =	ssyncadd.s32 $0xFFFFE000  }
0x45: {  	v5 =	vld [tilespmem:s2+$0x2100]  }
0x46: {  	v6 =	vld [tilespmem:s2+$0x4100]  }
0x47: {  	v7 =	vld [tilespmem:s2+$0x2110]  }
0x48: {  	v8 =	vld [tilespmem:s2+$0x4110]  }
0x49: {  	v9 =	vld [tilespmem:s2+$0x2120]  }
0x4a: {  	v10 =	vld [tilespmem:s2+$0x4120]  }
0x4b: {  	v11 =	vld [tilespmem:s2+$0x2130];
	v5 =	vmul.f32 v5, v6  }
0x4c: {  	v12 =	vld [tilespmem:s2+$0x4130]  }
0x4d: {  	v13 =	vld [tilespmem:s2+$0x2140];
	v7 =	vmul.f32 v7, v8;
	v5 =	vadd.f32 $0.0e+00, v5  }
0x4e: {  	v14 =	vld [tilespmem:s2+$0x4140]  }
0x4f: {  	v15 =	vld [tilespmem:s2+$0x4150];
	v5 =	vadd.f32 v7, v5;
	v7 =	vmul.f32 v9, v10  }
0x50: {  	v9 =	vld [tilespmem:s2+$0x2150]  }
0x51: {  	v16 =	vld [tilespmem:s2+$0x4160];
	v5 =	vadd.f32 v7, v5;
	v7 =	vmul.f32 v11, v12  }
0x52: {  	v11 =	vld [tilespmem:s2+$0x2160]  }
0x53: {  	v17 =	vld [tilespmem:s2+$0x4170];
	v5 =	vadd.f32 v7, v5;
	v7 =	vmul.f32 v13, v14  }
0x54: {  	v13 =	vld [tilespmem:s2+$0x2170]  }
0x55: {  	v18 =	vld [tilespmem:s2+$0x4500];
	v5 =	vadd.f32 v7, v5;
	v7 =	vmul.f32 v9, v15  }
0x56: {  	v9 =	vld [tilespmem:s2+$0x2500]  }
0x57: {  	v19 =	vld [tilespmem:s2+$0x4510];
	v5 =	vadd.f32 v7, v5;
	v7 =	vmul.f32 v11, v16  }
0x58: {  	v11 =	vld [tilespmem:s2+$0x2510]  }
0x59: {  	v20 =	vld [tilespmem:s2+$0x4520];
	v5 =	vadd.f32 v7, v5;
	v7 =	vmul.f32 v13, v17  }
0x5a: {  	v13 =	vld [tilespmem:s2+$0x2520]  }
0x5b: {  	v21 =	vld [tilespmem:s2+$0x4530];
	v5 =	vadd.f32 v7, v5;
	v7 =	vmul.f32 v9, v18  }
0x5c: {  	v9 =	vld [tilespmem:s2+$0x2530]  }
0x5d: {  	v22 =	vld [tilespmem:s2+$0x4540];
	v5 =	vadd.f32 v7, v5;
	v7 =	vmul.f32 v11, v19  }
0x5e: {  	v11 =	vld [tilespmem:s2+$0x2540]  }
0x5f: {  	v23 =	vld [tilespmem:s2+$0x4550];
	v5 =	vadd.f32 v7, v5;
	v7 =	vmul.f32 v13, v20  }
0x60: {  	v13 =	vld [tilespmem:s2+$0x2550]  }
0x61: {  	v24 =	vld [tilespmem:s2+$0x4560];
	v5 =	vadd.f32 v7, v5;
	v7 =	vmul.f32 v9, v21  }
0x62: {  	v9 =	vld [tilespmem:s2+$0x2560]  }
0x63: {  	v25 =	vld [tilespmem:s2+$0x4570];
	v5 =	vadd.f32 v7, v5;
	v7 =	vmul.f32 v11, v22  }
0x64: {  	v11 =	vld [tilespmem:s2+$0x2570]  }
0x65: {  	v5 =	vadd.f32 v7, v5;
	v7 =	vmul.f32 v13, v23;
	_ =	sdelay $0x1  }
0x66: {  	v5 =	vadd.f32 v7, v5;
	v7 =	vmul.f32 v9, v24;
	_ =	sdelay $0x1  }
0x67: {  	v5 =	vadd.f32 v7, v5;
	v7 =	vmul.f32 v11, v25;
	_ =	sdelay $0x1  }
0x68: {  	v5 =	vadd.f32 v7, v5;
	_ =	sdelay $0x1  }
0x69: {  	(xrf2) =	vadd.scan.msk.f32 $0xffff, v5;
	_ =	sdelay $0x7  }
0x6a: {  	v5 =	vld [tilespmem:$0x6100];
	_ =	sdelay $0x1  }
0x6b: {  	v7, _, _ =	vpop (xrf2)  }
0x6c: {  	v7 =	vbroadcast v7, $0xF;
	_ =	sdelay $0x1  }
0x6d: {  	v7 =	vadd.f32 v7, v5;
	_ =	sdelay $0x1  }
0x6e: {  	v7 =	vsub.f32 $0.0e+00, v7;
	_ =	sdelay $0x1  }
0x6f: {  	v7 =	vmul.f32 $1.442695020e+00, v7;
	_ =	sdelay $0x1  }
0x70: {  	(erf) = vpow2.f32 v7;
	_ =	sdelay $0x8  }
0x71: {  	v7 =	vpop (erf)  }
0x72: {  	v7 =	vadd.f32 $1.000000000e+00, v7;
	_ =	sdelay $0x1  }
0x73: {  	(erf) = vrcp.f32 v7;
	_ =	sdelay $0x6  }
0x74: {  	v7 =	vld [tilespmem:s2+$0x100]  }
0x75: {  	v9 =	vld [tilespmem:s2+$0x110]  }
0x76: {  	v26 =	vpop (erf)  }
0x77: {  	v11 =	vld [tilespmem:s2+$0x120];
	v27 =	vsub.f32 $1.000000000e+00, v26  }
0x78: {  	v13 =	vld [tilespmem:s2+$0x130]  }
0x79: {  	v6 =	vmul.f32 v26, v6;
	v7 =	vmul.f32 v27, v7  }
0x7a: {  	v28 =	vld [tilespmem:s2+$0x140];
	v8 =	vmul.f32 v26, v8;
	v9 =	vmul.f32 v27, v9  }
0x7b: {  	v29 =	vadd.f32 v7, v6  }
0x7c: {  	v6 =	vmul.f32 v26, v10;
	v7 =	vmul.f32 v27, v11;
	v30 =	vadd.f32 v9, v8  }
0x7d: {  	v10 =	vld [tilespmem:s2+$0x150];
	v8 =	vmul.f32 v26, v12;
	v9 =	vmul.f32 v27, v13  }
0x7e: {  	v31 =	vadd.f32 v7, v6;
	v7 =	vld [tilespmem:s2+$0x160];
	v6 =	vmul.f32 v29, v29;
	v11 =	vmul.f32 v30, v30  }
0x7f: {  	v12 =	vmul.f32 v26, v14;
	v13 =	vmul.f32 v27, v28  }
0x80: {  	v63 =	vadd.f32 v9, v8;
	v8 =	vadd.f32 v11, v6;
	v9 =	vmul.f32 v31, v31;
	v11 =	vld [tilespmem:s2+$0x170]  }
0x81: {  	v14 =	vmul.f32 v26, v15;
	v6 =	vadd.f32 v13, v12  }
0x82: {  	v12 =	vld [tilespmem:s2+$0x500];
	v10 =	vmul.f32 v27, v10;
	v8 =	vadd.f32 v8, v9;
	v9 =	vmul.f32 v63, v63  }
0x83: {  	v13 =	vmul.f32 v26, v16;
	v15 =	vmul.f32 v7, v27  }
0x84: {  	v7 =	vadd.f32 v10, v14;
	v10 =	vmul.f32 v6, v6;
	v14 =	vld [tilespmem:s2+$0x510];
	v9 =	vadd.f32 v8, v9  }
0x85: {  	v16 =	vmul.f32 v26, v17;
	v11 =	vmul.f32 v11, v27  }
0x86: {  	v8 =	vadd.f32 v15, v13;
	v13 =	vmul.f32 v7, v7;
	v15 =	vld [tilespmem:s2+$0x520];
	v10 =	vadd.f32 v9, v10  }
0x87: {  	v17 =	vmul.f32 v26, v18;
	v12 =	vmul.f32 v12, v27  }
0x88: {  	v9 =	vadd.f32 v11, v16;
	v11 =	vadd.f32 v10, v13;
	v13 =	vmul.f32 v8, v8  }
0x89: {  	v18 =	vmul.f32 v26, v19;
	v16 =	vld [tilespmem:s2+$0x530];
	v14 =	vmul.f32 v14, v27  }
0x8a: {  	v10 =	vadd.f32 v12, v17;
	v17 =	vld [tilespmem:s2+$0x540];
	v12 =	vadd.f32 v11, v13;
	v13 =	vmul.f32 v9, v9  }
0x8b: {  	v19 =	vmul.f32 v26, v20;
	v15 =	vmul.f32 v15, v27  }
0x8c: {  	v11 =	vadd.f32 v14, v18;
	v14 =	vmul.f32 v10, v10;
	v18 =	vld [tilespmem:s2+$0x550];
	v13 =	vadd.f32 v12, v13  }
0x8d: {  	v20 =	vmul.f32 v26, v21;
	v12 =	vadd.f32 v15, v19  }
0x8e: {  	v15 =	vmul.f32 v16, v27;
	v16 =	vld [tilespmem:s2+$0x560];
	v13 =	vadd.f32 v13, v14;
	v14 =	vmul.f32 v11, v11  }
0x8f: {  	v19 =	vmul.f32 v26, v22;
	v17 =	vmul.f32 v17, v27  }
0x90: {  	v21 =	vmul.f32 v12, v12;
	v14 =	vadd.f32 v13, v14;
	v13 =	vadd.f32 v15, v20  }
0x91: {  	v18 =	vmul.f32 v18, v27;
	v20 =	vld [tilespmem:s2+$0x570];
	v15 =	vmul.f32 v26, v23  }
0x92: {  	v21 =	vadd.f32 v21, v14;
	v22 =	vmul.f32 v13, v13;
	v14 =	vadd.f32 v17, v19  }
0x93: {  	v16 =	vmul.f32 v16, v27;
	v17 =	vmul.f32 v26, v24  }
0x94: {  	v15 =	vadd.f32 v18, v15;
	v19 =	vadd.f32 v22, v21;
	v21 =	vmul.f32 v14, v14  }
0x95: {  	v18 =	vmul.f32 v26, v25;
	v16 =	vadd.f32 v16, v17  }
0x96: {  	v20 =	vmul.f32 v20, v27;
	v19 =	vadd.f32 v21, v19;
	v21 =	vmul.f32 v15, v15;
	_ =	sdelay $0x1  }
0x97: {  	v17 =	vadd.f32 v20, v18;
	v19 =	vadd.f32 v21, v19;
	v21 =	vmul.f32 v16, v16;
	_ =	sdelay $0x1  }
0x98: {  	v18 =	vadd.f32 v21, v19;
	v19 =	vmul.f32 v17, v17;
	_ =	sdelay $0x1  }
0x99: {  	v18 =	vadd.f32 v19, v18;
	_ =	sdelay $0x1  }
0x9a: {  	(xrf2) =	vadd.scan.msk.f32 $0xffff, v18;
	_ =	sdelay $0x9  }
0x9b: {  	v18, _, _ =	vpop (xrf2)  }
0x9c: {  	v18 =	vbroadcast v18, $0xF;
	_ =	sdelay $0x1  }
0x9d: {  	v19 =	vshrl.u32 v18, $0x1;
	v18 =	vmul.f32 $5.000000000e-01, v18  }
0x9e: {  	v19 =	vsub.s32 $0x5F3759DF, v19  }
0x9f: {  	v20 =	vmul.f32 v19, v18;
	_ =	sdelay $0x1  }
0xa0: {  	v20 =	vmul.f32 v19, v20;
	_ =	sdelay $0x1  }
0xa1: {  	v20 =	vsub.f32 $1.500000000e+00, v20;
	_ =	sdelay $0x1  }
0xa2: {  	v19 =	vmul.f32 v19, v20;
	_ =	sdelay $0x1  }
0xa3: {  	v20 =	vmul.f32 v19, v18;
	_ =	sdelay $0x1  }
0xa4: {  	v20 =	vmul.f32 v20, v19;
	_ =	sdelay $0x1  }
0xa5: {  	v20 =	vsub.f32 $1.500000000e+00, v20;
	_ =	sdelay $0x1  }
0xa6: {  	v19 =	vmul.f32 v20, v19;
	_ =	sdelay $0x1  }
0xa7: {  	v20 =	vmul.f32 v19, v18;
	_ =	sdelay $0x1  }
0xa8: {  	v20 =	vmul.f32 v20, v19  }
0xa9: {  	[tilespmem:s2+$0x4100] =	vst v29  }
0xaa: {  	[tilespmem:s2+$0x4110] =	vst v30;
	v20 =	vsub.f32 $1.500000000e+00, v20  }
0xab: {  	[tilespmem:s2+$0x4120] =	vst v31  }
0xac: {  	[tilespmem:s2+$0x4130] =	vst v63;
	v19 =	vmul.f32 v20, v19  }
0xad: {  	[tilespmem:s2+$0x4140] =	vst v6  }
0xae: {  	[tilespmem:s2+$0x4150] =	vst v7;
	v18 =	vmul.f32 v19, v18  }
0xaf: {  	[tilespmem:s2+$0x4160] =	vst v8  }
0xb0: {  	[tilespmem:s2+$0x4170] =	vst v9;
	v18 =	vmul.f32 v18, v19  }
0xb1: {  	[tilespmem:s2+$0x4500] =	vst v10  }
0xb2: {  	[tilespmem:s2+$0x4510] =	vst v11;
	v18 =	vsub.f32 $1.500000000e+00, v18  }
0xb3: {  	[tilespmem:s2+$0x4520] =	vst v12  }
0xb4: {  	[tilespmem:s2+$0x4530] =	vst v13;
	v22 =	vmul.f32 v18, v19  }
0xb5: {  	s9 =	simm.s32 $0x80;
	s16 =	simm.s32 $0x100;
	[tilespmem:s2+$0x4540] =	vst v14  }
0xb6: {  	s31 =	sand.u32 $0x380, s9;
	s16 =	sand.u32 $0x1800, s16;
	[tilespmem:s2+$0x4550] =	vst v15;
	v23 =	vmul.f32 v22, v29;
	v19 =	vmul.f32 v22, v30  }
0xb7: {  	s16 =	sor.u32 s31, s16;
	s31 =	simm.s32 $0x200;
	[tilespmem:s2+$0x4560] =	vst v16;
	v20 =	vmul.f32 v22, v31;
	v18 =	vmul.f32 v22, v63  }
.LBB2_2:
0xb8: {  	p2 =	sne.s32 s31, $0x1F00;
	v21 =	vld [tilespmem:s16+$0x2100];
	[tilespmem:s2+$0x4100] =	vst v23;
	v23 =	vmul.f32 v22, v6;
	v24 =	vmul.f32 v22, v7  }
0xb9: {  	v8 =	vmul.f32 v22, v8;
	v9 =	vmul.f32 v22, v9;
	v6 =	vld [tilespmem:s16+$0x4100];
	[tilespmem:s2+$0x4110] =	vst v19  }
0xba: {  	v10 =	vmul.f32 v22, v10;
	v11 =	vmul.f32 v22, v11;
	v19 =	vld [tilespmem:s16+$0x2110];
	[tilespmem:s2+$0x4120] =	vst v20  }
0xbb: {  	v12 =	vmul.f32 v22, v12;
	v13 =	vmul.f32 v22, v13;
	v7 =	vld [tilespmem:s16+$0x4110];
	[tilespmem:s2+$0x4130] =	vst v18  }
0xbc: {  	v14 =	vmul.f32 v22, v14;
	v15 =	vmul.f32 v22, v15;
	v25 =	vld [tilespmem:s16+$0x2120];
	[tilespmem:s2+$0x4140] =	vst v23  }
0xbd: {  	v16 =	vmul.f32 v22, v16;
	v23 =	vmul.f32 v22, v17;
	v18 =	vld [tilespmem:s16+$0x4120];
	[tilespmem:s2+$0x4150] =	vst v24  }
0xbe: {  	v17 =	vmul.f32 v21, v6;
	v24 =	vld [tilespmem:s16+$0x2130];
	[tilespmem:s2+$0x4160] =	vst v8  }
0xbf: {  	v20 =	vld [tilespmem:s16+$0x4130];
	[tilespmem:s2+$0x4170] =	vst v9  }
0xc0: {  	v8 =	vadd.f32 $0.0e+00, v17;
	v9 =	vmul.f32 v19, v7;
	v19 =	vld [tilespmem:s16+$0x2140];
	[tilespmem:s2+$0x4500] =	vst v10  }
0xc1: {  	v21 =	vld [tilespmem:s16+$0x4140];
	[tilespmem:s2+$0x4510] =	vst v11  }
0xc2: {  	v8 =	vadd.f32 v9, v8;
	v9 =	vmul.f32 v25, v18;
	v10 =	vld [tilespmem:s16+$0x2150];
	[tilespmem:s2+$0x4520] =	vst v12  }
0xc3: {  	v22 =	vld [tilespmem:s16+$0x4150];
	[tilespmem:s2+$0x4530] =	vst v13  }
0xc4: {  	v8 =	vadd.f32 v9, v8;
	v9 =	vmul.f32 v24, v20;
	v11 =	vld [tilespmem:s16+$0x2160];
	[tilespmem:s2+$0x4540] =	vst v14  }
0xc5: {  	v17 =	vld [tilespmem:s16+$0x4160];
	[tilespmem:s2+$0x4550] =	vst v15  }
0xc6: {  	v9 =	vadd.f32 v9, v8;
	v12 =	vmul.f32 v19, v21;
	v13 =	vld [tilespmem:s16+$0x2170];
	[tilespmem:s2+$0x4560] =	vst v16  }
0xc7: {  	v8 =	vld [tilespmem:s16+$0x4170];
	[tilespmem:s2+$0x4570] =	vst v23;
	s2 =	smov.u32 s16  }
0xc8: {  	v12 =	vadd.f32 v12, v9;
	v10 =	vmul.f32 v10, v22;
	v14 =	vld [tilespmem:s2+$0x2500]  }
0xc9: {  	v9 =	vld [tilespmem:s2+$0x4500]  }
0xca: {  	v12 =	vadd.f32 v10, v12;
	v11 =	vmul.f32 v11, v17;
	v15 =	vld [tilespmem:s2+$0x2510]  }
0xcb: {  	v10 =	vld [tilespmem:s2+$0x4510]  }
0xcc: {  	v12 =	vadd.f32 v11, v12;
	v13 =	vmul.f32 v13, v8;
	v16 =	vld [tilespmem:s2+$0x2520]  }
0xcd: {  	v11 =	vld [tilespmem:s2+$0x4520]  }
0xce: {  	v13 =	vadd.f32 v13, v12;
	v14 =	vmul.f32 v14, v9;
	v19 =	vld [tilespmem:s2+$0x2530]  }
0xcf: {  	v12 =	vld [tilespmem:s2+$0x4530]  }
0xd0: {  	v14 =	vadd.f32 v14, v13;
	v15 =	vmul.f32 v15, v10;
	v23 =	vld [tilespmem:s2+$0x2540]  }
0xd1: {  	v13 =	vld [tilespmem:s2+$0x4540]  }
0xd2: {  	v15 =	vadd.f32 v15, v14;
	v16 =	vmul.f32 v16, v11;
	v24 =	vld [tilespmem:s2+$0x2550]  }
0xd3: {  	v14 =	vld [tilespmem:s2+$0x4550]  }
0xd4: {  	v16 =	vadd.f32 v16, v15;
	v19 =	vmul.f32 v19, v12;
	v25 =	vld [tilespmem:s2+$0x2560]  }
0xd5: {  	v15 =	vld [tilespmem:s2+$0x4560]  }
0xd6: {  	v19 =	vadd.f32 v19, v16;
	v23 =	vmul.f32 v23, v13;
	v26 =	vld [tilespmem:s2+$0x2570]  }
0xd7: {  	v16 =	vld [tilespmem:s2+$0x4570]  }
0xd8: {  	v19 =	vadd.f32 v23, v19;
	v23 =	vmul.f32 v24, v14;
	_ =	sdelay $0x1  }
0xd9: {  	v19 =	vadd.f32 v23, v19;
	v23 =	vmul.f32 v25, v15;
	_ =	sdelay $0x1  }
0xda: {  	v19 =	vadd.f32 v23, v19;
	v23 =	vmul.f32 v26, v16;
	_ =	sdelay $0x1  }
0xdb: {  	v19 =	vadd.f32 v23, v19;
	_ =	sdelay $0x1  }
0xdc: {  	(xrf2) =	vadd.scan.msk.f32 $0xffff, v19;
	_ =	sdelay $0x9  }
0xdd: {  	v19, _, _ =	vpop (xrf2)  }
0xde: {  	v19 =	vbroadcast v19, $0xF;
	_ =	sdelay $0x1  }
0xdf: {  	v19 =	vadd.f32 v19, v5;
	_ =	sdelay $0x1  }
0xe0: {  	v19 =	vsub.f32 $0.0e+00, v19;
	_ =	sdelay $0x1  }
0xe1: {  	v19 =	vmul.f32 $1.442695020e+00, v19;
	_ =	sdelay $0x1  }
0xe2: {  	(erf) = vpow2.f32 v19;
	_ =	sdelay $0x8  }
0xe3: {  	v19 =	vpop (erf)  }
0xe4: {  	v19 =	vadd.f32 $1.000000000e+00, v19;
	_ =	sdelay $0x1  }
0xe5: {  	(erf) = vrcp.f32 v19;
	_ =	sdelay $0x5  }
0xe6: {  	v19 =	vld [tilespmem:s2+$0x100]  }
0xe7: {  	v23 =	vld [tilespmem:s2+$0x110];
	_ =	sdelay $0x1  }
0xe8: {  	v24 =	vld [tilespmem:s2+$0x120];
	v25 =	vpop (erf)  }
0xe9: {  	v6 =	vmul.f32 v25, v6;
	v26 =	vsub.f32 $1.000000000e+00, v25;
	v27 =	vld [tilespmem:s2+$0x130]  }
0xea: {  	v7 =	vmul.f32 v25, v7  }
0xeb: {  	v19 =	vmul.f32 v26, v19;
	v23 =	vmul.f32 v26, v23;
	v28 =	vld [tilespmem:s2+$0x140]  }
0xec: {  	v29 =	vmul.f32 v25, v18  }
0xed: {  	v18 =	vadd.f32 v19, v6;
	v19 =	vadd.f32 v23, v7;
	v6 =	vmul.f32 v26, v24;
	v7 =	vld [tilespmem:s2+$0x150]  }
0xee: {  	v23 =	vmul.f32 v25, v20;
	v24 =	vmul.f32 v26, v27  }
0xef: {  	[tilespmem:s2+$0x4100] =	vst v18;
	v27 =	vmul.f32 v18, v18;
	v30 =	vmul.f32 v19, v19;
	v20 =	vadd.f32 v6, v29;
	v29 =	vld [tilespmem:s2+$0x160]  }
0xf0: {  	v6 =	vmul.f32 v25, v21;
	[tilespmem:s2+$0x4110] =	vst v19;
	v28 =	vmul.f32 v26, v28  }
0xf1: {  	v21 =	vadd.f32 v24, v23;
	v27 =	vadd.f32 v30, v27;
	[tilespmem:s2+$0x4120] =	vst v20;
	v30 =	vmul.f32 v20, v20;
	v23 =	vld [tilespmem:s2+$0x170]  }
0xf2: {  	v22 =	vmul.f32 v25, v22;
	v7 =	vmul.f32 v26, v7  }
0xf3: {  	v6 =	vadd.f32 v28, v6;
	v24 =	vadd.f32 v27, v30;
	[tilespmem:s2+$0x4130] =	vst v21;
	v27 =	vmul.f32 v21, v21;
	v28 =	vld [tilespmem:s2+$0x500]  }
0xf4: {  	v17 =	vmul.f32 v25, v17;
	v29 =	vmul.f32 v29, v26  }
0xf5: {  	v7 =	vadd.f32 v7, v22;
	v24 =	vadd.f32 v24, v27;
	[tilespmem:s2+$0x4140] =	vst v6;
	v27 =	vmul.f32 v6, v6;
	v22 =	vld [tilespmem:s2+$0x510]  }
0xf6: {  	v30 =	vmul.f32 v25, v8;
	v23 =	vmul.f32 v23, v26  }
0xf7: {  	v8 =	vadd.f32 v29, v17;
	v24 =	vadd.f32 v24, v27;
	[tilespmem:s2+$0x4150] =	vst v7;
	v27 =	vmul.f32 v7, v7;
	v17 =	vld [tilespmem:s2+$0x520]  }
0xf8: {  	v29 =	vmul.f32 v25, v9;
	v28 =	vmul.f32 v28, v26  }
0xf9: {  	v9 =	vadd.f32 v23, v30;
	v24 =	vadd.f32 v24, v27;
	[tilespmem:s2+$0x4160] =	vst v8;
	v27 =	vmul.f32 v8, v8;
	v23 =	vld [tilespmem:s2+$0x530]  }
0xfa: {  	v30 =	vmul.f32 v25, v10;
	v22 =	vmul.f32 v22, v26  }
0xfb: {  	v10 =	vadd.f32 v28, v29;
	v24 =	vadd.f32 v24, v27;
	[tilespmem:s2+$0x4170] =	vst v9;
	v27 =	vmul.f32 v9, v9;
	v28 =	vld [tilespmem:s2+$0x540]  }
0xfc: {  	v29 =	vmul.f32 v25, v11;
	v17 =	vmul.f32 v17, v26  }
0xfd: {  	v11 =	vadd.f32 v22, v30;
	v24 =	vadd.f32 v24, v27;
	[tilespmem:s2+$0x4500] =	vst v10;
	v27 =	vmul.f32 v10, v10;
	v22 =	vld [tilespmem:s2+$0x550]  }
0xfe: {  	v30 =	vmul.f32 v25, v12;
	v23 =	vmul.f32 v23, v26  }
0xff: {  	v12 =	vadd.f32 v17, v29;
	v24 =	vadd.f32 v24, v27;
	[tilespmem:s2+$0x4510] =	vst v11;
	v27 =	vmul.f32 v11, v11;
	v17 =	vld [tilespmem:s2+$0x560]  }
0x100: {  	v29 =	vmul.f32 v25, v13;
	v28 =	vmul.f32 v28, v26  }
0x101: {  	v13 =	vadd.f32 v23, v30;
	v24 =	vadd.f32 v24, v27;
	[tilespmem:s2+$0x4520] =	vst v12;
	v27 =	vmul.f32 v12, v12;
	v23 =	vld [tilespmem:s2+$0x570]  }
0x102: {  	v30 =	vmul.f32 v25, v14;
	v22 =	vmul.f32 v22, v26  }
0x103: {  	v14 =	vadd.f32 v28, v29;
	v24 =	vadd.f32 v27, v24;
	[tilespmem:s2+$0x4530] =	vst v13;
	v27 =	vmul.f32 v13, v13  }
0x104: {  	v28 =	vmul.f32 v25, v15;
	v17 =	vmul.f32 v17, v26  }
0x105: {  	v15 =	vadd.f32 v22, v30;
	v24 =	vadd.f32 v27, v24;
	[tilespmem:s2+$0x4540] =	vst v14;
	v27 =	vmul.f32 v14, v14  }
0x106: {  	v22 =	vmul.f32 v25, v16;
	v23 =	vmul.f32 v23, v26  }
0x107: {  	v25 =	vmul.f32 v15, v15;
	v16 =	vadd.f32 v17, v28;
	v24 =	vadd.f32 v27, v24;
	[tilespmem:s2+$0x4550] =	vst v15;
	_ =	sdelay $0x1  }
0x108: {  	v17 =	vadd.f32 v23, v22;
	v24 =	vadd.f32 v25, v24;
	[tilespmem:s2+$0x4560] =	vst v16;
	v25 =	vmul.f32 v16, v16;
	_ =	sdelay $0x1  }
0x109: {  	v23 =	vmul.f32 v17, v17;
	v22 =	vadd.f32 v25, v24;
	_ =	sdelay $0x1  }
0x10a: {  	v22 =	vadd.f32 v23, v22;
	_ =	sdelay $0x1  }
0x10b: {  	(xrf2) =	vadd.scan.msk.f32 $0xffff, v22;
	_ =	sdelay $0x9  }
0x10c: {  	v22, _, _ =	vpop (xrf2)  }
0x10d: {  	v22 =	vbroadcast v22, $0xF;
	_ =	sdelay $0x1  }
0x10e: {  	v23 =	vshrl.u32 v22, $0x1;
	v22 =	vmul.f32 $5.000000000e-01, v22  }
0x10f: {  	v23 =	vsub.s32 $0x5F3759DF, v23  }
0x110: {  	v24 =	vmul.f32 v23, v22;
	_ =	sdelay $0x1  }
0x111: {  	v24 =	vmul.f32 v23, v24;
	_ =	sdelay $0x1  }
0x112: {  	v24 =	vsub.f32 $1.500000000e+00, v24;
	_ =	sdelay $0x1  }
0x113: {  	v23 =	vmul.f32 v23, v24;
	_ =	sdelay $0x1  }
0x114: {  	v24 =	vmul.f32 v23, v22;
	_ =	sdelay $0x1  }
0x115: {  	v24 =	vmul.f32 v24, v23;
	_ =	sdelay $0x1  }
0x116: {  	v24 =	vsub.f32 $1.500000000e+00, v24;
	_ =	sdelay $0x1  }
0x117: {  	v23 =	vmul.f32 v24, v23;
	_ =	sdelay $0x1  }
0x118: {  	v24 =	vmul.f32 v23, v22;
	_ =	sdelay $0x1  }
0x119: {  	v24 =	vmul.f32 v24, v23;
	_ =	sdelay $0x1  }
0x11a: {  	v24 =	vsub.f32 $1.500000000e+00, v24;
	_ =	sdelay $0x1  }
0x11b: {  	v23 =	vmul.f32 v24, v23;
	_ =	sdelay $0x1  }
0x11c: {  	v22 =	vmul.f32 v23, v22;
	_ =	sdelay $0x1  }
0x11d: {  	v22 =	vmul.f32 v22, v23;
	_ =	sdelay $0x1  }
0x11e: {  	v22 =	vsub.f32 $1.500000000e+00, v22  }
.Ltmp2:
0x11f: {  	(pc) =	sbr.rel @p2 .LBB2_2-.Ltmp2, $4  }
0x120: {  	v22 =	vmul.f32 v22, v23  }
0x121: {  	s9 =	sadd.s32 $0x80, s9  }
0x122: {  	s17 =	sand.u32 $0x380, s9;
	s16 =	sand.u32 $0x1800, s31;
	v23 =	vmul.f32 v22, v18;
	v19 =	vmul.f32 v22, v19  }
0x123: {  	s31 =	sadd.s32 $0x100, s31;
	s16 =	sor.u32 s17, s16;
	v20 =	vmul.f32 v22, v20;
	v18 =	vmul.f32 v22, v21  }
0x124: {  	v21 =	vld [tilespmem:s16+$0x2100];
	[tilespmem:s2+$0x4100] =	vst v23  }
0x125: {  	v23 =	vld [tilespmem:s16+$0x4100];
	[tilespmem:s2+$0x4110] =	vst v19  }
0x126: {  	v6 =	vmul.f32 v22, v6;
	v19 =	vld [tilespmem:s16+$0x2110];
	[tilespmem:s2+$0x4120] =	vst v20  }
0x127: {  	v7 =	vmul.f32 v22, v7;
	v20 =	vld [tilespmem:s16+$0x4110];
	[tilespmem:s2+$0x4130] =	vst v18  }
0x128: {  	v8 =	vmul.f32 v22, v8;
	v18 =	vld [tilespmem:s16+$0x2120];
	[tilespmem:s2+$0x4140] =	vst v6  }
0x129: {  	v6 =	vld [tilespmem:s16+$0x4120];
	[tilespmem:s2+$0x4150] =	vst v7;
	v7 =	vmul.f32 v22, v9  }
0x12a: {  	v59 =	vmul.f32 v22, v10;
	v58 =	vld [tilespmem:s16+$0x2130];
	[tilespmem:s2+$0x4160] =	vst v8;
	v62 =	vmul.f32 v21, v23  }
0x12b: {  	[tilespmem:s2+$0x4170] =	vst v7;
	v7 =	vmul.f32 v22, v11;
	v63 =	vld [tilespmem:s16+$0x4130]  }
0x12c: {  	v60 =	vld [tilespmem:s16+$0x2140];
	[tilespmem:s2+$0x4500] =	vst v59;
	v11 =	vadd.f32 $0.0e+00, v62;
	v19 =	vmul.f32 v19, v20  }
0x12d: {  	v61 =	vmul.f32 v22, v12;
	v32 =	vld [tilespmem:s16+$0x4140];
	[tilespmem:s2+$0x4510] =	vst v7  }
0x12e: {  	v7 =	vmul.f32 v22, v13;
	v30 =	vld [tilespmem:s16+$0x2150];
	v11 =	vadd.f32 v19, v11;
	v33 =	vmul.f32 v18, v6  }
0x12f: {  	v31 =	vmul.f32 v22, v14;
	[tilespmem:s2+$0x4520] =	vst v61;
	v19 =	vld [tilespmem:s16+$0x4150]  }
0x130: {  	[tilespmem:s2+$0x4530] =	vst v7;
	v7 =	vmul.f32 v22, v15;
	v15 =	vld [tilespmem:s16+$0x4160];
	v11 =	vadd.f32 v33, v11;
	v9 =	vmul.f32 v58, v63  }
0x131: {  	v35 =	vmul.f32 v22, v16;
	v34 =	vld [tilespmem:s16+$0x2160];
	[tilespmem:s2+$0x4540] =	vst v31  }
0x132: {  	v8 =	vld [tilespmem:s16+$0x4170];
	[tilespmem:s2+$0x4550] =	vst v7;
	v7 =	vmul.f32 v22, v17;
	v10 =	vmul.f32 v60, v32;
	v9 =	vadd.f32 v9, v11  }
0x133: {  	v36 =	vld [tilespmem:s16+$0x2170];
	[tilespmem:s2+$0x4560] =	vst v35  }
0x134: {  	v11 =	vld [tilespmem:s16+$0x4500];
	[tilespmem:s2+$0x4570] =	vst v7;
	v37 =	vmul.f32 v30, v19;
	v7 =	vadd.f32 v10, v9  }
0x135: {  	v38 =	vld [tilespmem:s16+$0x2500]  }
0x136: {  	v17 =	vld [tilespmem:s16+$0x4510];
	v39 =	vmul.f32 v34, v15;
	v7 =	vadd.f32 v37, v7  }
0x137: {  	v40 =	vld [tilespmem:s16+$0x2510]  }
0x138: {  	v18 =	vld [tilespmem:s16+$0x4520];
	v41 =	vmul.f32 v36, v8;
	v7 =	vadd.f32 v39, v7  }
0x139: {  	v42 =	vld [tilespmem:s16+$0x2520]  }
0x13a: {  	v21 =	vld [tilespmem:s16+$0x4530];
	v43 =	vmul.f32 v38, v11;
	v7 =	vadd.f32 v41, v7  }
0x13b: {  	v44 =	vld [tilespmem:s16+$0x2530]  }
0x13c: {  	v46 =	vld [tilespmem:s16+$0x2540];
	v45 =	vmul.f32 v40, v17;
	v7 =	vadd.f32 v43, v7  }
0x13d: {  	v22 =	vld [tilespmem:s16+$0x4540]  }
0x13e: {  	v48 =	vld [tilespmem:s16+$0x2550];
	v47 =	vmul.f32 v42, v18;
	v7 =	vadd.f32 v45, v7  }
0x13f: {  	v24 =	vld [tilespmem:s16+$0x4550]  }
0x140: {  	v50 =	vld [tilespmem:s16+$0x2560];
	v49 =	vmul.f32 v44, v21;
	v7 =	vadd.f32 v47, v7  }
0x141: {  	v25 =	vld [tilespmem:s16+$0x4560]  }
0x142: {  	v52 =	vld [tilespmem:s16+$0x2570];
	v51 =	vmul.f32 v46, v22;
	v7 =	vadd.f32 v49, v7  }
0x143: {  	v26 =	vld [tilespmem:s16+$0x4570]  }
0x144: {  	v53 =	vmul.f32 v48, v24;
	v7 =	vadd.f32 v51, v7;
	_ =	sdelay $0x1  }
0x145: {  	v54 =	vmul.f32 v50, v25;
	v7 =	vadd.f32 v53, v7;
	_ =	sdelay $0x1  }
0x146: {  	v55 =	vmul.f32 v52, v26;
	v7 =	vadd.f32 v54, v7;
	_ =	sdelay $0x1  }
0x147: {  	v7 =	vadd.f32 v55, v7;
	_ =	sdelay $0x1  }
0x148: {  	(xrf2) =	vadd.scan.msk.f32 $0xffff, v7;
	_ =	sdelay $0x9  }
0x149: {  	v7, _, _ =	vpop (xrf2)  }
0x14a: {  	v7 =	vbroadcast v7, $0xF;
	_ =	sdelay $0x1  }
0x14b: {  	v5 =	vadd.f32 v7, v5;
	_ =	sdelay $0x1  }
0x14c: {  	v5 =	vsub.f32 $0.0e+00, v5;
	_ =	sdelay $0x1  }
0x14d: {  	v5 =	vmul.f32 $1.442695020e+00, v5;
	_ =	sdelay $0x1  }
0x14e: {  	(erf) = vpow2.f32 v5;
	_ =	sdelay $0x8  }
0x14f: {  	v5 =	vpop (erf)  }
0x150: {  	v5 =	vadd.f32 $1.000000000e+00, v5;
	_ =	sdelay $0x1  }
0x151: {  	(erf) = vrcp.f32 v5;
	_ =	sdelay $0x5  }
0x152: {  	v7 =	vld [tilespmem:s16+$0x110]  }
0x153: {  	v5 =	vld [tilespmem:s16+$0x100];
	_ =	sdelay $0x1  }
0x154: {  	v56 =	vld [tilespmem:s16+$0x120];
	v9 =	vpop (erf)  }
0x155: {  	v59 =	vld [tilespmem:s16+$0x130];
	v57 =	vsub.f32 $1.000000000e+00, v9  }
0x156: {  	v58 =	vmul.f32 v9, v23;
	v20 =	vmul.f32 v9, v20  }
0x157: {  	v27 =	vld [tilespmem:s16+$0x140];
	v5 =	vmul.f32 v57, v5;
	v7 =	vmul.f32 v57, v7  }
0x158: {  	v6 =	vmul.f32 v9, v6  }
0x159: {  	v60 =	vld [tilespmem:s16+$0x150];
	v10 =	vmul.f32 v57, v56;
	v5 =	vadd.f32 v5, v58;
	v7 =	vadd.f32 v7, v20  }
0x15a: {  	v12 =	vmul.f32 v9, v63;
	v61 =	vmul.f32 v57, v59  }
0x15b: {  	v62 =	vld [tilespmem:s16+$0x160];
	v6 =	vadd.f32 v10, v6;
	v63 =	vmul.f32 v5, v5;
	v28 =	vmul.f32 v7, v7  }
0x15c: {  	v14 =	vmul.f32 v9, v32;
	v27 =	vmul.f32 v57, v27  }
0x15d: {  	v12 =	vadd.f32 v61, v12;
	v33 =	vmul.f32 v6, v6;
	v32 =	vadd.f32 v28, v63  }
0x15e: {  	v34 =	vld [tilespmem:s16+$0x170];
	v19 =	vmul.f32 v9, v19;
	v16 =	vmul.f32 v57, v60  }
0x15f: {  	v36 =	vld [tilespmem:s16+$0x500];
	v14 =	vadd.f32 v27, v14;
	v35 =	vmul.f32 v12, v12;
	v20 =	vadd.f32 v32, v33  }
0x160: {  	v15 =	vmul.f32 v9, v15;
	v10 =	vmul.f32 v62, v57  }
0x161: {  	v39 =	vld [tilespmem:s16+$0x510];
	v16 =	vadd.f32 v16, v19;
	v38 =	vmul.f32 v14, v14;
	v37 =	vadd.f32 v20, v35  }
0x162: {  	v8 =	vmul.f32 v9, v8;
	v10 =	vadd.f32 v10, v15  }
0x163: {  	v41 =	vmul.f32 v16, v16;
	v28 =	vmul.f32 v34, v57;
	v40 =	vadd.f32 v37, v38  }
0x164: {  	v42 =	vld [tilespmem:s16+$0x520];
	v11 =	vmul.f32 v9, v11;
	v27 =	vmul.f32 v36, v57  }
0x165: {  	v44 =	vld [tilespmem:s16+$0x530];
	v43 =	vmul.f32 v10, v10;
	v8 =	vadd.f32 v28, v8;
	v15 =	vadd.f32 v40, v41  }
0x166: {  	v17 =	vmul.f32 v9, v17;
	v23 =	vmul.f32 v39, v57  }
0x167: {  	v46 =	vld [tilespmem:s16+$0x540];
	v11 =	vadd.f32 v27, v11;
	v45 =	vmul.f32 v8, v8;
	v15 =	vadd.f32 v15, v43  }
0x168: {  	v18 =	vmul.f32 v9, v18;
	v17 =	vadd.f32 v23, v17  }
0x169: {  	v48 =	vld [tilespmem:s16+$0x550];
	v47 =	vmul.f32 v11, v11;
	v20 =	vmul.f32 v42, v57;
	v15 =	vadd.f32 v15, v45  }
0x16a: {  	v21 =	vmul.f32 v9, v21;
	v49 =	vmul.f32 v44, v57  }
0x16b: {  	v51 =	vld [tilespmem:s16+$0x560];
	v50 =	vmul.f32 v17, v17;
	v18 =	vadd.f32 v20, v18;
	v15 =	vadd.f32 v15, v47  }
0x16c: {  	v22 =	vmul.f32 v9, v22;
	v27 =	vmul.f32 v46, v57  }
0x16d: {  	v53 =	vld [tilespmem:s16+$0x570];
	v20 =	vadd.f32 v49, v21;
	v52 =	vmul.f32 v18, v18;
	v15 =	vadd.f32 v15, v50  }
0x16e: {  	v24 =	vmul.f32 v9, v24;
	v23 =	vmul.f32 v48, v57  }
0x16f: {  	v22 =	vadd.f32 v27, v22;
	v54 =	vmul.f32 v20, v20;
	v15 =	vadd.f32 v52, v15  }
0x170: {  	v25 =	vmul.f32 v9, v25;
	v55 =	vmul.f32 v51, v57  }
0x171: {  	v23 =	vadd.f32 v23, v24;
	v56 =	vmul.f32 v22, v22;
	v15 =	vadd.f32 v54, v15  }
0x172: {  	v9 =	vmul.f32 v9, v26;
	v13 =	vmul.f32 v53, v57  }
0x173: {  	v58 =	vadd.f32 v55, v25;
	v57 =	vmul.f32 v23, v23;
	v15 =	vadd.f32 v56, v15;
	_ =	sdelay $0x1  }
0x174: {  	v9 =	vadd.f32 v13, v9;
	v59 =	vmul.f32 v58, v58;
	v15 =	vadd.f32 v57, v15;
	_ =	sdelay $0x1  }
0x175: {  	v61 =	vmul.f32 v9, v9;
	v60 =	vadd.f32 v59, v15;
	_ =	sdelay $0x1  }
0x176: {  	v13 =	vadd.f32 v61, v60;
	_ =	sdelay $0x1  }
0x177: {  	(xrf2) =	vadd.scan.msk.f32 $0xffff, v13;
	_ =	sdelay $0x9  }
0x178: {  	v13, _, _ =	vpop (xrf2)  }
0x179: {  	v13 =	vbroadcast v13, $0xF;
	_ =	sdelay $0x1  }
0x17a: {  	v62 =	vshrl.u32 v13, $0x1;
	v13 =	vmul.f32 $5.000000000e-01, v13  }
0x17b: {  	v15 =	vsub.s32 $0x5F3759DF, v62  }
0x17c: {  	v63 =	vmul.f32 v15, v13;
	_ =	sdelay $0x1  }
0x17d: {  	v19 =	vmul.f32 v15, v63;
	_ =	sdelay $0x1  }
0x17e: {  	v19 =	vsub.f32 $1.500000000e+00, v19;
	_ =	sdelay $0x1  }
0x17f: {  	v15 =	vmul.f32 v15, v19;
	_ =	sdelay $0x1  }
0x180: {  	v19 =	vmul.f32 v15, v13;
	_ =	sdelay $0x1  }
0x181: {  	v19 =	vmul.f32 v19, v15;
	_ =	sdelay $0x1  }
0x182: {  	v19 =	vsub.f32 $1.500000000e+00, v19;
	_ =	sdelay $0x1  }
0x183: {  	v15 =	vmul.f32 v19, v15;
	_ =	sdelay $0x1  }
0x184: {  	v19 =	vmul.f32 v15, v13;
	_ =	sdelay $0x1  }
0x185: {  	v19 =	vmul.f32 v19, v15  }
0x186: {  	[tilespmem:s16+$0x4100] =	vst v5  }
0x187: {  	[tilespmem:s16+$0x4110] =	vst v7;
	v19 =	vsub.f32 $1.500000000e+00, v19  }
0x188: {  	[tilespmem:s16+$0x4120] =	vst v6  }
0x189: {  	[tilespmem:s16+$0x4130] =	vst v12;
	v15 =	vmul.f32 v19, v15  }
0x18a: {  	[tilespmem:s16+$0x4140] =	vst v14  }
0x18b: {  	[tilespmem:s16+$0x4150] =	vst v16;
	v13 =	vmul.f32 v15, v13  }
0x18c: {  	[tilespmem:s16+$0x4510] =	vst v17  }
0x18d: {  	[tilespmem:s16+$0x4560] =	vst v58;
	v13 =	vmul.f32 v13, v15  }
0x18e: {  	[tilespmem:s16+$0x4160] =	vst v10  }
0x18f: {  	[tilespmem:s16+$0x4500] =	vst v11;
	v13 =	vsub.f32 $1.500000000e+00, v13  }
0x190: {  	[tilespmem:s16+$0x4550] =	vst v23  }
0x191: {  	[tilespmem:s16+$0x4540] =	vst v22;
	v13 =	vmul.f32 v13, v15  }
0x192: {  	[tilespmem:s16+$0x4170] =	vst v8  }
0x193: {  	[tilespmem:s16+$0x4520] =	vst v18;
	v5 =	vmul.f32 v13, v5  }
0x194: {  	[tilespmem:s16+$0x4530] =	vst v20;
	v7 =	vmul.f32 v13, v7  }
0x195: {  	v6 =	vmul.f32 v13, v6;
	[tilespmem:s16+$0x4100] =	vst v5  }
0x196: {  	v5 =	vmul.f32 v13, v12;
	[tilespmem:s16+$0x4110] =	vst v7  }
0x197: {  	v7 =	vmul.f32 v13, v14;
	[tilespmem:s16+$0x4120] =	vst v6  }
0x198: {  	v6 =	vmul.f32 v13, v16;
	[tilespmem:s16+$0x4130] =	vst v5  }
0x199: {  	v5 =	vmul.f32 v13, v10;
	[tilespmem:s16+$0x4140] =	vst v7  }
0x19a: {  	v7 =	vmul.f32 v13, v8;
	[tilespmem:s16+$0x4150] =	vst v6  }
0x19b: {  	v6 =	vmul.f32 v13, v11;
	[tilespmem:s16+$0x4160] =	vst v5  }
0x19c: {  	v5 =	vmul.f32 v13, v17;
	[tilespmem:s16+$0x4170] =	vst v7  }
0x19d: {  	v7 =	vmul.f32 v13, v18;
	[tilespmem:s16+$0x4500] =	vst v6  }
0x19e: {  	v6 =	vmul.f32 v13, v20;
	[tilespmem:s16+$0x4510] =	vst v5  }
0x19f: {  	v5 =	vmul.f32 v13, v22;
	[tilespmem:s16+$0x4520] =	vst v7  }
0x1a0: {  	v7 =	vmul.f32 v13, v23;
	[tilespmem:s16+$0x4530] =	vst v6  }
0x1a1: {  	v6 =	vmul.f32 v13, v58;
	[tilespmem:s16+$0x4540] =	vst v5  }
0x1a2: {  	v5 =	vmul.f32 v13, v9;
	[tilespmem:s16+$0x4550] =	vst v7  }
0x1a3: {  	[tilespmem:s16+$0x4560] =	vst v6  }
0x1a4: {  	[tilespmem:s16+$0x4570] =	vst v5  }
0x1a5: {  	_ =	swait.ge [sflag:s30], $0x20  }
0x1a6: {  	[sflag:s30] =	ssyncset.done $0x0  }
0x1a7: {  	[sflag:s30] =	ssyncadd.s32 $0xFFFFFFE0  }
0x1a8: {  	v5 =	vld [tilespmem:$0x80];
	_ =	sdelay $0x4  }
0x1a9: {  	v6 =	vshll.u32 v5, $0x1  }
0x1aa: {  	v5 =	vand.u32 $0x7, v5;
	v6 =	vand.u32 $0xFFFFFFF0, v6  }
0x1ab: {  	v5 =	vor.u32 v5, v6  }
0x1ac: {  	v6 =	vperm.xlane v5, v0;
	_ =	sdelay $0x1  }
0x1ad: {  	v5 =	vperm.xlane v5, v2;
	v6 =	vadd.s32 v1, v6;
	_ =	sdelay $0x1  }
0x1ae: {  	v5 =	vadd.s32 v1, v5;
	_ =	sdelay $0x1  }
0x1af: {  	s31 =	simm.s32 $0x0  }
0x1b0: {  	[hbm4b:s8+s31] =	stream.indirect_vreg.scatter [tilespmem:s22], [sflag:$0x5], $0x80, v6, vm0, $0xb8;
	[tilespmem:$0xEA80] =	vst v63  }
0x1b1: {  	_ = 	snop  }
0x1b2: {  	[hbm4b:s8+s31] =	stream.indirect_vreg.scatter [tilespmem:s23], [sflag:$0x5], $0x80, v5, vm0, $0xb8;
	[tilespmem:$0xEA80] =	vst v63  }
0x1b3: {  	v5 =	vld [tilespmem:$0x90];
	_ =	sdelay $0x4  }
0x1b4: {  	v6 =	vshll.u32 v5, $0x1  }
0x1b5: {  	v5 =	vand.u32 $0x7, v5;
	v6 =	vand.u32 $0xFFFFFFF0, v6  }
0x1b6: {  	v5 =	vor.u32 v5, v6  }
0x1b7: {  	v6 =	vperm.xlane v5, v0;
	_ =	sdelay $0x1  }
0x1b8: {  	v5 =	vperm.xlane v5, v2;
	v6 =	vadd.s32 v1, v6;
	_ =	sdelay $0x1  }
0x1b9: {  	v5 =	vadd.s32 v1, v5;
	_ =	sdelay $0x2  }
0x1ba: {  	[hbm4b:s8+s31] =	stream.indirect_vreg.scatter [tilespmem:s24], [sflag:$0x5], $0x80, v6, vm0, $0xb8;
	[tilespmem:$0xEA80] =	vst v63  }
.Ltmp3:
0x1bb: {  	_ = 	snop;
	(pc) =	sbr.rel @p1 .LBB2_7-.Ltmp3, $4  }
0x1bc: {  	[hbm4b:s8+s31] =	stream.indirect_vreg.scatter [tilespmem:s25], [sflag:$0x5], $0x80, v5, vm0, $0xb8;
	[tilespmem:$0xEA80] =	vst v63  }
0x1bd: {  	_ =	swait.ge [sflag:s26], $0x2000  }
0x1be: {  	[sflag:s26] =	ssyncset.done $0x0  }
0x1bf: {  	[sflag:s26] =	ssyncadd.s32 $0xFFFFE000  }
0x1c0: {  	s2 =	simm.s32 $0x40;
	s9 =	simm.s32 $0x0  }
.LBB2_5:
0x1c1: {  	p2 =	sne.s32 s2, $0x10000;
	[tilespmem:s9+$0xA200] =	vst v3;
	s9 =	smov.u32 s2;
	s2 =	sadd.s32 $0x40, s2  }
.Ltmp4:
0x1c2: {  	(pc) =	sbr.rel @p2 .LBB2_5-.Ltmp4, $2  }
0x1c3: {  	_ =	sdelay $0x2  }
0x1c4: {  	s9 =	sshra.s32 s9, $0x2  }
0x1c5: {  	[tilespmem:s9+$0xA200] =	vst v3;
	s2 =	simm.s32 $0xE280  }
0x1c6: {  	[tilespmem:s2], [sflag:$0x6] =	stream.linear.gather [hbm4b:s7+s4], $0x400, $0x38;
	[tilespmem:$0xEA80] =	vst v63  }
0x1c7: {  	_ =	swait.ge [sflag:s20], $0x400  }
0x1c8: {  	[sflag:s20] =	ssyncset.done $0x0  }
0x1c9: {  	[sflag:s20] =	ssyncadd.s32 $0xFFFFFC00  }
0x1ca: {  	v5 =	vld [tilespmem:$0xE280];
	_ =	sdelay $0x7  }
0x1cb: {  	[tilespmem:v5+s1+$0x0] =	vst.idx.msk $0xffff, v4  }
0x1cc: {  	v5 =	vld [tilespmem:$0xE290];
	_ =	sdelay $0x7  }
0x1cd: {  	[tilespmem:v5+s1+$0x0] =	vst.idx.msk $0xffff, v4  }
0x1ce: {  	v5 =	vld [tilespmem:$0xE2A0];
	_ =	sdelay $0x7  }
0x1cf: {  	[tilespmem:v5+s1+$0x0] =	vst.idx.msk $0xffff, v4  }
0x1d0: {  	v5 =	vld [tilespmem:$0xE2B0];
	_ =	sdelay $0x7  }
0x1d1: {  	[tilespmem:v5+s1+$0x0] =	vst.idx.msk $0xffff, v4  }
0x1d2: {  	v5 =	vld [tilespmem:$0xE2C0];
	_ =	sdelay $0x7  }
0x1d3: {  	[tilespmem:v5+s1+$0x0] =	vst.idx.msk $0xffff, v4  }
0x1d4: {  	v5 =	vld [tilespmem:$0xE2D0];
	_ =	sdelay $0x7  }
0x1d5: {  	[tilespmem:v5+s1+$0x0] =	vst.idx.msk $0xffff, v4  }
0x1d6: {  	v5 =	vld [tilespmem:$0xE2E0];
	_ =	sdelay $0x7  }
0x1d7: {  	[tilespmem:v5+s1+$0x0] =	vst.idx.msk $0xffff, v4  }
0x1d8: {  	v5 =	vld [tilespmem:$0xE2F0];
	_ =	sdelay $0x7  }
0x1d9: {  	[tilespmem:v5+s1+$0x0] =	vst.idx.msk $0xffff, v4  }
0x1da: {  	v5 =	vld [tilespmem:$0xE300];
	_ =	sdelay $0x7  }
0x1db: {  	[tilespmem:v5+s1+$0x0] =	vst.idx.msk $0xffff, v4  }
0x1dc: {  	v5 =	vld [tilespmem:$0xE310];
	_ =	sdelay $0x7  }
0x1dd: {  	[tilespmem:v5+s1+$0x0] =	vst.idx.msk $0xffff, v4  }
0x1de: {  	v5 =	vld [tilespmem:$0xE320];
	_ =	sdelay $0x7  }
0x1df: {  	[tilespmem:v5+s1+$0x0] =	vst.idx.msk $0xffff, v4  }
0x1e0: {  	v5 =	vld [tilespmem:$0xE330];
	_ =	sdelay $0x7  }
0x1e1: {  	[tilespmem:v5+s1+$0x0] =	vst.idx.msk $0xffff, v4  }
0x1e2: {  	v5 =	vld [tilespmem:$0xE340];
	_ =	sdelay $0x7  }
0x1e3: {  	[tilespmem:v5+s1+$0x0] =	vst.idx.msk $0xffff, v4  }
0x1e4: {  	v5 =	vld [tilespmem:$0xE350];
	_ =	sdelay $0x7  }
0x1e5: {  	[tilespmem:v5+s1+$0x0] =	vst.idx.msk $0xffff, v4  }
0x1e6: {  	v5 =	vld [tilespmem:$0xE360];
	_ =	sdelay $0x7  }
0x1e7: {  	[tilespmem:v5+s1+$0x0] =	vst.idx.msk $0xffff, v4  }
0x1e8: {  	v5 =	vld [tilespmem:$0xE370];
	_ =	sdelay $0x7  }
0x1e9: {  	[tilespmem:v5+s1+$0x0] =	vst.idx.msk $0xffff, v4  }
0x1ea: {  	v5 =	vld [tilespmem:$0xE380];
	_ =	sdelay $0x7  }
0x1eb: {  	[tilespmem:v5+s1+$0x0] =	vst.idx.msk $0xffff, v4  }
0x1ec: {  	v5 =	vld [tilespmem:$0xE390];
	_ =	sdelay $0x7  }
0x1ed: {  	[tilespmem:v5+s1+$0x0] =	vst.idx.msk $0xffff, v4  }
0x1ee: {  	v5 =	vld [tilespmem:$0xE3A0];
	_ =	sdelay $0x7  }
0x1ef: {  	[tilespmem:v5+s1+$0x0] =	vst.idx.msk $0xffff, v4  }
0x1f0: {  	v5 =	vld [tilespmem:$0xE3B0];
	_ =	sdelay $0x7  }
0x1f1: {  	[tilespmem:v5+s1+$0x0] =	vst.idx.msk $0xffff, v4  }
0x1f2: {  	v5 =	vld [tilespmem:$0xE3C0];
	_ =	sdelay $0x7  }
0x1f3: {  	[tilespmem:v5+s1+$0x0] =	vst.idx.msk $0xffff, v4  }
0x1f4: {  	v5 =	vld [tilespmem:$0xE3D0];
	_ =	sdelay $0x7  }
0x1f5: {  	[tilespmem:v5+s1+$0x0] =	vst.idx.msk $0xffff, v4  }
0x1f6: {  	v5 =	vld [tilespmem:$0xE3E0];
	_ =	sdelay $0x7  }
0x1f7: {  	[tilespmem:v5+s1+$0x0] =	vst.idx.msk $0xffff, v4  }
0x1f8: {  	v5 =	vld [tilespmem:$0xE3F0];
	_ =	sdelay $0x7  }
0x1f9: {  	[tilespmem:v5+s1+$0x0] =	vst.idx.msk $0xffff, v4  }
0x1fa: {  	v5 =	vld [tilespmem:$0xE400];
	_ =	sdelay $0x7  }
0x1fb: {  	[tilespmem:v5+s1+$0x0] =	vst.idx.msk $0xffff, v4  }
0x1fc: {  	v5 =	vld [tilespmem:$0xE410];
	_ =	sdelay $0x7  }
0x1fd: {  	[tilespmem:v5+s1+$0x0] =	vst.idx.msk $0xffff, v4  }
0x1fe: {  	v5 =	vld [tilespmem:$0xE420];
	_ =	sdelay $0x7  }
0x1ff: {  	[tilespmem:v5+s1+$0x0] =	vst.idx.msk $0xffff, v4  }
0x200: {  	v5 =	vld [tilespmem:$0xE430];
	_ =	sdelay $0x7  }
0x201: {  	[tilespmem:v5+s1+$0x0] =	vst.idx.msk $0xffff, v4  }
0x202: {  	v5 =	vld [tilespmem:$0xE440];
	_ =	sdelay $0x7  }
0x203: {  	[tilespmem:v5+s1+$0x0] =	vst.idx.msk $0xffff, v4  }
0x204: {  	v5 =	vld [tilespmem:$0xE450];
	_ =	sdelay $0x7  }
0x205: {  	[tilespmem:v5+s1+$0x0] =	vst.idx.msk $0xffff, v4  }
0x206: {  	v5 =	vld [tilespmem:$0xE460];
	_ =	sdelay $0x7  }
0x207: {  	[tilespmem:v5+s1+$0x0] =	vst.idx.msk $0xffff, v4  }
0x208: {  	v5 =	vld [tilespmem:$0xE470];
	_ =	sdelay $0x7  }
0x209: {  	[tilespmem:v5+s1+$0x0] =	vst.idx.msk $0xffff, v4  }
0x20a: {  	v5 =	vld [tilespmem:$0xE480];
	_ =	sdelay $0x7  }
0x20b: {  	[tilespmem:v5+s1+$0x0] =	vst.idx.msk $0xffff, v4  }
0x20c: {  	v5 =	vld [tilespmem:$0xE490];
	_ =	sdelay $0x7  }
0x20d: {  	[tilespmem:v5+s1+$0x0] =	vst.idx.msk $0xffff, v4  }
0x20e: {  	v5 =	vld [tilespmem:$0xE4A0];
	_ =	sdelay $0x7  }
0x20f: {  	[tilespmem:v5+s1+$0x0] =	vst.idx.msk $0xffff, v4  }
0x210: {  	v5 =	vld [tilespmem:$0xE4B0];
	_ =	sdelay $0x7  }
0x211: {  	[tilespmem:v5+s1+$0x0] =	vst.idx.msk $0xffff, v4  }
0x212: {  	v5 =	vld [tilespmem:$0xE4C0];
	_ =	sdelay $0x7  }
0x213: {  	[tilespmem:v5+s1+$0x0] =	vst.idx.msk $0xffff, v4  }
0x214: {  	v5 =	vld [tilespmem:$0xE4D0];
	_ =	sdelay $0x7  }
0x215: {  	[tilespmem:v5+s1+$0x0] =	vst.idx.msk $0xffff, v4  }
0x216: {  	v5 =	vld [tilespmem:$0xE4E0];
	_ =	sdelay $0x7  }
0x217: {  	[tilespmem:v5+s1+$0x0] =	vst.idx.msk $0xffff, v4  }
0x218: {  	v5 =	vld [tilespmem:$0xE4F0];
	_ =	sdelay $0x7  }
0x219: {  	[tilespmem:v5+s1+$0x0] =	vst.idx.msk $0xffff, v4  }
0x21a: {  	v5 =	vld [tilespmem:$0xE500];
	_ =	sdelay $0x7  }
0x21b: {  	[tilespmem:v5+s1+$0x0] =	vst.idx.msk $0xffff, v4  }
0x21c: {  	v5 =	vld [tilespmem:$0xE510];
	_ =	sdelay $0x7  }
0x21d: {  	[tilespmem:v5+s1+$0x0] =	vst.idx.msk $0xffff, v4  }
0x21e: {  	v5 =	vld [tilespmem:$0xE520];
	_ =	sdelay $0x7  }
0x21f: {  	[tilespmem:v5+s1+$0x0] =	vst.idx.msk $0xffff, v4  }
0x220: {  	v5 =	vld [tilespmem:$0xE530];
	_ =	sdelay $0x7  }
0x221: {  	[tilespmem:v5+s1+$0x0] =	vst.idx.msk $0xffff, v4  }
0x222: {  	v5 =	vld [tilespmem:$0xE540];
	_ =	sdelay $0x7  }
0x223: {  	[tilespmem:v5+s1+$0x0] =	vst.idx.msk $0xffff, v4  }
0x224: {  	v5 =	vld [tilespmem:$0xE550];
	_ =	sdelay $0x7  }
0x225: {  	[tilespmem:v5+s1+$0x0] =	vst.idx.msk $0xffff, v4  }
0x226: {  	v5 =	vld [tilespmem:$0xE560];
	_ =	sdelay $0x7  }
0x227: {  	[tilespmem:v5+s1+$0x0] =	vst.idx.msk $0xffff, v4  }
0x228: {  	v5 =	vld [tilespmem:$0xE570];
	_ =	sdelay $0x7  }
0x229: {  	[tilespmem:v5+s1+$0x0] =	vst.idx.msk $0xffff, v4  }
0x22a: {  	v5 =	vld [tilespmem:$0xE580];
	_ =	sdelay $0x7  }
0x22b: {  	[tilespmem:v5+s1+$0x0] =	vst.idx.msk $0xffff, v4  }
0x22c: {  	v5 =	vld [tilespmem:$0xE590];
	_ =	sdelay $0x7  }
0x22d: {  	[tilespmem:v5+s1+$0x0] =	vst.idx.msk $0xffff, v4  }
0x22e: {  	v5 =	vld [tilespmem:$0xE5A0];
	_ =	sdelay $0x7  }
0x22f: {  	[tilespmem:v5+s1+$0x0] =	vst.idx.msk $0xffff, v4  }
0x230: {  	v5 =	vld [tilespmem:$0xE5B0];
	_ =	sdelay $0x7  }
0x231: {  	[tilespmem:v5+s1+$0x0] =	vst.idx.msk $0xffff, v4  }
0x232: {  	v5 =	vld [tilespmem:$0xE5C0];
	_ =	sdelay $0x7  }
0x233: {  	[tilespmem:v5+s1+$0x0] =	vst.idx.msk $0xffff, v4  }
0x234: {  	v5 =	vld [tilespmem:$0xE5D0];
	_ =	sdelay $0x7  }
0x235: {  	[tilespmem:v5+s1+$0x0] =	vst.idx.msk $0xffff, v4  }
0x236: {  	v5 =	vld [tilespmem:$0xE5E0];
	_ =	sdelay $0x7  }
0x237: {  	[tilespmem:v5+s1+$0x0] =	vst.idx.msk $0xffff, v4  }
0x238: {  	v5 =	vld [tilespmem:$0xE5F0];
	_ =	sdelay $0x7  }
0x239: {  	[tilespmem:v5+s1+$0x0] =	vst.idx.msk $0xffff, v4  }
0x23a: {  	v5 =	vld [tilespmem:$0xE600];
	_ =	sdelay $0x7  }
0x23b: {  	[tilespmem:v5+s1+$0x0] =	vst.idx.msk $0xffff, v4  }
0x23c: {  	v5 =	vld [tilespmem:$0xE610];
	_ =	sdelay $0x7  }
0x23d: {  	[tilespmem:v5+s1+$0x0] =	vst.idx.msk $0xffff, v4  }
0x23e: {  	v5 =	vld [tilespmem:$0xE620];
	_ =	sdelay $0x7  }
0x23f: {  	[tilespmem:v5+s1+$0x0] =	vst.idx.msk $0xffff, v4  }
0x240: {  	v5 =	vld [tilespmem:$0xE630];
	_ =	sdelay $0x7  }
0x241: {  	[tilespmem:v5+s1+$0x0] =	vst.idx.msk $0xffff, v4  }
0x242: {  	v5 =	vld [tilespmem:$0xE640];
	_ =	sdelay $0x7  }
0x243: {  	[tilespmem:v5+s1+$0x0] =	vst.idx.msk $0xffff, v4  }
0x244: {  	v5 =	vld [tilespmem:$0xE650];
	_ =	sdelay $0x7  }
0x245: {  	[tilespmem:v5+s1+$0x0] =	vst.idx.msk $0xffff, v4  }
0x246: {  	v5 =	vld [tilespmem:$0xE660];
	_ =	sdelay $0x7  }
0x247: {  	[tilespmem:v5+s1+$0x0] =	vst.idx.msk $0xffff, v4  }
0x248: {  	v5 =	vld [tilespmem:$0xE670];
	_ =	sdelay $0x7  }
0x249: {  	s31 =	rddreg [dreg:$0x8];
	[tilespmem:v5+s1+$0x0] =	vst.idx.msk $0xffff, v4  }
0x24a: {  	[hbm4b:s31+s4] =	stream.linear.scatter [tilespmem:s1], [sflag:$0x6], $0x4000, $0x38;
	[tilespmem:$0xEA80] =	vst v63  }
0x24b: {  	_ =	swait.ge [sflag:s20], $0x4000  }
0x24c: {  	[sflag:s20] =	ssyncset.done $0x0  }
0x24d: {  	[sflag:s20] =	ssyncadd.s32 $0xFFFFC000  }
.LBB2_7:
.Ltmp5:
0x24e: {  	(pc) =	sbr.rel @!p0 .LBB2_9-.Ltmp5, $1  }
0x24f: {  	_ =	sdelay $0x3  }
0x250: {  	s2 =	rddreg [dreg:$0x4]  }
0x251: {  	[tilespmem:s5], [sflag:$0x6] =	stream.linear.gather [hbm4b:s2+s4], $0x4000, $0x38;
	[tilespmem:$0xEA80] =	vst v63  }
0x252: {  	_ =	swait.ge [sflag:s20], $0x4000  }
0x253: {  	[sflag:s20] =	ssyncset.done $0x0  }
0x254: {  	s17 =	simm.s32 $0xE280;
	[sflag:s20] =	ssyncadd.s32 $0xFFFFC000  }
0x255: {  	[tilespmem:s17], [sflag:$0x6] =	stream.linear.gather [hbm4b:s7+s4], $0x400, $0x38;
	[tilespmem:$0xEA80] =	vst v63  }
0x256: {  	_ =	swait.ge [sflag:s20], $0x400  }
0x257: {  	[sflag:s20] =	ssyncset.done $0x0  }
0x258: {  	[sflag:s20] =	ssyncadd.s32 $0xFFFFFC00  }
0x259: {  	s9 =	simm.s32 $0xE680;
	s31 =	rddreg [dreg:$0x5]  }
0x25a: {  	[tilespmem:s9], [sflag:$0x6] =	stream.linear.gather [hbm4b:s31+s4], $0x400, $0x38;
	[tilespmem:$0xEA80] =	vst v63  }
0x25b: {  	_ =	swait.ge [sflag:s20], $0x400  }
0x25c: {  	[sflag:s20] =	ssyncset.done $0x0  }
0x25d: {  	[sflag:s20] =	ssyncadd.s32 $0xFFFFFC00  }
0x25e: {  	v5 =	vld [tilespmem:$0xE280];
	_ =	sdelay $0x2  }
0x25f: {  	v6 =	vld [tilespmem:$0xE680];
	_ =	sdelay $0x4  }
0x260: {  	[tilespmem:v5+s5+$0x0] =	vst.idx.msk $0xffff, v6  }
0x261: {  	v5 =	vld [tilespmem:$0xE290];
	_ =	sdelay $0x2  }
0x262: {  	v6 =	vld [tilespmem:$0xE690];
	_ =	sdelay $0x4  }
0x263: {  	[tilespmem:v5+s5+$0x0] =	vst.idx.msk $0xffff, v6  }
0x264: {  	v5 =	vld [tilespmem:$0xE2A0];
	_ =	sdelay $0x2  }
0x265: {  	v6 =	vld [tilespmem:$0xE6A0];
	_ =	sdelay $0x4  }
0x266: {  	[tilespmem:v5+s5+$0x0] =	vst.idx.msk $0xffff, v6  }
0x267: {  	v5 =	vld [tilespmem:$0xE2B0];
	_ =	sdelay $0x2  }
0x268: {  	v6 =	vld [tilespmem:$0xE6B0];
	_ =	sdelay $0x4  }
0x269: {  	[tilespmem:v5+s5+$0x0] =	vst.idx.msk $0xffff, v6  }
0x26a: {  	v5 =	vld [tilespmem:$0xE2C0];
	_ =	sdelay $0x2  }
0x26b: {  	v6 =	vld [tilespmem:$0xE6C0];
	_ =	sdelay $0x4  }
0x26c: {  	[tilespmem:v5+s5+$0x0] =	vst.idx.msk $0xffff, v6  }
0x26d: {  	v5 =	vld [tilespmem:$0xE2D0];
	_ =	sdelay $0x2  }
0x26e: {  	v6 =	vld [tilespmem:$0xE6D0];
	_ =	sdelay $0x4  }
0x26f: {  	[tilespmem:v5+s5+$0x0] =	vst.idx.msk $0xffff, v6  }
0x270: {  	v5 =	vld [tilespmem:$0xE2E0];
	_ =	sdelay $0x2  }
0x271: {  	v6 =	vld [tilespmem:$0xE6E0];
	_ =	sdelay $0x4  }
0x272: {  	[tilespmem:v5+s5+$0x0] =	vst.idx.msk $0xffff, v6  }
0x273: {  	v5 =	vld [tilespmem:$0xE2F0];
	_ =	sdelay $0x2  }
0x274: {  	v6 =	vld [tilespmem:$0xE6F0];
	_ =	sdelay $0x4  }
0x275: {  	[tilespmem:v5+s5+$0x0] =	vst.idx.msk $0xffff, v6  }
0x276: {  	v5 =	vld [tilespmem:$0xE300];
	_ =	sdelay $0x2  }
0x277: {  	v6 =	vld [tilespmem:$0xE700];
	_ =	sdelay $0x4  }
0x278: {  	[tilespmem:v5+s5+$0x0] =	vst.idx.msk $0xffff, v6  }
0x279: {  	v5 =	vld [tilespmem:$0xE310];
	_ =	sdelay $0x2  }
0x27a: {  	v6 =	vld [tilespmem:$0xE710];
	_ =	sdelay $0x4  }
0x27b: {  	[tilespmem:v5+s5+$0x0] =	vst.idx.msk $0xffff, v6  }
0x27c: {  	v5 =	vld [tilespmem:$0xE320];
	_ =	sdelay $0x2  }
0x27d: {  	v6 =	vld [tilespmem:$0xE720];
	_ =	sdelay $0x4  }
0x27e: {  	[tilespmem:v5+s5+$0x0] =	vst.idx.msk $0xffff, v6  }
0x27f: {  	v5 =	vld [tilespmem:$0xE330];
	_ =	sdelay $0x2  }
0x280: {  	v6 =	vld [tilespmem:$0xE730];
	_ =	sdelay $0x4  }
0x281: {  	[tilespmem:v5+s5+$0x0] =	vst.idx.msk $0xffff, v6  }
0x282: {  	v5 =	vld [tilespmem:$0xE340];
	_ =	sdelay $0x2  }
0x283: {  	v6 =	vld [tilespmem:$0xE740];
	_ =	sdelay $0x4  }
0x284: {  	[tilespmem:v5+s5+$0x0] =	vst.idx.msk $0xffff, v6  }
0x285: {  	v5 =	vld [tilespmem:$0xE350];
	_ =	sdelay $0x2  }
0x286: {  	v6 =	vld [tilespmem:$0xE750];
	_ =	sdelay $0x4  }
0x287: {  	[tilespmem:v5+s5+$0x0] =	vst.idx.msk $0xffff, v6  }
0x288: {  	v5 =	vld [tilespmem:$0xE360];
	_ =	sdelay $0x2  }
0x289: {  	v6 =	vld [tilespmem:$0xE760];
	_ =	sdelay $0x4  }
0x28a: {  	[tilespmem:v5+s5+$0x0] =	vst.idx.msk $0xffff, v6  }
0x28b: {  	v5 =	vld [tilespmem:$0xE370];
	_ =	sdelay $0x2  }
0x28c: {  	v6 =	vld [tilespmem:$0xE770];
	_ =	sdelay $0x4  }
0x28d: {  	[tilespmem:v5+s5+$0x0] =	vst.idx.msk $0xffff, v6  }
0x28e: {  	v5 =	vld [tilespmem:$0xE380];
	_ =	sdelay $0x2  }
0x28f: {  	v6 =	vld [tilespmem:$0xE780];
	_ =	sdelay $0x4  }
0x290: {  	[tilespmem:v5+s5+$0x0] =	vst.idx.msk $0xffff, v6  }
0x291: {  	v5 =	vld [tilespmem:$0xE390];
	_ =	sdelay $0x2  }
0x292: {  	v6 =	vld [tilespmem:$0xE790];
	_ =	sdelay $0x4  }
0x293: {  	[tilespmem:v5+s5+$0x0] =	vst.idx.msk $0xffff, v6  }
0x294: {  	v5 =	vld [tilespmem:$0xE3A0];
	_ =	sdelay $0x2  }
0x295: {  	v6 =	vld [tilespmem:$0xE7A0];
	_ =	sdelay $0x4  }
0x296: {  	[tilespmem:v5+s5+$0x0] =	vst.idx.msk $0xffff, v6  }
0x297: {  	v5 =	vld [tilespmem:$0xE3B0];
	_ =	sdelay $0x2  }
0x298: {  	v6 =	vld [tilespmem:$0xE7B0];
	_ =	sdelay $0x4  }
0x299: {  	[tilespmem:v5+s5+$0x0] =	vst.idx.msk $0xffff, v6  }
0x29a: {  	v5 =	vld [tilespmem:$0xE3C0];
	_ =	sdelay $0x2  }
0x29b: {  	v6 =	vld [tilespmem:$0xE7C0];
	_ =	sdelay $0x4  }
0x29c: {  	[tilespmem:v5+s5+$0x0] =	vst.idx.msk $0xffff, v6  }
0x29d: {  	v5 =	vld [tilespmem:$0xE3D0];
	_ =	sdelay $0x2  }
0x29e: {  	v6 =	vld [tilespmem:$0xE7D0];
	_ =	sdelay $0x4  }
0x29f: {  	[tilespmem:v5+s5+$0x0] =	vst.idx.msk $0xffff, v6  }
0x2a0: {  	v5 =	vld [tilespmem:$0xE3E0];
	_ =	sdelay $0x2  }
0x2a1: {  	v6 =	vld [tilespmem:$0xE7E0];
	_ =	sdelay $0x4  }
0x2a2: {  	[tilespmem:v5+s5+$0x0] =	vst.idx.msk $0xffff, v6  }
0x2a3: {  	v5 =	vld [tilespmem:$0xE3F0];
	_ =	sdelay $0x2  }
0x2a4: {  	v6 =	vld [tilespmem:$0xE7F0];
	_ =	sdelay $0x4  }
0x2a5: {  	[tilespmem:v5+s5+$0x0] =	vst.idx.msk $0xffff, v6  }
0x2a6: {  	v5 =	vld [tilespmem:$0xE400];
	_ =	sdelay $0x2  }
0x2a7: {  	v6 =	vld [tilespmem:$0xE800];
	_ =	sdelay $0x4  }
0x2a8: {  	[tilespmem:v5+s5+$0x0] =	vst.idx.msk $0xffff, v6  }
0x2a9: {  	v5 =	vld [tilespmem:$0xE410];
	_ =	sdelay $0x2  }
0x2aa: {  	v6 =	vld [tilespmem:$0xE810];
	_ =	sdelay $0x4  }
0x2ab: {  	[tilespmem:v5+s5+$0x0] =	vst.idx.msk $0xffff, v6  }
0x2ac: {  	v5 =	vld [tilespmem:$0xE420];
	_ =	sdelay $0x2  }
0x2ad: {  	v6 =	vld [tilespmem:$0xE820];
	_ =	sdelay $0x4  }
0x2ae: {  	[tilespmem:v5+s5+$0x0] =	vst.idx.msk $0xffff, v6  }
0x2af: {  	v5 =	vld [tilespmem:$0xE430];
	_ =	sdelay $0x2  }
0x2b0: {  	v6 =	vld [tilespmem:$0xE830];
	_ =	sdelay $0x4  }
0x2b1: {  	[tilespmem:v5+s5+$0x0] =	vst.idx.msk $0xffff, v6  }
0x2b2: {  	v5 =	vld [tilespmem:$0xE440];
	_ =	sdelay $0x2  }
0x2b3: {  	v6 =	vld [tilespmem:$0xE840];
	_ =	sdelay $0x4  }
0x2b4: {  	[tilespmem:v5+s5+$0x0] =	vst.idx.msk $0xffff, v6  }
0x2b5: {  	v5 =	vld [tilespmem:$0xE450];
	_ =	sdelay $0x2  }
0x2b6: {  	v6 =	vld [tilespmem:$0xE850];
	_ =	sdelay $0x4  }
0x2b7: {  	[tilespmem:v5+s5+$0x0] =	vst.idx.msk $0xffff, v6  }
0x2b8: {  	v5 =	vld [tilespmem:$0xE460];
	_ =	sdelay $0x2  }
0x2b9: {  	v6 =	vld [tilespmem:$0xE860];
	_ =	sdelay $0x4  }
0x2ba: {  	[tilespmem:v5+s5+$0x0] =	vst.idx.msk $0xffff, v6  }
0x2bb: {  	v5 =	vld [tilespmem:$0xE470];
	_ =	sdelay $0x2  }
0x2bc: {  	v6 =	vld [tilespmem:$0xE870];
	_ =	sdelay $0x4  }
0x2bd: {  	[tilespmem:v5+s5+$0x0] =	vst.idx.msk $0xffff, v6  }
0x2be: {  	v5 =	vld [tilespmem:$0xE480];
	_ =	sdelay $0x2  }
0x2bf: {  	v6 =	vld [tilespmem:$0xE880];
	_ =	sdelay $0x4  }
0x2c0: {  	[tilespmem:v5+s5+$0x0] =	vst.idx.msk $0xffff, v6  }
0x2c1: {  	v5 =	vld [tilespmem:$0xE490];
	_ =	sdelay $0x2  }
0x2c2: {  	v6 =	vld [tilespmem:$0xE890];
	_ =	sdelay $0x4  }
0x2c3: {  	[tilespmem:v5+s5+$0x0] =	vst.idx.msk $0xffff, v6  }
0x2c4: {  	v5 =	vld [tilespmem:$0xE4A0];
	_ =	sdelay $0x2  }
0x2c5: {  	v6 =	vld [tilespmem:$0xE8A0];
	_ =	sdelay $0x4  }
0x2c6: {  	[tilespmem:v5+s5+$0x0] =	vst.idx.msk $0xffff, v6  }
0x2c7: {  	v5 =	vld [tilespmem:$0xE4B0];
	_ =	sdelay $0x2  }
0x2c8: {  	v6 =	vld [tilespmem:$0xE8B0];
	_ =	sdelay $0x4  }
0x2c9: {  	[tilespmem:v5+s5+$0x0] =	vst.idx.msk $0xffff, v6  }
0x2ca: {  	v5 =	vld [tilespmem:$0xE4C0];
	_ =	sdelay $0x2  }
0x2cb: {  	v6 =	vld [tilespmem:$0xE8C0];
	_ =	sdelay $0x4  }
0x2cc: {  	[tilespmem:v5+s5+$0x0] =	vst.idx.msk $0xffff, v6  }
0x2cd: {  	v5 =	vld [tilespmem:$0xE4D0];
	_ =	sdelay $0x2  }
0x2ce: {  	v6 =	vld [tilespmem:$0xE8D0];
	_ =	sdelay $0x4  }
0x2cf: {  	[tilespmem:v5+s5+$0x0] =	vst.idx.msk $0xffff, v6  }
0x2d0: {  	v5 =	vld [tilespmem:$0xE4E0];
	_ =	sdelay $0x2  }
0x2d1: {  	v6 =	vld [tilespmem:$0xE8E0];
	_ =	sdelay $0x4  }
0x2d2: {  	[tilespmem:v5+s5+$0x0] =	vst.idx.msk $0xffff, v6  }
0x2d3: {  	v5 =	vld [tilespmem:$0xE4F0];
	_ =	sdelay $0x2  }
0x2d4: {  	v6 =	vld [tilespmem:$0xE8F0];
	_ =	sdelay $0x4  }
0x2d5: {  	[tilespmem:v5+s5+$0x0] =	vst.idx.msk $0xffff, v6  }
0x2d6: {  	v5 =	vld [tilespmem:$0xE500];
	_ =	sdelay $0x2  }
0x2d7: {  	v6 =	vld [tilespmem:$0xE900];
	_ =	sdelay $0x4  }
0x2d8: {  	[tilespmem:v5+s5+$0x0] =	vst.idx.msk $0xffff, v6  }
0x2d9: {  	v5 =	vld [tilespmem:$0xE510];
	_ =	sdelay $0x2  }
0x2da: {  	v6 =	vld [tilespmem:$0xE910];
	_ =	sdelay $0x4  }
0x2db: {  	[tilespmem:v5+s5+$0x0] =	vst.idx.msk $0xffff, v6  }
0x2dc: {  	v5 =	vld [tilespmem:$0xE520];
	_ =	sdelay $0x2  }
0x2dd: {  	v6 =	vld [tilespmem:$0xE920];
	_ =	sdelay $0x4  }
0x2de: {  	[tilespmem:v5+s5+$0x0] =	vst.idx.msk $0xffff, v6  }
0x2df: {  	v5 =	vld [tilespmem:$0xE530];
	_ =	sdelay $0x2  }
0x2e0: {  	v6 =	vld [tilespmem:$0xE930];
	_ =	sdelay $0x4  }
0x2e1: {  	[tilespmem:v5+s5+$0x0] =	vst.idx.msk $0xffff, v6  }
0x2e2: {  	v5 =	vld [tilespmem:$0xE540];
	_ =	sdelay $0x2  }
0x2e3: {  	v6 =	vld [tilespmem:$0xE940];
	_ =	sdelay $0x4  }
0x2e4: {  	[tilespmem:v5+s5+$0x0] =	vst.idx.msk $0xffff, v6  }
0x2e5: {  	v5 =	vld [tilespmem:$0xE550];
	_ =	sdelay $0x2  }
0x2e6: {  	v6 =	vld [tilespmem:$0xE950];
	_ =	sdelay $0x4  }
0x2e7: {  	[tilespmem:v5+s5+$0x0] =	vst.idx.msk $0xffff, v6  }
0x2e8: {  	v5 =	vld [tilespmem:$0xE560];
	_ =	sdelay $0x2  }
0x2e9: {  	v6 =	vld [tilespmem:$0xE960];
	_ =	sdelay $0x4  }
0x2ea: {  	[tilespmem:v5+s5+$0x0] =	vst.idx.msk $0xffff, v6  }
0x2eb: {  	v5 =	vld [tilespmem:$0xE570];
	_ =	sdelay $0x2  }
0x2ec: {  	v6 =	vld [tilespmem:$0xE970];
	_ =	sdelay $0x4  }
0x2ed: {  	[tilespmem:v5+s5+$0x0] =	vst.idx.msk $0xffff, v6  }
0x2ee: {  	v5 =	vld [tilespmem:$0xE580];
	_ =	sdelay $0x2  }
0x2ef: {  	v6 =	vld [tilespmem:$0xE980];
	_ =	sdelay $0x4  }
0x2f0: {  	[tilespmem:v5+s5+$0x0] =	vst.idx.msk $0xffff, v6  }
0x2f1: {  	v5 =	vld [tilespmem:$0xE590];
	_ =	sdelay $0x2  }
0x2f2: {  	v6 =	vld [tilespmem:$0xE990];
	_ =	sdelay $0x4  }
0x2f3: {  	[tilespmem:v5+s5+$0x0] =	vst.idx.msk $0xffff, v6  }
0x2f4: {  	v5 =	vld [tilespmem:$0xE5A0];
	_ =	sdelay $0x2  }
0x2f5: {  	v6 =	vld [tilespmem:$0xE9A0];
	_ =	sdelay $0x4  }
0x2f6: {  	[tilespmem:v5+s5+$0x0] =	vst.idx.msk $0xffff, v6  }
0x2f7: {  	v5 =	vld [tilespmem:$0xE5B0];
	_ =	sdelay $0x2  }
0x2f8: {  	v6 =	vld [tilespmem:$0xE9B0];
	_ =	sdelay $0x4  }
0x2f9: {  	[tilespmem:v5+s5+$0x0] =	vst.idx.msk $0xffff, v6  }
0x2fa: {  	v5 =	vld [tilespmem:$0xE5C0];
	_ =	sdelay $0x2  }
0x2fb: {  	v6 =	vld [tilespmem:$0xE9C0];
	_ =	sdelay $0x4  }
0x2fc: {  	[tilespmem:v5+s5+$0x0] =	vst.idx.msk $0xffff, v6  }
0x2fd: {  	v5 =	vld [tilespmem:$0xE5D0];
	_ =	sdelay $0x2  }
0x2fe: {  	v6 =	vld [tilespmem:$0xE9D0];
	_ =	sdelay $0x4  }
0x2ff: {  	[tilespmem:v5+s5+$0x0] =	vst.idx.msk $0xffff, v6  }
0x300: {  	v5 =	vld [tilespmem:$0xE5E0];
	_ =	sdelay $0x2  }
0x301: {  	v6 =	vld [tilespmem:$0xE9E0];
	_ =	sdelay $0x4  }
0x302: {  	[tilespmem:v5+s5+$0x0] =	vst.idx.msk $0xffff, v6  }
0x303: {  	v5 =	vld [tilespmem:$0xE5F0];
	_ =	sdelay $0x2  }
0x304: {  	v6 =	vld [tilespmem:$0xE9F0];
	_ =	sdelay $0x4  }
0x305: {  	[tilespmem:v5+s5+$0x0] =	vst.idx.msk $0xffff, v6  }
0x306: {  	v5 =	vld [tilespmem:$0xE600];
	_ =	sdelay $0x2  }
0x307: {  	v6 =	vld [tilespmem:$0xEA00];
	_ =	sdelay $0x4  }
0x308: {  	[tilespmem:v5+s5+$0x0] =	vst.idx.msk $0xffff, v6  }
0x309: {  	v5 =	vld [tilespmem:$0xE610];
	_ =	sdelay $0x2  }
0x30a: {  	v6 =	vld [tilespmem:$0xEA10];
	_ =	sdelay $0x4  }
0x30b: {  	[tilespmem:v5+s5+$0x0] =	vst.idx.msk $0xffff, v6  }
0x30c: {  	v5 =	vld [tilespmem:$0xE620];
	_ =	sdelay $0x2  }
0x30d: {  	v6 =	vld [tilespmem:$0xEA20];
	_ =	sdelay $0x4  }
0x30e: {  	[tilespmem:v5+s5+$0x0] =	vst.idx.msk $0xffff, v6  }
0x30f: {  	v5 =	vld [tilespmem:$0xE630];
	_ =	sdelay $0x2  }
0x310: {  	v6 =	vld [tilespmem:$0xEA30];
	_ =	sdelay $0x4  }
0x311: {  	[tilespmem:v5+s5+$0x0] =	vst.idx.msk $0xffff, v6  }
0x312: {  	v5 =	vld [tilespmem:$0xE640];
	_ =	sdelay $0x2  }
0x313: {  	v6 =	vld [tilespmem:$0xEA40];
	_ =	sdelay $0x4  }
0x314: {  	[tilespmem:v5+s5+$0x0] =	vst.idx.msk $0xffff, v6  }
0x315: {  	v5 =	vld [tilespmem:$0xE650];
	_ =	sdelay $0x2  }
0x316: {  	v6 =	vld [tilespmem:$0xEA50];
	_ =	sdelay $0x4  }
0x317: {  	[tilespmem:v5+s5+$0x0] =	vst.idx.msk $0xffff, v6  }
0x318: {  	v5 =	vld [tilespmem:$0xE660];
	_ =	sdelay $0x2  }
0x319: {  	v6 =	vld [tilespmem:$0xEA60];
	_ =	sdelay $0x4  }
0x31a: {  	[tilespmem:v5+s5+$0x0] =	vst.idx.msk $0xffff, v6  }
0x31b: {  	v5 =	vld [tilespmem:$0xE670];
	_ =	sdelay $0x2  }
0x31c: {  	v6 =	vld [tilespmem:$0xEA70];
	_ =	sdelay $0x4  }
.Ltmp6:
0x31d: {  	[tilespmem:v5+s5+$0x0] =	vst.idx.msk $0xffff, v6;
	(pc) =	sbr.rel .LBB2_9-.Ltmp6, $4  }
0x31e: {  	[hbm4b:s10+s4] =	stream.linear.scatter [tilespmem:s5], [sflag:$0x6], $0x4000, $0x38;
	[tilespmem:$0xEA80] =	vst v63  }
0x31f: {  	_ =	swait.ge [sflag:s20], $0x4000  }
0x320: {  	[sflag:s20] =	ssyncset.done $0x0  }
0x321: {  	[sflag:s20] =	ssyncadd.s32 $0xFFFFC000  }
.LBB2_10:
0x322: {  	_ =	sfence.sel $0x180000  }
0x323: {  	[bflag:$0x0] =	sbarrier.arrive $0xFFFF  }
0x324: {  	_ =	strace $0x90000047  }
0x325: {  	s0 =	stileid.u32;
	[bflag:$0x2] =	sbarrier.arrive $0xFFFF  }
0x326: {  	p0 =	sne.s32 s0, $0x0;
	s0 =	rddreg [dreg:$0x7]  }
0x327: {  	s0 =	sadd.s32 @!p0 $0x100000, s0  }
0x328: {  	[sflag:s0] =	ssyncadd.tile.s32 @!p0 $0x1;
	_ =	shalt  }
.Lfunc_end2:
_tile_overlayer_lowered:
.L_overlay_start_2:
0x329: {  	(tag) =	ssettag $0x2  }
0x32a: {  	s0 =	rddreg [dreg:$0x0];
	s2 =	stileid.u32  }
0x32b: {  	s1 =	rddreg [dreg:$0x1];
	p0 =	sne.s32 s2, $0x0  }
0x32c: {  	s3 =	rddreg [dreg:$0x2];
	[bflag:$0x3] =	sbarrier.arrive $0xFFFF;
	s2 =	simm.s32 @!p0 $0x1C06  }
0x32d: {  	[timem:s3], [sflag:s2] =	dma.local @!p0 [hbm:s0], s1  }
0x32e: {  	s0 =	simm.s32 @!p0 $0x6  }
0x32f: {  	_ =	swait.ge @!p0 [sflag:s0], s1  }
0x330: {  	s1 =	ssub.s32 @!p0 $0x0, s1;
	[sflag:s0] =	ssyncset.done @!p0 $0x0  }
0x331: {  	[sflag:s0] =	ssyncadd.s32 @!p0 s1  }
0x332: {  	[bflag:$0x3] =	sbarrier.arrive $0xFFFF  }
0x333: {  	_ =	shalt  }

</sc_bundles>
